<compile_context>
chip_gen: v7x
topology: tpu7x:2x2x1
jax: 0.10.2.dev20260603
libtpu: 0.0.44.dev20260713+nightly
codegen_flags: <defaults>
</compile_context>

<pallas_src>
import jax
import jax.numpy as jnp
from jax import lax
from jax.experimental import pallas as pl
from jax.experimental.pallas import tpu as pltpu
from jax.experimental.pallas import tpu_sc as plsc

BS, C, NY, NX = 8, 192, 64, 64
NC, NA = 80, 1
K = 8192
NPIX = BS * NY * NX
BLK = 4096
STEM_ROWS = NPIX + BLK

NWORK = 32
SPLIT = 2
KH = K // SPLIT
BPW = KH // NWORK
GCH = 128
NCH = BPW // GCH

KB = 1024
OUT_W = 4 + 1 + NC
CP = 256
CH = 128



def _stem_body(x_ref, w_ref, b_ref, o_ref):
    i = pl.program_id(0)
    last = pl.num_programs(0) - 1

    @pl.when(i == last)
    def _():
        o_ref[...] = jnp.zeros_like(o_ref)

    @pl.when(i < last)
    def _():
        acc = lax.dot_general(x_ref[...], w_ref[...], (((1,), (0,)), ((), ())),
                              preferred_element_type=jnp.float32)
        acc = acc + b_ref[...]
        act = acc * jax.nn.sigmoid(acc)
        lo = lax.bitcast_convert_type(
            act[:, :CH].astype(jnp.bfloat16), jnp.uint16).astype(jnp.uint32)
        hi = lax.bitcast_convert_type(
            act[:, CH:].astype(jnp.bfloat16), jnp.uint16).astype(jnp.uint32)
        pk = lax.bitcast_convert_type((hi << 16) | lo, jnp.int32)
        zrow = jnp.zeros((1, CH), jnp.int32)
        pm1 = jnp.concatenate([zrow, pk[:BLK - 1, :]], axis=0)
        pp1 = jnp.concatenate([pk[1:, :], zrow], axis=0)
        xloc = lax.broadcasted_iota(jnp.int32, (BLK, CH), 0) % NX
        zero = jnp.zeros((BLK, CH), jnp.int32)
        o_ref[:, 0:CH] = jnp.where(xloc != 0, pm1, zero)
        o_ref[:, CH:2 * CH] = pk
        o_ref[:, 2 * CH:] = jnp.where(xloc != NX - 1, pp1, zero)


def _stem(xt, stem_wt, stem_b2):
    nblk = STEM_ROWS // BLK
    cap = NPIX // BLK - 1
    return pl.pallas_call(
        _stem_body,
        grid=(nblk,),
        in_specs=[
            pl.BlockSpec((BLK, C), lambda i: (jnp.minimum(i, cap), 0)),
            pl.BlockSpec((C, CP), lambda i: (0, 0)),
            pl.BlockSpec((1, CP), lambda i: (0, 0)),
        ],
        out_specs=pl.BlockSpec((BLK, 3 * CH), lambda i: (i, 0)),
        out_shape=jax.ShapeDtypeStruct((STEM_ROWS, 3 * CH), jnp.int32),
    )(xt, stem_wt, stem_b2)



DEPTH = 2


def _gather_body(stem_hbm, bi_hbm, yi_hbm, xi_hbm, g_hbm, *refs):
    (bv, yv, xv), taps = refs[0:3], refs[3:6]
    bufs = refs[6:6 + DEPTH]
    gsem = refs[6 + DEPTH:6 + 2 * DEPTH]
    wsem = refs[6 + 2 * DEPTH:6 + 3 * DEPTH]
    wid = lax.axis_index("s") * 2 + lax.axis_index("c")
    base = wid * BPW
    pltpu.sync_copy(bi_hbm.at[pl.ds(base, BPW)], bv)
    pltpu.sync_copy(yi_hbm.at[pl.ds(base, BPW)], yv)
    pltpu.sync_copy(xi_hbm.at[pl.ds(base, BPW)], xv)

    for j in range(BPW // 16):
        sl = pl.ds(j * 16, 16)
        b = bv[sl]
        y = yv[sl]
        x = xv[sl]
        flat = (b * NY + y) * NX + x
        taps[0][sl] = jnp.where(y >= 1, flat - NX, NPIX)
        taps[1][sl] = flat
        taps[2][sl] = jnp.where(y <= NY - 2, flat + NX, NPIX)

    chunks = [(t, cc) for t in range(3) for cc in range(NCH)]
    n = len(chunks)

    def _start_gather(i, b):
        t, cc = chunks[i]
        return pltpu.async_copy(
            stem_hbm.at[taps[t].at[pl.ds(cc * GCH, GCH)]], bufs[b], gsem[b])

    def _start_write(i, b):
        t, cc = chunks[i]
        return pltpu.async_copy(
            bufs[b], g_hbm.at[t, pl.ds(base + cc * GCH, GCH)], wsem[b])

    gdesc = [None] * DEPTH
    wdesc = [None] * DEPTH
    for i in range(min(DEPTH, n)):
        gdesc[i] = _start_gather(i, i)
    for i in range(n):
        b = i % DEPTH
        gdesc[b].wait()
        wdesc[b] = _start_write(i, b)
        j = i + DEPTH
        if j < n:
            wdesc[b].wait()
            gdesc[b] = _start_gather(j, b)
            wdesc[b] = None
    for b in range(DEPTH):
        if wdesc[b] is not None:
            wdesc[b].wait()


def _gather(stem_full, bi, yi, xi):
    mesh = plsc.VectorSubcoreMesh(core_axis_name="c", subcore_axis_name="s")
    return pl.kernel(
        _gather_body,
        out_type=jax.ShapeDtypeStruct((3, KH, 3 * CH), jnp.int32),
        mesh=mesh,
        scratch_types=(
            [pltpu.VMEM((BPW,), jnp.int32) for _ in range(3)]
            + [pltpu.VMEM((BPW,), jnp.int32) for _ in range(3)]
            + [pltpu.VMEM((GCH, 3 * CH), jnp.int32) for _ in range(DEPTH)]
            + [pltpu.SemaphoreType.DMA for _ in range(3 * DEPTH)]
        ),
    )(stem_full, bi, yi, xi)



def _head_body(g_ref, wlo_ref, whi_ref, b2_ref, wro_ref, wcb_ref, hb_ref,
               o_ref):
    acc = jnp.zeros((KB, 2 * CP), jnp.float32) + b2_ref[...]
    for d in range(3):
        gu = lax.bitcast_convert_type(g_ref[d], jnp.uint32)
        glo = lax.bitcast_convert_type(gu << 16, jnp.float32)
        ghi = lax.bitcast_convert_type(gu & jnp.uint32(0xFFFF0000), jnp.float32)
        acc += lax.dot_general(glo, wlo_ref[d], (((1,), (1,)), ((), ())),
                               preferred_element_type=jnp.float32)
        acc += lax.dot_general(ghi, whi_ref[d], (((1,), (1,)), ((), ())),
                               preferred_element_type=jnp.float32)
    feat = acc * jax.nn.sigmoid(acc)
    out = lax.dot_general(feat[:, CP:], wro_ref[...], (((1,), (1,)), ((), ())),
                          preferred_element_type=jnp.float32)
    out += lax.dot_general(feat[:, :CP], wcb_ref[...], (((1,), (1,)), ((), ())),
                           preferred_element_type=jnp.float32)
    o_ref[...] = out + hb_ref[...]


def _heads(g, wlo, whi, b2, wro, wcb, hbias):
    return pl.pallas_call(
        _head_body,
        grid=(KH // KB,),
        in_specs=[
            pl.BlockSpec((3, KB, 3 * CH), lambda i: (0, i, 0)),
            pl.BlockSpec((3, 2 * CP, 3 * CH), lambda i: (0, 0, 0)),
            pl.BlockSpec((3, 2 * CP, 3 * CH), lambda i: (0, 0, 0)),
            pl.BlockSpec((1, 2 * CP), lambda i: (0, 0)),
            pl.BlockSpec((OUT_W, CP), lambda i: (0, 0)),
            pl.BlockSpec((OUT_W, CP), lambda i: (0, 0)),
            pl.BlockSpec((1, OUT_W), lambda i: (0, 0)),
        ],
        out_specs=pl.BlockSpec((KB, OUT_W), lambda i: (i, 0)),
        out_shape=jax.ShapeDtypeStruct((KH, OUT_W), jnp.float32),
    )(g, wlo, whi, b2, wro, wcb, hbias)



def kernel(x, indices, stem_w, stem_b, cls_conv_w, cls_conv_b,
           reg_conv_w, reg_conv_b, cls_pred_w, cls_pred_b,
           reg_pred_w, reg_pred_b, obj_pred_w, obj_pred_b):
    xt = jnp.transpose(x.reshape(BS, C, NY * NX), (0, 2, 1)).reshape(NPIX, C)
    stem_wt = jnp.pad(stem_w, ((0, CP - C), (0, 0))).T
    stem_bp = jnp.pad(stem_b, (0, CP - C)).reshape(1, CP)
    stem_full = _stem(xt, stem_wt, stem_bp)

    idx32 = indices.astype(jnp.int32)

    def _tapw(w):
        wp = jnp.pad(jnp.transpose(w.reshape(C, C, 9), (2, 0, 1)),
                     ((0, 0), (0, 0), (0, CP - C)))
        lo = wp[:, :, :CH].reshape(3, 3, C, CH).transpose(0, 2, 1, 3).reshape(
            3, C, 3 * CH)
        hi = wp[:, :, CH:].reshape(3, 3, C, CH).transpose(0, 2, 1, 3).reshape(
            3, C, 3 * CH)
        return lo, hi

    wcl, wch = _tapw(cls_conv_w)
    wrl, wrh = _tapw(reg_conv_w)
    wlo = jnp.concatenate([jnp.pad(wcl, ((0, 0), (0, CP - C), (0, 0))),
                           jnp.pad(wrl, ((0, 0), (0, CP - C), (0, 0)))], axis=1)
    whi = jnp.concatenate([jnp.pad(wch, ((0, 0), (0, CP - C), (0, 0))),
                           jnp.pad(wrh, ((0, 0), (0, CP - C), (0, 0)))], axis=1)
    b2 = jnp.concatenate([jnp.pad(cls_conv_b, (0, CP - C)),
                          jnp.pad(reg_conv_b, (0, CP - C))]).reshape(1, 2 * CP)
    wro = jnp.pad(jnp.concatenate(
        [reg_pred_w, obj_pred_w, jnp.zeros((NC, C), jnp.float32)], axis=0),
        ((0, 0), (0, CP - C)))
    wcb = jnp.pad(jnp.concatenate(
        [jnp.zeros((4 + 1, C), jnp.float32), cls_pred_w], axis=0),
        ((0, 0), (0, CP - C)))
    hbias = jnp.concatenate(
        [reg_pred_b, obj_pred_b, cls_pred_b]).reshape(1, OUT_W)

    outs = []
    for p in range(SPLIT):
        lo = p * KH
        g = _gather(stem_full, lax.dynamic_slice_in_dim(idx32[:, 0], lo, KH),
                    lax.dynamic_slice_in_dim(idx32[:, 1], lo, KH),
                    lax.dynamic_slice_in_dim(idx32[:, 2], lo, KH))
        outs.append(_heads(g, wlo, whi, b2, wro, wcb, hbias))
    return jnp.concatenate(outs, axis=0)

# --- scband reference (transcript-rebuilt; emitter-appended) ---
"""Pipeline reference for scband-spyolov6-head-71536975282581 (READ-ONLY COPY).

The authoritative reference and input builder live on the scoring server;
editing this copy changes nothing except your own understanding.
"""

import jax, jax.numpy as jnp
import numpy as np

BS, C, NY, NX = 8, 192, 64, 64
NC, NA, KS, PAD = 80, 1, 3, 1
K_SPARSE = 8192


def _unfold3x3(x):
    # torch F.unfold layout: per output pixel, vector of length C*KS*KS,
    # channel-major then kernel row then kernel col.
    bs, c, ny, nx = x.shape
    xp = jnp.pad(x, ((0, 0), (0, 0), (PAD, PAD), (PAD, PAD)))
    patches = [xp[:, :, dy:dy + ny, dx:dx + nx] for dy in range(KS) for dx in range(KS)]
    u = jnp.stack(patches, axis=2)  # [bs, c, 9, ny, nx]
    u = u.reshape(bs, c * KS * KS, ny, nx)
    return jnp.transpose(u, (0, 2, 3, 1))  # [bs, ny, nx, c*9]


def setup_inputs(seed: int = 0):
    key = jax.random.key(seed)
    ks = jax.random.split(key, 12)
    x = jax.random.normal(ks[0], (BS, C, NY, NX), dtype=jnp.float32)
    bi = jax.random.randint(ks[1], (K_SPARSE,), 0, BS)
    yi = jax.random.randint(ks[2], (K_SPARSE,), 0, NY)
    xi = jax.random.randint(ks[3], (K_SPARSE,), 0, NX)
    indices = jnp.stack([bi, yi, xi], axis=1)

    def w(k, shape, fan_in):
        return jax.random.normal(k, shape, dtype=jnp.float32) / np.sqrt(fan_in)

    stem_w = w(ks[4], (C, C), C)                      # 1x1 conv, flattened
    stem_b = jnp.zeros((C,), jnp.float32)
    cls_conv_w = w(ks[5], (C, C * KS * KS), C * KS * KS)  # 3x3 conv, flatten(1)
    cls_conv_b = jnp.zeros((C,), jnp.float32)
    reg_conv_w = w(ks[6], (C, C * KS * KS), C * KS * KS)
    reg_conv_b = jnp.zeros((C,), jnp.float32)
    cls_pred_w = w(ks[7], (NC * NA, C), C)            # 1x1 pred heads
    cls_pred_b = jnp.zeros((NC * NA,), jnp.float32)
    reg_pred_w = w(ks[8], (4 * NA, C), C)
    reg_pred_b = jnp.zeros((4 * NA,), jnp.float32)
    obj_pred_w = w(ks[9], (1 * NA, C), C)
    obj_pred_b = jnp.zeros((1 * NA,), jnp.float32)
    return dict(x=x, indices=indices, stem_w=stem_w, stem_b=stem_b,
                cls_conv_w=cls_conv_w, cls_conv_b=cls_conv_b,
                reg_conv_w=reg_conv_w, reg_conv_b=reg_conv_b,
                cls_pred_w=cls_pred_w, cls_pred_b=cls_pred_b,
                reg_pred_w=reg_pred_w, reg_pred_b=reg_pred_b,
                obj_pred_w=obj_pred_w, obj_pred_b=obj_pred_b)


def reference(x, indices, stem_w, stem_b, cls_conv_w, cls_conv_b,
              reg_conv_w, reg_conv_b, cls_pred_w, cls_pred_b,
              reg_pred_w, reg_pred_b, obj_pred_w, obj_pred_b):
    # sp_stem.forward_dense: dense 1x1 conv + SiLU
    stem = jnp.einsum('bchw,oc->bohw', x, stem_w) + stem_b[None, :, None, None]
    stem = jax.nn.silu(stem)
    # SPConv2Dkxk with indices: unfold then gather rows at sparse locations
    u = _unfold3x3(stem)  # [bs, ny, nx, c*9]
    bi, yi, xi = indices[:, 0], indices[:, 1], indices[:, 2]
    g = u[bi, yi, xi]  # gather: [K, c*9]
    cls_feat = jax.nn.silu(g @ cls_conv_w.T + cls_conv_b)
    reg_feat = jax.nn.silu(g @ reg_conv_w.T + reg_conv_b)
    # 1x1 pred heads (indices=None path -> plain linear)
    cls = (cls_feat @ cls_pred_w.T + cls_pred_b).reshape(-1, NA, NC)
    reg = (reg_feat @ reg_pred_w.T + reg_pred_b).reshape(-1, NA, 4)
    obj = (reg_feat @ obj_pred_w.T + obj_pred_b).reshape(-1, NA, 1)
    y_sp = jnp.concatenate((reg, obj, cls), axis=-1).reshape(-1, NA * (4 + 1 + NC))
    return y_sp

if __name__ == "__main__":
    import jax
    _d = setup_inputs()
    print(jax.jit(kernel)(*tuple(_d.values())))

</pallas_src>

<mosaic_0001>
#map = affine_map<(d0, d1) -> (0, 0)>
#map1 = affine_map<(d0, d1) -> (0)>
#map2 = affine_map<(d0, d1) -> (0, 0, 0)>
module attributes {stable_mosaic.version = 14 : i64} {
  func.func @_gather_body(%arg0: i32, %arg1: i32, %arg2: memref<36864x384xi32, #tpu.memory_space<hbm>>, %arg3: memref<4096xi32, #tpu.memory_space<hbm>>, %arg4: memref<4096xi32, #tpu.memory_space<hbm>>, %arg5: memref<4096xi32, #tpu.memory_space<hbm>>, %arg6: memref<3x4096x384xi32, #tpu.memory_space<hbm>>, %arg7: memref<128xi32, #tpu.memory_space<vmem>>, %arg8: memref<128xi32, #tpu.memory_space<vmem>>, %arg9: memref<128xi32, #tpu.memory_space<vmem>>, %arg10: memref<128xi32, #tpu.memory_space<vmem>>, %arg11: memref<128xi32, #tpu.memory_space<vmem>>, %arg12: memref<128xi32, #tpu.memory_space<vmem>>, %arg13: memref<128x384xi32, #tpu.memory_space<vmem>>, %arg14: memref<128x384xi32, #tpu.memory_space<vmem>>, %arg15: memref<!tpu.dma_semaphore, #tpu.memory_space<semaphore_mem>>, %arg16: memref<!tpu.dma_semaphore, #tpu.memory_space<semaphore_mem>>, %arg17: memref<!tpu.dma_semaphore, #tpu.memory_space<semaphore_mem>>, %arg18: memref<!tpu.dma_semaphore, #tpu.memory_space<semaphore_mem>>, %arg19: memref<!tpu.dma_semaphore, #tpu.memory_space<semaphore_mem>>, %arg20: memref<!tpu.dma_semaphore, #tpu.memory_space<semaphore_mem>>) attributes {dimension_semantics = [#tpu.dimension_semantics<core_parallel>, #tpu.dimension_semantics<subcore_parallel>], iteration_bounds = array<i64: 2, 16>, scalar_prefetch = 0 : i64, scratch_operands = 14 : i64, tpu.core_type = #tpu.core_type<sc_vector_subcore>, window_params = [{transform_indices = #map}, {transform_indices = #map1}, {transform_indices = #map1}, {transform_indices = #map1}, {transform_indices = #map2}]} {
    %mul3A = arith.constant 2 : i32
    %mul3A_0 = arith.muli %arg1, %mul3A : i32
    %add3A = arith.addi %mul3A_0, %arg0 : i32
    %mul3A_1 = arith.constant 128 : i32
    %mul3A_2 = arith.muli %add3A, %mul3A_1 : i32
    "tpu.region"() ({
      %run_scoped3A = tpu.sem_alloc : memref<!tpu.dma_semaphore, #tpu.memory_space<semaphore_mem>>
      %dma_start3A_447 = tpu.memref_slice %arg3[%mul3A_2] : memref<4096xi32, #tpu.memory_space<hbm>> -> memref<128xi32, #tpu.memory_space<hbm>>
      %dma_start3A_448 = tpu.memref_slice %arg3[%mul3A_2] : memref<4096xi32, #tpu.memory_space<hbm>> -> memref<128xi32, #tpu.memory_space<hbm>>
      tpu.enqueue_dma source(%dma_start3A_448 : memref<128xi32, #tpu.memory_space<hbm>>) target(%arg7 : memref<128xi32, #tpu.memory_space<vmem>>) target_semaphore(%run_scoped3A : memref<!tpu.dma_semaphore, #tpu.memory_space<semaphore_mem>>)
      %dma_wait3A_449 = tpu.memref_slice %arg3[%mul3A_2] : memref<4096xi32, #tpu.memory_space<hbm>> -> memref<128xi32, #tpu.memory_space<hbm>>
      %dma_wait3A_450 = tpu.memref_slice %arg3[%mul3A_2] : memref<4096xi32, #tpu.memory_space<hbm>> -> memref<128xi32, #tpu.memory_space<hbm>>
      tpu.wait_dma2 semaphore(%run_scoped3A : memref<!tpu.dma_semaphore, #tpu.memory_space<semaphore_mem>>) src(%dma_wait3A_450 : memref<128xi32, #tpu.memory_space<hbm>>) dst(%arg7 : memref<128xi32, #tpu.memory_space<vmem>>)
      tpu.yield
    }) : () -> ()
    "tpu.region"() ({
      %run_scoped3A = tpu.sem_alloc : memref<!tpu.dma_semaphore, #tpu.memory_space<semaphore_mem>>
      %dma_start3A_447 = tpu.memref_slice %arg4[%mul3A_2] : memref<4096xi32, #tpu.memory_space<hbm>> -> memref<128xi32, #tpu.memory_space<hbm>>
      %dma_start3A_448 = tpu.memref_slice %arg4[%mul3A_2] : memref<4096xi32, #tpu.memory_space<hbm>> -> memref<128xi32, #tpu.memory_space<hbm>>
      tpu.enqueue_dma source(%dma_start3A_448 : memref<128xi32, #tpu.memory_space<hbm>>) target(%arg8 : memref<128xi32, #tpu.memory_space<vmem>>) target_semaphore(%run_scoped3A : memref<!tpu.dma_semaphore, #tpu.memory_space<semaphore_mem>>)
      %dma_wait3A_449 = tpu.memref_slice %arg4[%mul3A_2] : memref<4096xi32, #tpu.memory_space<hbm>> -> memref<128xi32, #tpu.memory_space<hbm>>
      %dma_wait3A_450 = tpu.memref_slice %arg4[%mul3A_2] : memref<4096xi32, #tpu.memory_space<hbm>> -> memref<128xi32, #tpu.memory_space<hbm>>
      tpu.wait_dma2 semaphore(%run_scoped3A : memref<!tpu.dma_semaphore, #tpu.memory_space<semaphore_mem>>) src(%dma_wait3A_450 : memref<128xi32, #tpu.memory_space<hbm>>) dst(%arg8 : memref<128xi32, #tpu.memory_space<vmem>>)
      tpu.yield
    }) : () -> ()
    "tpu.region"() ({
      %run_scoped3A = tpu.sem_alloc : memref<!tpu.dma_semaphore, #tpu.memory_space<semaphore_mem>>
      %dma_start3A_447 = tpu.memref_slice %arg5[%mul3A_2] : memref<4096xi32, #tpu.memory_space<hbm>> -> memref<128xi32, #tpu.memory_space<hbm>>
      %dma_start3A_448 = tpu.memref_slice %arg5[%mul3A_2] : memref<4096xi32, #tpu.memory_space<hbm>> -> memref<128xi32, #tpu.memory_space<hbm>>
      tpu.enqueue_dma source(%dma_start3A_448 : memref<128xi32, #tpu.memory_space<hbm>>) target(%arg9 : memref<128xi32, #tpu.memory_space<vmem>>) target_semaphore(%run_scoped3A : memref<!tpu.dma_semaphore, #tpu.memory_space<semaphore_mem>>)
      %dma_wait3A_449 = tpu.memref_slice %arg5[%mul3A_2] : memref<4096xi32, #tpu.memory_space<hbm>> -> memref<128xi32, #tpu.memory_space<hbm>>
      %dma_wait3A_450 = tpu.memref_slice %arg5[%mul3A_2] : memref<4096xi32, #tpu.memory_space<hbm>> -> memref<128xi32, #tpu.memory_space<hbm>>
      tpu.wait_dma2 semaphore(%run_scoped3A : memref<!tpu.dma_semaphore, #tpu.memory_space<semaphore_mem>>) src(%dma_wait3A_450 : memref<128xi32, #tpu.memory_space<hbm>>) dst(%arg9 : memref<128xi32, #tpu.memory_space<vmem>>)
      tpu.yield
    }) : () -> ()
    %get3A = arith.constant 0 : index
    %get3A_3 = tpu.vector_load %arg7[%get3A] {strides = array<i32>} : memref<128xi32, #tpu.memory_space<vmem>>, vector<16xi32>,
    %get3A_4 = vector.shape_cast %get3A_3 : vector<16xi32> to vector<16xi32>
    %get3A_5 = arith.constant 0 : index
    %get3A_6 = tpu.vector_load %arg8[%get3A_5] {strides = array<i32>} : memref<128xi32, #tpu.memory_space<vmem>>, vector<16xi32>,
    %get3A_7 = vector.shape_cast %get3A_6 : vector<16xi32> to vector<16xi32>
    %get3A_8 = arith.constant 0 : index
    %get3A_9 = tpu.vector_load %arg9[%get3A_8] {strides = array<i32>} : memref<128xi32, #tpu.memory_space<vmem>>, vector<16xi32>,
    %get3A_10 = vector.shape_cast %get3A_9 : vector<16xi32> to vector<16xi32>
    %mul3A_11 = arith.constant 64 : i32
    %mul3A_12 = vector.broadcast %mul3A_11 : i32 to vector<16xi32>
    %mul3A_13 = arith.muli %get3A_4, %mul3A_12 : vector<16xi32>
    %add3A_14 = arith.addi %mul3A_13, %get3A_7 : vector<16xi32>
    %mul3A_15 = arith.constant 64 : i32
    %mul3A_16 = vector.broadcast %mul3A_15 : i32 to vector<16xi32>
    %mul3A_17 = arith.muli %add3A_14, %mul3A_16 : vector<16xi32>
    %add3A_18 = arith.addi %mul3A_17, %get3A_10 : vector<16xi32>
    %ge3A = arith.constant 1 : i32
    %ge3A_19 = vector.broadcast %ge3A : i32 to vector<16xi32>
    %ge3A_20 = arith.cmpi sge, %get3A_7, %ge3A_19 : vector<16xi32>
    %sub3A = arith.constant 64 : i32
    %sub3A_21 = vector.broadcast %sub3A : i32 to vector<16xi32>
    %sub3A_22 = arith.subi %add3A_18, %sub3A_21 : vector<16xi32>
    %jit3A = arith.constant 32768 : i32
    %broadcast_in_dim3A = vector.broadcast %jit3A : i32 to vector<16xi32>
    %select_n3A = arith.select %ge3A_20, %sub3A_22, %broadcast_in_dim3A : vector<16xi1>, vector<16xi32>
    %swap3A = arith.constant 0 : index
    %swap3A_23 = tpu.vector_load %arg10[%swap3A] {strides = array<i32>} : memref<128xi32, #tpu.memory_space<vmem>>, vector<16xi32>,
    %swap3A_24 = vector.shape_cast %swap3A_23 : vector<16xi32> to vector<16xi32>
    %swap3A_25 = vector.shape_cast %select_n3A : vector<16xi32> to vector<16xi32>
    tpu.vector_store %arg10[%swap3A], %swap3A_25 {strides = array<i32>} : memref<128xi32, #tpu.memory_space<vmem>>, vector<16xi32>,
    %swap3A_26 = arith.constant 0 : index
    %swap3A_27 = tpu.vector_load %arg11[%swap3A_26] {strides = array<i32>} : memref<128xi32, #tpu.memory_space<vmem>>, vector<16xi32>,
    %swap3A_28 = vector.shape_cast %swap3A_27 : vector<16xi32> to vector<16xi32>
    %swap3A_29 = vector.shape_cast %add3A_18 : vector<16xi32> to vector<16xi32>
    tpu.vector_store %arg11[%swap3A_26], %swap3A_29 {strides = array<i32>} : memref<128xi32, #tpu.memory_space<vmem>>, vector<16xi32>,
    %le3A = arith.constant 62 : i32
    %le3A_30 = vector.broadcast %le3A : i32 to vector<16xi32>
    %le3A_31 = arith.cmpi sle, %get3A_7, %le3A_30 : vector<16xi32>
    %add3A_32 = arith.constant 64 : i32
    %add3A_33 = vector.broadcast %add3A_32 : i32 to vector<16xi32>
    %add3A_34 = arith.addi %add3A_18, %add3A_33 : vector<16xi32>
    %jit3A_35 = arith.constant 32768 : i32
    %broadcast_in_dim3A_36 = vector.broadcast %jit3A_35 : i32 to vector<16xi32>
    %select_n3A_37 = arith.select %le3A_31, %add3A_34, %broadcast_in_dim3A_36 : vector<16xi1>, vector<16xi32>
    %swap3A_38 = arith.constant 0 : index
    %swap3A_39 = tpu.vector_load %arg12[%swap3A_38] {strides = array<i32>} : memref<128xi32, #tpu.memory_space<vmem>>, vector<16xi32>,
    %swap3A_40 = vector.shape_cast %swap3A_39 : vector<16xi32> to vector<16xi32>
    %swap3A_41 = vector.shape_cast %select_n3A_37 : vector<16xi32> to vector<16xi32>
    tpu.vector_store %arg12[%swap3A_38], %swap3A_41 {strides = array<i32>} : memref<128xi32, #tpu.memory_space<vmem>>, vector<16xi32>,
    %get3A_42 = arith.constant 16 : index
    %get3A_43 = tpu.vector_load %arg7[%get3A_42] {strides = array<i32>} : memref<128xi32, #tpu.memory_space<vmem>>, vector<16xi32>,
    %get3A_44 = vector.shape_cast %get3A_43 : vector<16xi32> to vector<16xi32>
    %get3A_45 = arith.constant 16 : index
    %get3A_46 = tpu.vector_load %arg8[%get3A_45] {strides = array<i32>} : memref<128xi32, #tpu.memory_space<vmem>>, vector<16xi32>,
    %get3A_47 = vector.shape_cast %get3A_46 : vector<16xi32> to vector<16xi32>
    %get3A_48 = arith.constant 16 : index
    %get3A_49 = tpu.vector_load %arg9[%get3A_48] {strides = array<i32>} : memref<128xi32, #tpu.memory_space<vmem>>, vector<16xi32>,
    %get3A_50 = vector.shape_cast %get3A_49 : vector<16xi32> to vector<16xi32>
    %mul3A_51 = arith.constant 64 : i32
    %mul3A_52 = vector.broadcast %mul3A_51 : i32 to vector<16xi32>
    %mul3A_53 = arith.muli %get3A_44, %mul3A_52 : vector<16xi32>
    %add3A_54 = arith.addi %mul3A_53, %get3A_47 : vector<16xi32>
    %mul3A_55 = arith.constant 64 : i32
    %mul3A_56 = vector.broadcast %mul3A_55 : i32 to vector<16xi32>
    %mul3A_57 = arith.muli %add3A_54, %mul3A_56 : vector<16xi32>
    %add3A_58 = arith.addi %mul3A_57, %get3A_50 : vector<16xi32>
    %ge3A_59 = arith.constant 1 : i32
    %ge3A_60 = vector.broadcast %ge3A_59 : i32 to vector<16xi32>
    %ge3A_61 = arith.cmpi sge, %get3A_47, %ge3A_60 : vector<16xi32>
    %sub3A_62 = arith.constant 64 : i32
    %sub3A_63 = vector.broadcast %sub3A_62 : i32 to vector<16xi32>
    %sub3A_64 = arith.subi %add3A_58, %sub3A_63 : vector<16xi32>
    %jit3A_65 = arith.constant 32768 : i32
    %broadcast_in_dim3A_66 = vector.broadcast %jit3A_65 : i32 to vector<16xi32>
    %select_n3A_67 = arith.select %ge3A_61, %sub3A_64, %broadcast_in_dim3A_66 : vector<16xi1>, vector<16xi32>
    %swap3A_68 = arith.constant 16 : index
    %swap3A_69 = tpu.vector_load %arg10[%swap3A_68] {strides = array<i32>} : memref<128xi32, #tpu.memory_space<vmem>>, vector<16xi32>,
    %swap3A_70 = vector.shape_cast %swap3A_69 : vector<16xi32> to vector<16xi32>
    %swap3A_71 = vector.shape_cast %select_n3A_67 : vector<16xi32> to vector<16xi32>
    tpu.vector_store %arg10[%swap3A_68], %swap3A_71 {strides = array<i32>} : memref<128xi32, #tpu.memory_space<vmem>>, vector<16xi32>,
    %swap3A_72 = arith.constant 16 : index
    %swap3A_73 = tpu.vector_load %arg11[%swap3A_72] {strides = array<i32>} : memref<128xi32, #tpu.memory_space<vmem>>, vector<16xi32>,
    %swap3A_74 = vector.shape_cast %swap3A_73 : vector<16xi32> to vector<16xi32>
    %swap3A_75 = vector.shape_cast %add3A_58 : vector<16xi32> to vector<16xi32>
    tpu.vector_store %arg11[%swap3A_72], %swap3A_75 {strides = array<i32>} : memref<128xi32, #tpu.memory_space<vmem>>, vector<16xi32>,
    %le3A_76 = arith.constant 62 : i32
    %le3A_77 = vector.broadcast %le3A_76 : i32 to vector<16xi32>
    %le3A_78 = arith.cmpi sle, %get3A_47, %le3A_77 : vector<16xi32>
    %add3A_79 = arith.constant 64 : i32
    %add3A_80 = vector.broadcast %add3A_79 : i32 to vector<16xi32>
    %add3A_81 = arith.addi %add3A_58, %add3A_80 : vector<16xi32>
    %jit3A_82 = arith.constant 32768 : i32
    %broadcast_in_dim3A_83 = vector.broadcast %jit3A_82 : i32 to vector<16xi32>
    %select_n3A_84 = arith.select %le3A_78, %add3A_81, %broadcast_in_dim3A_83 : vector<16xi1>, vector<16xi32>
    %swap3A_85 = arith.constant 16 : index
    %swap3A_86 = tpu.vector_load %arg12[%swap3A_85] {strides = array<i32>} : memref<128xi32, #tpu.memory_space<vmem>>, vector<16xi32>,
    %swap3A_87 = vector.shape_cast %swap3A_86 : vector<16xi32> to vector<16xi32>
    %swap3A_88 = vector.shape_cast %select_n3A_84 : vector<16xi32> to vector<16xi32>
    tpu.vector_store %arg12[%swap3A_85], %swap3A_88 {strides = array<i32>} : memref<128xi32, #tpu.memory_space<vmem>>, vector<16xi32>,
    %get3A_89 = arith.constant 32 : index
    %get3A_90 = tpu.vector_load %arg7[%get3A_89] {strides = array<i32>} : memref<128xi32, #tpu.memory_space<vmem>>, vector<16xi32>,
    %get3A_91 = vector.shape_cast %get3A_90 : vector<16xi32> to vector<16xi32>
    %get3A_92 = arith.constant 32 : index
    %get3A_93 = tpu.vector_load %arg8[%get3A_92] {strides = array<i32>} : memref<128xi32, #tpu.memory_space<vmem>>, vector<16xi32>,
    %get3A_94 = vector.shape_cast %get3A_93 : vector<16xi32> to vector<16xi32>
    %get3A_95 = arith.constant 32 : index
    %get3A_96 = tpu.vector_load %arg9[%get3A_95] {strides = array<i32>} : memref<128xi32, #tpu.memory_space<vmem>>, vector<16xi32>,
    %get3A_97 = vector.shape_cast %get3A_96 : vector<16xi32> to vector<16xi32>
    %mul3A_98 = arith.constant 64 : i32
    %mul3A_99 = vector.broadcast %mul3A_98 : i32 to vector<16xi32>
    %mul3A_100 = arith.muli %get3A_91, %mul3A_99 : vector<16xi32>
    %add3A_101 = arith.addi %mul3A_100, %get3A_94 : vector<16xi32>
    %mul3A_102 = arith.constant 64 : i32
    %mul3A_103 = vector.broadcast %mul3A_102 : i32 to vector<16xi32>
    %mul3A_104 = arith.muli %add3A_101, %mul3A_103 : vector<16xi32>
    %add3A_105 = arith.addi %mul3A_104, %get3A_97 : vector<16xi32>
    %ge3A_106 = arith.constant 1 : i32
    %ge3A_107 = vector.broadcast %ge3A_106 : i32 to vector<16xi32>
    %ge3A_108 = arith.cmpi sge, %get3A_94, %ge3A_107 : vector<16xi32>
    %sub3A_109 = arith.constant 64 : i32
    %sub3A_110 = vector.broadcast %sub3A_109 : i32 to vector<16xi32>
    %sub3A_111 = arith.subi %add3A_105, %sub3A_110 : vector<16xi32>
    %jit3A_112 = arith.constant 32768 : i32
    %broadcast_in_dim3A_113 = vector.broadcast %jit3A_112 : i32 to vector<16xi32>
    %select_n3A_114 = arith.select %ge3A_108, %sub3A_111, %broadcast_in_dim3A_113 : vector<16xi1>, vector<16xi32>
    %swap3A_115 = arith.constant 32 : index
    %swap3A_116 = tpu.vector_load %arg10[%swap3A_115] {strides = array<i32>} : memref<128xi32, #tpu.memory_space<vmem>>, vector<16xi32>,
    %swap3A_117 = vector.shape_cast %swap3A_116 : vector<16xi32> to vector<16xi32>
    %swap3A_118 = vector.shape_cast %select_n3A_114 : vector<16xi32> to vector<16xi32>
    tpu.vector_store %arg10[%swap3A_115], %swap3A_118 {strides = array<i32>} : memref<128xi32, #tpu.memory_space<vmem>>, vector<16xi32>,
    %swap3A_119 = arith.constant 32 : index
    %swap3A_120 = tpu.vector_load %arg11[%swap3A_119] {strides = array<i32>} : memref<128xi32, #tpu.memory_space<vmem>>, vector<16xi32>,
    %swap3A_121 = vector.shape_cast %swap3A_120 : vector<16xi32> to vector<16xi32>
    %swap3A_122 = vector.shape_cast %add3A_105 : vector<16xi32> to vector<16xi32>
    tpu.vector_store %arg11[%swap3A_119], %swap3A_122 {strides = array<i32>} : memref<128xi32, #tpu.memory_space<vmem>>, vector<16xi32>,
    %le3A_123 = arith.constant 62 : i32
    %le3A_124 = vector.broadcast %le3A_123 : i32 to vector<16xi32>
    %le3A_125 = arith.cmpi sle, %get3A_94, %le3A_124 : vector<16xi32>
    %add3A_126 = arith.constant 64 : i32
    %add3A_127 = vector.broadcast %add3A_126 : i32 to vector<16xi32>
    %add3A_128 = arith.addi %add3A_105, %add3A_127 : vector<16xi32>
    %jit3A_129 = arith.constant 32768 : i32
    %broadcast_in_dim3A_130 = vector.broadcast %jit3A_129 : i32 to vector<16xi32>
    %select_n3A_131 = arith.select %le3A_125, %add3A_128, %broadcast_in_dim3A_130 : vector<16xi1>, vector<16xi32>
    %swap3A_132 = arith.constant 32 : index
    %swap3A_133 = tpu.vector_load %arg12[%swap3A_132] {strides = array<i32>} : memref<128xi32, #tpu.memory_space<vmem>>, vector<16xi32>,
    %swap3A_134 = vector.shape_cast %swap3A_133 : vector<16xi32> to vector<16xi32>
    %swap3A_135 = vector.shape_cast %select_n3A_131 : vector<16xi32> to vector<16xi32>
    tpu.vector_store %arg12[%swap3A_132], %swap3A_135 {strides = array<i32>} : memref<128xi32, #tpu.memory_space<vmem>>, vector<16xi32>,
    %get3A_136 = arith.constant 48 : index
    %get3A_137 = tpu.vector_load %arg7[%get3A_136] {strides = array<i32>} : memref<128xi32, #tpu.memory_space<vmem>>, vector<16xi32>,
    %get3A_138 = vector.shape_cast %get3A_137 : vector<16xi32> to vector<16xi32>
    %get3A_139 = arith.constant 48 : index
    %get3A_140 = tpu.vector_load %arg8[%get3A_139] {strides = array<i32>} : memref<128xi32, #tpu.memory_space<vmem>>, vector<16xi32>,
    %get3A_141 = vector.shape_cast %get3A_140 : vector<16xi32> to vector<16xi32>
    %get3A_142 = arith.constant 48 : index
    %get3A_143 = tpu.vector_load %arg9[%get3A_142] {strides = array<i32>} : memref<128xi32, #tpu.memory_space<vmem>>, vector<16xi32>,
    %get3A_144 = vector.shape_cast %get3A_143 : vector<16xi32> to vector<16xi32>
    %mul3A_145 = arith.constant 64 : i32
    %mul3A_146 = vector.broadcast %mul3A_145 : i32 to vector<16xi32>
    %mul3A_147 = arith.muli %get3A_138, %mul3A_146 : vector<16xi32>
    %add3A_148 = arith.addi %mul3A_147, %get3A_141 : vector<16xi32>
    %mul3A_149 = arith.constant 64 : i32
    %mul3A_150 = vector.broadcast %mul3A_149 : i32 to vector<16xi32>
    %mul3A_151 = arith.muli %add3A_148, %mul3A_150 : vector<16xi32>
    %add3A_152 = arith.addi %mul3A_151, %get3A_144 : vector<16xi32>
    %ge3A_153 = arith.constant 1 : i32
    %ge3A_154 = vector.broadcast %ge3A_153 : i32 to vector<16xi32>
    %ge3A_155 = arith.cmpi sge, %get3A_141, %ge3A_154 : vector<16xi32>
    %sub3A_156 = arith.constant 64 : i32
    %sub3A_157 = vector.broadcast %sub3A_156 : i32 to vector<16xi32>
    %sub3A_158 = arith.subi %add3A_152, %sub3A_157 : vector<16xi32>
    %jit3A_159 = arith.constant 32768 : i32
    %broadcast_in_dim3A_160 = vector.broadcast %jit3A_159 : i32 to vector<16xi32>
    %select_n3A_161 = arith.select %ge3A_155, %sub3A_158, %broadcast_in_dim3A_160 : vector<16xi1>, vector<16xi32>
    %swap3A_162 = arith.constant 48 : index
    %swap3A_163 = tpu.vector_load %arg10[%swap3A_162] {strides = array<i32>} : memref<128xi32, #tpu.memory_space<vmem>>, vector<16xi32>,
    %swap3A_164 = vector.shape_cast %swap3A_163 : vector<16xi32> to vector<16xi32>
    %swap3A_165 = vector.shape_cast %select_n3A_161 : vector<16xi32> to vector<16xi32>
    tpu.vector_store %arg10[%swap3A_162], %swap3A_165 {strides = array<i32>} : memref<128xi32, #tpu.memory_space<vmem>>, vector<16xi32>,
    %swap3A_166 = arith.constant 48 : index
    %swap3A_167 = tpu.vector_load %arg11[%swap3A_166] {strides = array<i32>} : memref<128xi32, #tpu.memory_space<vmem>>, vector<16xi32>,
    %swap3A_168 = vector.shape_cast %swap3A_167 : vector<16xi32> to vector<16xi32>
    %swap3A_169 = vector.shape_cast %add3A_152 : vector<16xi32> to vector<16xi32>
    tpu.vector_store %arg11[%swap3A_166], %swap3A_169 {strides = array<i32>} : memref<128xi32, #tpu.memory_space<vmem>>, vector<16xi32>,
    %le3A_170 = arith.constant 62 : i32
    %le3A_171 = vector.broadcast %le3A_170 : i32 to vector<16xi32>
    %le3A_172 = arith.cmpi sle, %get3A_141, %le3A_171 : vector<16xi32>
    %add3A_173 = arith.constant 64 : i32
    %add3A_174 = vector.broadcast %add3A_173 : i32 to vector<16xi32>
    %add3A_175 = arith.addi %add3A_152, %add3A_174 : vector<16xi32>
    %jit3A_176 = arith.constant 32768 : i32
    %broadcast_in_dim3A_177 = vector.broadcast %jit3A_176 : i32 to vector<16xi32>
    %select_n3A_178 = arith.select %le3A_172, %add3A_175, %broadcast_in_dim3A_177 : vector<16xi1>, vector<16xi32>
    %swap3A_179 = arith.constant 48 : index
    %swap3A_180 = tpu.vector_load %arg12[%swap3A_179] {strides = array<i32>} : memref<128xi32, #tpu.memory_space<vmem>>, vector<16xi32>,
    %swap3A_181 = vector.shape_cast %swap3A_180 : vector<16xi32> to vector<16xi32>
    %swap3A_182 = vector.shape_cast %select_n3A_178 : vector<16xi32> to vector<16xi32>
    tpu.vector_store %arg12[%swap3A_179], %swap3A_182 {strides = array<i32>} : memref<128xi32, #tpu.memory_space<vmem>>, vector<16xi32>,
    %get3A_183 = arith.constant 64 : index
    %get3A_184 = tpu.vector_load %arg7[%get3A_183] {strides = array<i32>} : memref<128xi32, #tpu.memory_space<vmem>>, vector<16xi32>,
    %get3A_185 = vector.shape_cast %get3A_184 : vector<16xi32> to vector<16xi32>
    %get3A_186 = arith.constant 64 : index
    %get3A_187 = tpu.vector_load %arg8[%get3A_186] {strides = array<i32>} : memref<128xi32, #tpu.memory_space<vmem>>, vector<16xi32>,
    %get3A_188 = vector.shape_cast %get3A_187 : vector<16xi32> to vector<16xi32>
    %get3A_189 = arith.constant 64 : index
    %get3A_190 = tpu.vector_load %arg9[%get3A_189] {strides = array<i32>} : memref<128xi32, #tpu.memory_space<vmem>>, vector<16xi32>,
    %get3A_191 = vector.shape_cast %get3A_190 : vector<16xi32> to vector<16xi32>
    %mul3A_192 = arith.constant 64 : i32
    %mul3A_193 = vector.broadcast %mul3A_192 : i32 to vector<16xi32>
    %mul3A_194 = arith.muli %get3A_185, %mul3A_193 : vector<16xi32>
    %add3A_195 = arith.addi %mul3A_194, %get3A_188 : vector<16xi32>
    %mul3A_196 = arith.constant 64 : i32
    %mul3A_197 = vector.broadcast %mul3A_196 : i32 to vector<16xi32>
    %mul3A_198 = arith.muli %add3A_195, %mul3A_197 : vector<16xi32>
    %add3A_199 = arith.addi %mul3A_198, %get3A_191 : vector<16xi32>
    %ge3A_200 = arith.constant 1 : i32
    %ge3A_201 = vector.broadcast %ge3A_200 : i32 to vector<16xi32>
    %ge3A_202 = arith.cmpi sge, %get3A_188, %ge3A_201 : vector<16xi32>
    %sub3A_203 = arith.constant 64 : i32
    %sub3A_204 = vector.broadcast %sub3A_203 : i32 to vector<16xi32>
    %sub3A_205 = arith.subi %add3A_199, %sub3A_204 : vector<16xi32>
    %jit3A_206 = arith.constant 32768 : i32
    %broadcast_in_dim3A_207 = vector.broadcast %jit3A_206 : i32 to vector<16xi32>
    %select_n3A_208 = arith.select %ge3A_202, %sub3A_205, %broadcast_in_dim3A_207 : vector<16xi1>, vector<16xi32>
    %swap3A_209 = arith.constant 64 : index
    %swap3A_210 = tpu.vector_load %arg10[%swap3A_209] {strides = array<i32>} : memref<128xi32, #tpu.memory_space<vmem>>, vector<16xi32>,
    %swap3A_211 = vector.shape_cast %swap3A_210 : vector<16xi32> to vector<16xi32>
    %swap3A_212 = vector.shape_cast %select_n3A_208 : vector<16xi32> to vector<16xi32>
    tpu.vector_store %arg10[%swap3A_209], %swap3A_212 {strides = array<i32>} : memref<128xi32, #tpu.memory_space<vmem>>, vector<16xi32>,
    %swap3A_213 = arith.constant 64 : index
    %swap3A_214 = tpu.vector_load %arg11[%swap3A_213] {strides = array<i32>} : memref<128xi32, #tpu.memory_space<vmem>>, vector<16xi32>,
    %swap3A_215 = vector.shape_cast %swap3A_214 : vector<16xi32> to vector<16xi32>
    %swap3A_216 = vector.shape_cast %add3A_199 : vector<16xi32> to vector<16xi32>
    tpu.vector_store %arg11[%swap3A_213], %swap3A_216 {strides = array<i32>} : memref<128xi32, #tpu.memory_space<vmem>>, vector<16xi32>,
    %le3A_217 = arith.constant 62 : i32
    %le3A_218 = vector.broadcast %le3A_217 : i32 to vector<16xi32>
    %le3A_219 = arith.cmpi sle, %get3A_188, %le3A_218 : vector<16xi32>
    %add3A_220 = arith.constant 64 : i32
    %add3A_221 = vector.broadcast %add3A_220 : i32 to vector<16xi32>
    %add3A_222 = arith.addi %add3A_199, %add3A_221 : vector<16xi32>
    %jit3A_223 = arith.constant 32768 : i32
    %broadcast_in_dim3A_224 = vector.broadcast %jit3A_223 : i32 to vector<16xi32>
    %select_n3A_225 = arith.select %le3A_219, %add3A_222, %broadcast_in_dim3A_224 : vector<16xi1>, vector<16xi32>
    %swap3A_226 = arith.constant 64 : index
    %swap3A_227 = tpu.vector_load %arg12[%swap3A_226] {strides = array<i32>} : memref<128xi32, #tpu.memory_space<vmem>>, vector<16xi32>,
    %swap3A_228 = vector.shape_cast %swap3A_227 : vector<16xi32> to vector<16xi32>
    %swap3A_229 = vector.shape_cast %select_n3A_225 : vector<16xi32> to vector<16xi32>
    tpu.vector_store %arg12[%swap3A_226], %swap3A_229 {strides = array<i32>} : memref<128xi32, #tpu.memory_space<vmem>>, vector<16xi32>,
    %get3A_230 = arith.constant 80 : index
    %get3A_231 = tpu.vector_load %arg7[%get3A_230] {strides = array<i32>} : memref<128xi32, #tpu.memory_space<vmem>>, vector<16xi32>,
    %get3A_232 = vector.shape_cast %get3A_231 : vector<16xi32> to vector<16xi32>
    %get3A_233 = arith.constant 80 : index
    %get3A_234 = tpu.vector_load %arg8[%get3A_233] {strides = array<i32>} : memref<128xi32, #tpu.memory_space<vmem>>, vector<16xi32>,
    %get3A_235 = vector.shape_cast %get3A_234 : vector<16xi32> to vector<16xi32>
    %get3A_236 = arith.constant 80 : index
    %get3A_237 = tpu.vector_load %arg9[%get3A_236] {strides = array<i32>} : memref<128xi32, #tpu.memory_space<vmem>>, vector<16xi32>,
    %get3A_238 = vector.shape_cast %get3A_237 : vector<16xi32> to vector<16xi32>
    %mul3A_239 = arith.constant 64 : i32
    %mul3A_240 = vector.broadcast %mul3A_239 : i32 to vector<16xi32>
    %mul3A_241 = arith.muli %get3A_232, %mul3A_240 : vector<16xi32>
    %add3A_242 = arith.addi %mul3A_241, %get3A_235 : vector<16xi32>
    %mul3A_243 = arith.constant 64 : i32
    %mul3A_244 = vector.broadcast %mul3A_243 : i32 to vector<16xi32>
    %mul3A_245 = arith.muli %add3A_242, %mul3A_244 : vector<16xi32>
    %add3A_246 = arith.addi %mul3A_245, %get3A_238 : vector<16xi32>
    %ge3A_247 = arith.constant 1 : i32
    %ge3A_248 = vector.broadcast %ge3A_247 : i32 to vector<16xi32>
    %ge3A_249 = arith.cmpi sge, %get3A_235, %ge3A_248 : vector<16xi32>
    %sub3A_250 = arith.constant 64 : i32
    %sub3A_251 = vector.broadcast %sub3A_250 : i32 to vector<16xi32>
    %sub3A_252 = arith.subi %add3A_246, %sub3A_251 : vector<16xi32>
    %jit3A_253 = arith.constant 32768 : i32
    %broadcast_in_dim3A_254 = vector.broadcast %jit3A_253 : i32 to vector<16xi32>
    %select_n3A_255 = arith.select %ge3A_249, %sub3A_252, %broadcast_in_dim3A_254 : vector<16xi1>, vector<16xi32>
    %swap3A_256 = arith.constant 80 : index
    %swap3A_257 = tpu.vector_load %arg10[%swap3A_256] {strides = array<i32>} : memref<128xi32, #tpu.memory_space<vmem>>, vector<16xi32>,
    %swap3A_258 = vector.shape_cast %swap3A_257 : vector<16xi32> to vector<16xi32>
    %swap3A_259 = vector.shape_cast %select_n3A_255 : vector<16xi32> to vector<16xi32>
    tpu.vector_store %arg10[%swap3A_256], %swap3A_259 {strides = array<i32>} : memref<128xi32, #tpu.memory_space<vmem>>, vector<16xi32>,
    %swap3A_260 = arith.constant 80 : index
    %swap3A_261 = tpu.vector_load %arg11[%swap3A_260] {strides = array<i32>} : memref<128xi32, #tpu.memory_space<vmem>>, vector<16xi32>,
    %swap3A_262 = vector.shape_cast %swap3A_261 : vector<16xi32> to vector<16xi32>
    %swap3A_263 = vector.shape_cast %add3A_246 : vector<16xi32> to vector<16xi32>
    tpu.vector_store %arg11[%swap3A_260], %swap3A_263 {strides = array<i32>} : memref<128xi32, #tpu.memory_space<vmem>>, vector<16xi32>,
    %le3A_264 = arith.constant 62 : i32
    %le3A_265 = vector.broadcast %le3A_264 : i32 to vector<16xi32>
    %le3A_266 = arith.cmpi sle, %get3A_235, %le3A_265 : vector<16xi32>
    %add3A_267 = arith.constant 64 : i32
    %add3A_268 = vector.broadcast %add3A_267 : i32 to vector<16xi32>
    %add3A_269 = arith.addi %add3A_246, %add3A_268 : vector<16xi32>
    %jit3A_270 = arith.constant 32768 : i32
    %broadcast_in_dim3A_271 = vector.broadcast %jit3A_270 : i32 to vector<16xi32>
    %select_n3A_272 = arith.select %le3A_266, %add3A_269, %broadcast_in_dim3A_271 : vector<16xi1>, vector<16xi32>
    %swap3A_273 = arith.constant 80 : index
    %swap3A_274 = tpu.vector_load %arg12[%swap3A_273] {strides = array<i32>} : memref<128xi32, #tpu.memory_space<vmem>>, vector<16xi32>,
    %swap3A_275 = vector.shape_cast %swap3A_274 : vector<16xi32> to vector<16xi32>
    %swap3A_276 = vector.shape_cast %select_n3A_272 : vector<16xi32> to vector<16xi32>
    tpu.vector_store %arg12[%swap3A_273], %swap3A_276 {strides = array<i32>} : memref<128xi32, #tpu.memory_space<vmem>>, vector<16xi32>,
    %get3A_277 = arith.constant 96 : index
    %get3A_278 = tpu.vector_load %arg7[%get3A_277] {strides = array<i32>} : memref<128xi32, #tpu.memory_space<vmem>>, vector<16xi32>,
    %get3A_279 = vector.shape_cast %get3A_278 : vector<16xi32> to vector<16xi32>
    %get3A_280 = arith.constant 96 : index
    %get3A_281 = tpu.vector_load %arg8[%get3A_280] {strides = array<i32>} : memref<128xi32, #tpu.memory_space<vmem>>, vector<16xi32>,
    %get3A_282 = vector.shape_cast %get3A_281 : vector<16xi32> to vector<16xi32>
    %get3A_283 = arith.constant 96 : index
    %get3A_284 = tpu.vector_load %arg9[%get3A_283] {strides = array<i32>} : memref<128xi32, #tpu.memory_space<vmem>>, vector<16xi32>,
    %get3A_285 = vector.shape_cast %get3A_284 : vector<16xi32> to vector<16xi32>
    %mul3A_286 = arith.constant 64 : i32
    %mul3A_287 = vector.broadcast %mul3A_286 : i32 to vector<16xi32>
    %mul3A_288 = arith.muli %get3A_279, %mul3A_287 : vector<16xi32>
    %add3A_289 = arith.addi %mul3A_288, %get3A_282 : vector<16xi32>
    %mul3A_290 = arith.constant 64 : i32
    %mul3A_291 = vector.broadcast %mul3A_290 : i32 to vector<16xi32>
    %mul3A_292 = arith.muli %add3A_289, %mul3A_291 : vector<16xi32>
    %add3A_293 = arith.addi %mul3A_292, %get3A_285 : vector<16xi32>
    %ge3A_294 = arith.constant 1 : i32
    %ge3A_295 = vector.broadcast %ge3A_294 : i32 to vector<16xi32>
    %ge3A_296 = arith.cmpi sge, %get3A_282, %ge3A_295 : vector<16xi32>
    %sub3A_297 = arith.constant 64 : i32
    %sub3A_298 = vector.broadcast %sub3A_297 : i32 to vector<16xi32>
    %sub3A_299 = arith.subi %add3A_293, %sub3A_298 : vector<16xi32>
    %jit3A_300 = arith.constant 32768 : i32
    %broadcast_in_dim3A_301 = vector.broadcast %jit3A_300 : i32 to vector<16xi32>
    %select_n3A_302 = arith.select %ge3A_296, %sub3A_299, %broadcast_in_dim3A_301 : vector<16xi1>, vector<16xi32>
    %swap3A_303 = arith.constant 96 : index
    %swap3A_304 = tpu.vector_load %arg10[%swap3A_303] {strides = array<i32>} : memref<128xi32, #tpu.memory_space<vmem>>, vector<16xi32>,
    %swap3A_305 = vector.shape_cast %swap3A_304 : vector<16xi32> to vector<16xi32>
    %swap3A_306 = vector.shape_cast %select_n3A_302 : vector<16xi32> to vector<16xi32>
    tpu.vector_store %arg10[%swap3A_303], %swap3A_306 {strides = array<i32>} : memref<128xi32, #tpu.memory_space<vmem>>, vector<16xi32>,
    %swap3A_307 = arith.constant 96 : index
    %swap3A_308 = tpu.vector_load %arg11[%swap3A_307] {strides = array<i32>} : memref<128xi32, #tpu.memory_space<vmem>>, vector<16xi32>,
    %swap3A_309 = vector.shape_cast %swap3A_308 : vector<16xi32> to vector<16xi32>
    %swap3A_310 = vector.shape_cast %add3A_293 : vector<16xi32> to vector<16xi32>
    tpu.vector_store %arg11[%swap3A_307], %swap3A_310 {strides = array<i32>} : memref<128xi32, #tpu.memory_space<vmem>>, vector<16xi32>,
    %le3A_311 = arith.constant 62 : i32
    %le3A_312 = vector.broadcast %le3A_311 : i32 to vector<16xi32>
    %le3A_313 = arith.cmpi sle, %get3A_282, %le3A_312 : vector<16xi32>
    %add3A_314 = arith.constant 64 : i32
    %add3A_315 = vector.broadcast %add3A_314 : i32 to vector<16xi32>
    %add3A_316 = arith.addi %add3A_293, %add3A_315 : vector<16xi32>
    %jit3A_317 = arith.constant 32768 : i32
    %broadcast_in_dim3A_318 = vector.broadcast %jit3A_317 : i32 to vector<16xi32>
    %select_n3A_319 = arith.select %le3A_313, %add3A_316, %broadcast_in_dim3A_318 : vector<16xi1>, vector<16xi32>
    %swap3A_320 = arith.constant 96 : index
    %swap3A_321 = tpu.vector_load %arg12[%swap3A_320] {strides = array<i32>} : memref<128xi32, #tpu.memory_space<vmem>>, vector<16xi32>,
    %swap3A_322 = vector.shape_cast %swap3A_321 : vector<16xi32> to vector<16xi32>
    %swap3A_323 = vector.shape_cast %select_n3A_319 : vector<16xi32> to vector<16xi32>
    tpu.vector_store %arg12[%swap3A_320], %swap3A_323 {strides = array<i32>} : memref<128xi32, #tpu.memory_space<vmem>>, vector<16xi32>,
    %get3A_324 = arith.constant 112 : index
    %get3A_325 = tpu.vector_load %arg7[%get3A_324] {strides = array<i32>} : memref<128xi32, #tpu.memory_space<vmem>>, vector<16xi32>,
    %get3A_326 = vector.shape_cast %get3A_325 : vector<16xi32> to vector<16xi32>
    %get3A_327 = arith.constant 112 : index
    %get3A_328 = tpu.vector_load %arg8[%get3A_327] {strides = array<i32>} : memref<128xi32, #tpu.memory_space<vmem>>, vector<16xi32>,
    %get3A_329 = vector.shape_cast %get3A_328 : vector<16xi32> to vector<16xi32>
    %get3A_330 = arith.constant 112 : index
    %get3A_331 = tpu.vector_load %arg9[%get3A_330] {strides = array<i32>} : memref<128xi32, #tpu.memory_space<vmem>>, vector<16xi32>,
    %get3A_332 = vector.shape_cast %get3A_331 : vector<16xi32> to vector<16xi32>
    %mul3A_333 = arith.constant 64 : i32
    %mul3A_334 = vector.broadcast %mul3A_333 : i32 to vector<16xi32>
    %mul3A_335 = arith.muli %get3A_326, %mul3A_334 : vector<16xi32>
    %add3A_336 = arith.addi %mul3A_335, %get3A_329 : vector<16xi32>
    %mul3A_337 = arith.constant 64 : i32
    %mul3A_338 = vector.broadcast %mul3A_337 : i32 to vector<16xi32>
    %mul3A_339 = arith.muli %add3A_336, %mul3A_338 : vector<16xi32>
    %add3A_340 = arith.addi %mul3A_339, %get3A_332 : vector<16xi32>
    %ge3A_341 = arith.constant 1 : i32
    %ge3A_342 = vector.broadcast %ge3A_341 : i32 to vector<16xi32>
    %ge3A_343 = arith.cmpi sge, %get3A_329, %ge3A_342 : vector<16xi32>
    %sub3A_344 = arith.constant 64 : i32
    %sub3A_345 = vector.broadcast %sub3A_344 : i32 to vector<16xi32>
    %sub3A_346 = arith.subi %add3A_340, %sub3A_345 : vector<16xi32>
    %jit3A_347 = arith.constant 32768 : i32
    %broadcast_in_dim3A_348 = vector.broadcast %jit3A_347 : i32 to vector<16xi32>
    %select_n3A_349 = arith.select %ge3A_343, %sub3A_346, %broadcast_in_dim3A_348 : vector<16xi1>, vector<16xi32>
    %swap3A_350 = arith.constant 112 : index
    %swap3A_351 = tpu.vector_load %arg10[%swap3A_350] {strides = array<i32>} : memref<128xi32, #tpu.memory_space<vmem>>, vector<16xi32>,
    %swap3A_352 = vector.shape_cast %swap3A_351 : vector<16xi32> to vector<16xi32>
    %swap3A_353 = vector.shape_cast %select_n3A_349 : vector<16xi32> to vector<16xi32>
    tpu.vector_store %arg10[%swap3A_350], %swap3A_353 {strides = array<i32>} : memref<128xi32, #tpu.memory_space<vmem>>, vector<16xi32>,
    %swap3A_354 = arith.constant 112 : index
    %swap3A_355 = tpu.vector_load %arg11[%swap3A_354] {strides = array<i32>} : memref<128xi32, #tpu.memory_space<vmem>>, vector<16xi32>,
    %swap3A_356 = vector.shape_cast %swap3A_355 : vector<16xi32> to vector<16xi32>
    %swap3A_357 = vector.shape_cast %add3A_340 : vector<16xi32> to vector<16xi32>
    tpu.vector_store %arg11[%swap3A_354], %swap3A_357 {strides = array<i32>} : memref<128xi32, #tpu.memory_space<vmem>>, vector<16xi32>,
    %le3A_358 = arith.constant 62 : i32
    %le3A_359 = vector.broadcast %le3A_358 : i32 to vector<16xi32>
    %le3A_360 = arith.cmpi sle, %get3A_329, %le3A_359 : vector<16xi32>
    %add3A_361 = arith.constant 64 : i32
    %add3A_362 = vector.broadcast %add3A_361 : i32 to vector<16xi32>
    %add3A_363 = arith.addi %add3A_340, %add3A_362 : vector<16xi32>
    %jit3A_364 = arith.constant 32768 : i32
    %broadcast_in_dim3A_365 = vector.broadcast %jit3A_364 : i32 to vector<16xi32>
    %select_n3A_366 = arith.select %le3A_360, %add3A_363, %broadcast_in_dim3A_365 : vector<16xi1>, vector<16xi32>
    %swap3A_367 = arith.constant 112 : index
    %swap3A_368 = tpu.vector_load %arg12[%swap3A_367] {strides = array<i32>} : memref<128xi32, #tpu.memory_space<vmem>>, vector<16xi32>,
    %swap3A_369 = vector.shape_cast %swap3A_368 : vector<16xi32> to vector<16xi32>
    %swap3A_370 = vector.shape_cast %select_n3A_366 : vector<16xi32> to vector<16xi32>
    tpu.vector_store %arg12[%swap3A_367], %swap3A_370 {strides = array<i32>} : memref<128xi32, #tpu.memory_space<vmem>>, vector<16xi32>,
    %dma_start3A = arith.constant 0 : i32
    %dma_start3A_371 = tpu.memref_slice %arg10[%dma_start3A] : memref<128xi32, #tpu.memory_space<vmem>> -> memref<128xi32, #tpu.memory_space<vmem>>
    %dma_start3A_372 = arith.constant 0 : i32
    %dma_start3A_373 = arith.constant 0 : i32
    %dma_start3A_374 = tpu.memref_slice %arg2[%dma_start3A_372, %dma_start3A_373] : memref<36864x384xi32, #tpu.memory_space<hbm>> -> memref<36864x384xi32, #tpu.memory_space<hbm>>
    tpu.enqueue_indirect_dma source(%dma_start3A_374 : memref<36864x384xi32, #tpu.memory_space<hbm>>) target(%arg13 : memref<128x384xi32, #tpu.memory_space<vmem>>) offsets(%dma_start3A_371 : memref<128xi32, #tpu.memory_space<vmem>>) semaphore(%arg15 : memref<!tpu.dma_semaphore, #tpu.memory_space<semaphore_mem>>)
    %dma_start3A_375 = arith.constant 0 : i32
    %dma_start3A_376 = tpu.memref_slice %arg11[%dma_start3A_375] : memref<128xi32, #tpu.memory_space<vmem>> -> memref<128xi32, #tpu.memory_space<vmem>>
    %dma_start3A_377 = arith.constant 0 : i32
    %dma_start3A_378 = arith.constant 0 : i32
    %dma_start3A_379 = tpu.memref_slice %arg2[%dma_start3A_377, %dma_start3A_378] : memref<36864x384xi32, #tpu.memory_space<hbm>> -> memref<36864x384xi32, #tpu.memory_space<hbm>>
    tpu.enqueue_indirect_dma source(%dma_start3A_379 : memref<36864x384xi32, #tpu.memory_space<hbm>>) target(%arg14 : memref<128x384xi32, #tpu.memory_space<vmem>>) offsets(%dma_start3A_376 : memref<128xi32, #tpu.memory_space<vmem>>) semaphore(%arg16 : memref<!tpu.dma_semaphore, #tpu.memory_space<semaphore_mem>>)
    %dma_wait3A = arith.constant 0 : i32
    %dma_wait3A_380 = tpu.memref_slice %arg10[%dma_wait3A] : memref<128xi32, #tpu.memory_space<vmem>> -> memref<128xi32, #tpu.memory_space<vmem>>
    %dma_wait3A_381 = arith.constant 0 : i32
    %dma_wait3A_382 = arith.constant 0 : i32
    %dma_wait3A_383 = tpu.memref_slice %arg2[%dma_wait3A_381, %dma_wait3A_382] : memref<36864x384xi32, #tpu.memory_space<hbm>> -> memref<36864x384xi32, #tpu.memory_space<hbm>>
    tpu.wait_indirect_dma semaphore(%arg15 : memref<!tpu.dma_semaphore, #tpu.memory_space<semaphore_mem>>) src(%dma_wait3A_383 : memref<36864x384xi32, #tpu.memory_space<hbm>>) dst(%arg13 : memref<128x384xi32, #tpu.memory_space<vmem>>)
    %add3A_384 = arith.constant 0 : i32
    %add3A_385 = arith.addi %mul3A_2, %add3A_384 : i32
    %dma_start3A_386 = arith.constant 0 : i32
    %dma_start3A_387 = arith.constant 0 : i32
    %dma_start3A_388 = tpu.memref_slice %arg6[%dma_start3A_386, %add3A_385, %dma_start3A_387] : memref<3x4096x384xi32, #tpu.memory_space<hbm>> -> memref<1x128x384xi32, #tpu.memory_space<hbm>>
    %dma_start3A_389 = tpu.memref_squeeze %dma_start3A_388 : memref<1x128x384xi32, #tpu.memory_space<hbm>> -> memref<128x384xi32, #tpu.memory_space<hbm>>
    %dma_start3A_390 = arith.constant 0 : i32
    %dma_start3A_391 = tpu.memref_slice %arg6[%dma_start3A_386, %add3A_385, %dma_start3A_390] : memref<3x4096x384xi32, #tpu.memory_space<hbm>> -> memref<1x128x384xi32, #tpu.memory_space<hbm>>
    %dma_start3A_392 = tpu.memref_squeeze %dma_start3A_391 : memref<1x128x384xi32, #tpu.memory_space<hbm>> -> memref<128x384xi32, #tpu.memory_space<hbm>>
    tpu.enqueue_dma source(%arg13 : memref<128x384xi32, #tpu.memory_space<vmem>>) target(%dma_start3A_392 : memref<128x384xi32, #tpu.memory_space<hbm>>) target_semaphore(%arg17 : memref<!tpu.dma_semaphore, #tpu.memory_space<semaphore_mem>>)
    %dma_wait3A_393 = arith.constant 0 : i32
    %dma_wait3A_394 = arith.constant 0 : i32
    %dma_wait3A_395 = tpu.memref_slice %arg6[%dma_wait3A_393, %add3A_385, %dma_wait3A_394] : memref<3x4096x384xi32, #tpu.memory_space<hbm>> -> memref<1x128x384xi32, #tpu.memory_space<hbm>>
    %dma_wait3A_396 = tpu.memref_squeeze %dma_wait3A_395 : memref<1x128x384xi32, #tpu.memory_space<hbm>> -> memref<128x384xi32, #tpu.memory_space<hbm>>
    %dma_wait3A_397 = arith.constant 0 : i32
    %dma_wait3A_398 = tpu.memref_slice %arg6[%dma_wait3A_393, %add3A_385, %dma_wait3A_397] : memref<3x4096x384xi32, #tpu.memory_space<hbm>> -> memref<1x128x384xi32, #tpu.memory_space<hbm>>
    %dma_wait3A_399 = tpu.memref_squeeze %dma_wait3A_398 : memref<1x128x384xi32, #tpu.memory_space<hbm>> -> memref<128x384xi32, #tpu.memory_space<hbm>>
    tpu.wait_dma2 semaphore(%arg17 : memref<!tpu.dma_semaphore, #tpu.memory_space<semaphore_mem>>) src(%arg13 : memref<128x384xi32, #tpu.memory_space<vmem>>) dst(%dma_wait3A_399 : memref<128x384xi32, #tpu.memory_space<hbm>>)
    %dma_start3A_400 = arith.constant 0 : i32
    %dma_start3A_401 = tpu.memref_slice %arg12[%dma_start3A_400] : memref<128xi32, #tpu.memory_space<vmem>> -> memref<128xi32, #tpu.memory_space<vmem>>
    %dma_start3A_402 = arith.constant 0 : i32
    %dma_start3A_403 = arith.constant 0 : i32
    %dma_start3A_404 = tpu.memref_slice %arg2[%dma_start3A_402, %dma_start3A_403] : memref<36864x384xi32, #tpu.memory_space<hbm>> -> memref<36864x384xi32, #tpu.memory_space<hbm>>
    tpu.enqueue_indirect_dma source(%dma_start3A_404 : memref<36864x384xi32, #tpu.memory_space<hbm>>) target(%arg13 : memref<128x384xi32, #tpu.memory_space<vmem>>) offsets(%dma_start3A_401 : memref<128xi32, #tpu.memory_space<vmem>>) semaphore(%arg15 : memref<!tpu.dma_semaphore, #tpu.memory_space<semaphore_mem>>)
    %dma_wait3A_405 = arith.constant 0 : i32
    %dma_wait3A_406 = tpu.memref_slice %arg11[%dma_wait3A_405] : memref<128xi32, #tpu.memory_space<vmem>> -> memref<128xi32, #tpu.memory_space<vmem>>
    %dma_wait3A_407 = arith.constant 0 : i32
    %dma_wait3A_408 = arith.constant 0 : i32
    %dma_wait3A_409 = tpu.memref_slice %arg2[%dma_wait3A_407, %dma_wait3A_408] : memref<36864x384xi32, #tpu.memory_space<hbm>> -> memref<36864x384xi32, #tpu.memory_space<hbm>>
    tpu.wait_indirect_dma semaphore(%arg16 : memref<!tpu.dma_semaphore, #tpu.memory_space<semaphore_mem>>) src(%dma_wait3A_409 : memref<36864x384xi32, #tpu.memory_space<hbm>>) dst(%arg14 : memref<128x384xi32, #tpu.memory_space<vmem>>)
    %add3A_410 = arith.constant 0 : i32
    %add3A_411 = arith.addi %mul3A_2, %add3A_410 : i32
    %dma_start3A_412 = arith.constant 1 : i32
    %dma_start3A_413 = arith.constant 0 : i32
    %dma_start3A_414 = tpu.memref_slice %arg6[%dma_start3A_412, %add3A_411, %dma_start3A_413] : memref<3x4096x384xi32, #tpu.memory_space<hbm>> -> memref<1x128x384xi32, #tpu.memory_space<hbm>>
    %dma_start3A_415 = tpu.memref_squeeze %dma_start3A_414 : memref<1x128x384xi32, #tpu.memory_space<hbm>> -> memref<128x384xi32, #tpu.memory_space<hbm>>
    %dma_start3A_416 = arith.constant 0 : i32
    %dma_start3A_417 = tpu.memref_slice %arg6[%dma_start3A_412, %add3A_411, %dma_start3A_416] : memref<3x4096x384xi32, #tpu.memory_space<hbm>> -> memref<1x128x384xi32, #tpu.memory_space<hbm>>
    %dma_start3A_418 = tpu.memref_squeeze %dma_start3A_417 : memref<1x128x384xi32, #tpu.memory_space<hbm>> -> memref<128x384xi32, #tpu.memory_space<hbm>>
    tpu.enqueue_dma source(%arg14 : memref<128x384xi32, #tpu.memory_space<vmem>>) target(%dma_start3A_418 : memref<128x384xi32, #tpu.memory_space<hbm>>) target_semaphore(%arg18 : memref<!tpu.dma_semaphore, #tpu.memory_space<semaphore_mem>>)
    %dma_wait3A_419 = arith.constant 0 : i32
    %dma_wait3A_420 = tpu.memref_slice %arg12[%dma_wait3A_419] : memref<128xi32, #tpu.memory_space<vmem>> -> memref<128xi32, #tpu.memory_space<vmem>>
    %dma_wait3A_421 = arith.constant 0 : i32
    %dma_wait3A_422 = arith.constant 0 : i32
    %dma_wait3A_423 = tpu.memref_slice %arg2[%dma_wait3A_421, %dma_wait3A_422] : memref<36864x384xi32, #tpu.memory_space<hbm>> -> memref<36864x384xi32, #tpu.memory_space<hbm>>
    tpu.wait_indirect_dma semaphore(%arg15 : memref<!tpu.dma_semaphore, #tpu.memory_space<semaphore_mem>>) src(%dma_wait3A_423 : memref<36864x384xi32, #tpu.memory_space<hbm>>) dst(%arg13 : memref<128x384xi32, #tpu.memory_space<vmem>>)
    %add3A_424 = arith.constant 0 : i32
    %add3A_425 = arith.addi %mul3A_2, %add3A_424 : i32
    %dma_start3A_426 = arith.constant 2 : i32
    %dma_start3A_427 = arith.constant 0 : i32
    %dma_start3A_428 = tpu.memref_slice %arg6[%dma_start3A_426, %add3A_425, %dma_start3A_427] : memref<3x4096x384xi32, #tpu.memory_space<hbm>> -> memref<1x128x384xi32, #tpu.memory_space<hbm>>
    %dma_start3A_429 = tpu.memref_squeeze %dma_start3A_428 : memref<1x128x384xi32, #tpu.memory_space<hbm>> -> memref<128x384xi32, #tpu.memory_space<hbm>>
    %dma_start3A_430 = arith.constant 0 : i32
    %dma_start3A_431 = tpu.memref_slice %arg6[%dma_start3A_426, %add3A_425, %dma_start3A_430] : memref<3x4096x384xi32, #tpu.memory_space<hbm>> -> memref<1x128x384xi32, #tpu.memory_space<hbm>>
    %dma_start3A_432 = tpu.memref_squeeze %dma_start3A_431 : memref<1x128x384xi32, #tpu.memory_space<hbm>> -> memref<128x384xi32, #tpu.memory_space<hbm>>
    tpu.enqueue_dma source(%arg13 : memref<128x384xi32, #tpu.memory_space<vmem>>) target(%dma_start3A_432 : memref<128x384xi32, #tpu.memory_space<hbm>>) target_semaphore(%arg17 : memref<!tpu.dma_semaphore, #tpu.memory_space<semaphore_mem>>)
    %dma_wait3A_433 = arith.constant 2 : i32
    %dma_wait3A_434 = arith.constant 0 : i32
    %dma_wait3A_435 = tpu.memref_slice %arg6[%dma_wait3A_433, %add3A_425, %dma_wait3A_434] : memref<3x4096x384xi32, #tpu.memory_space<hbm>> -> memref<1x128x384xi32, #tpu.memory_space<hbm>>
    %dma_wait3A_436 = tpu.memref_squeeze %dma_wait3A_435 : memref<1x128x384xi32, #tpu.memory_space<hbm>> -> memref<128x384xi32, #tpu.memory_space<hbm>>
    %dma_wait3A_437 = arith.constant 0 : i32
    %dma_wait3A_438 = tpu.memref_slice %arg6[%dma_wait3A_433, %add3A_425, %dma_wait3A_437] : memref<3x4096x384xi32, #tpu.memory_space<hbm>> -> memref<1x128x384xi32, #tpu.memory_space<hbm>>
    %dma_wait3A_439 = tpu.memref_squeeze %dma_wait3A_438 : memref<1x128x384xi32, #tpu.memory_space<hbm>> -> memref<128x384xi32, #tpu.memory_space<hbm>>
    tpu.wait_dma2 semaphore(%arg17 : memref<!tpu.dma_semaphore, #tpu.memory_space<semaphore_mem>>) src(%arg13 : memref<128x384xi32, #tpu.memory_space<vmem>>) dst(%dma_wait3A_439 : memref<128x384xi32, #tpu.memory_space<hbm>>)
    %dma_wait3A_440 = arith.constant 1 : i32
    %dma_wait3A_441 = arith.constant 0 : i32
    %dma_wait3A_442 = tpu.memref_slice %arg6[%dma_wait3A_440, %add3A_411, %dma_wait3A_441] : memref<3x4096x384xi32, #tpu.memory_space<hbm>> -> memref<1x128x384xi32, #tpu.memory_space<hbm>>
    %dma_wait3A_443 = tpu.memref_squeeze %dma_wait3A_442 : memref<1x128x384xi32, #tpu.memory_space<hbm>> -> memref<128x384xi32, #tpu.memory_space<hbm>>
    %dma_wait3A_444 = arith.constant 0 : i32
    %dma_wait3A_445 = tpu.memref_slice %arg6[%dma_wait3A_440, %add3A_411, %dma_wait3A_444] : memref<3x4096x384xi32, #tpu.memory_space<hbm>> -> memref<1x128x384xi32, #tpu.memory_space<hbm>>
    %dma_wait3A_446 = tpu.memref_squeeze %dma_wait3A_445 : memref<1x128x384xi32, #tpu.memory_space<hbm>> -> memref<128x384xi32, #tpu.memory_space<hbm>>
    tpu.wait_dma2 semaphore(%arg18 : memref<!tpu.dma_semaphore, #tpu.memory_space<semaphore_mem>>) src(%arg14 : memref<128x384xi32, #tpu.memory_space<vmem>>) dst(%dma_wait3A_446 : memref<128x384xi32, #tpu.memory_space<hbm>>)
    return
  }
}

#map = affine_map<(d0, d1) -> (0, 0)>
#map1 = affine_map<(d0, d1) -> (0)>
#map2 = affine_map<(d0, d1) -> (0, 0, 0)>
module attributes {stable_mosaic.version = 14 : i64} {
  func.func @_gather_body(%arg0: i32, %arg1: i32, %arg2: memref<36864x384xi32, #tpu.memory_space<hbm>>, %arg3: memref<4096xi32, #tpu.memory_space<hbm>>, %arg4: memref<4096xi32, #tpu.memory_space<hbm>>, %arg5: memref<4096xi32, #tpu.memory_space<hbm>>, %arg6: memref<3x4096x384xi32, #tpu.memory_space<hbm>>, %arg7: memref<128xi32, #tpu.memory_space<vmem>>, %arg8: memref<128xi32, #tpu.memory_space<vmem>>, %arg9: memref<128xi32, #tpu.memory_space<vmem>>, %arg10: memref<128xi32, #tpu.memory_space<vmem>>, %arg11: memref<128xi32, #tpu.memory_space<vmem>>, %arg12: memref<128xi32, #tpu.memory_space<vmem>>, %arg13: memref<128x384xi32, #tpu.memory_space<vmem>>, %arg14: memref<128x384xi32, #tpu.memory_space<vmem>>, %arg15: memref<!tpu.dma_semaphore, #tpu.memory_space<semaphore_mem>>, %arg16: memref<!tpu.dma_semaphore, #tpu.memory_space<semaphore_mem>>, %arg17: memref<!tpu.dma_semaphore, #tpu.memory_space<semaphore_mem>>, %arg18: memref<!tpu.dma_semaphore, #tpu.memory_space<semaphore_mem>>, %arg19: memref<!tpu.dma_semaphore, #tpu.memory_space<semaphore_mem>>, %arg20: memref<!tpu.dma_semaphore, #tpu.memory_space<semaphore_mem>>) attributes {dimension_semantics = [#tpu.dimension_semantics<core_parallel>, #tpu.dimension_semantics<subcore_parallel>], iteration_bounds = array<i64: 2, 16>, scalar_prefetch = 0 : i64, scratch_operands = 14 : i64, tpu.core_type = #tpu.core_type<sc_vector_subcore>, window_params = [{transform_indices = #map}, {transform_indices = #map1}, {transform_indices = #map1}, {transform_indices = #map1}, {transform_indices = #map2}]} {
    %mul3A = arith.constant 2 : i32
    %mul3A_0 = arith.muli %arg1, %mul3A : i32
    %add3A = arith.addi %mul3A_0, %arg0 : i32
    %mul3A_1 = arith.constant 128 : i32
    %mul3A_2 = arith.muli %add3A, %mul3A_1 : i32
    "tpu.region"() ({
      %run_scoped3A = tpu.sem_alloc : memref<!tpu.dma_semaphore, #tpu.memory_space<semaphore_mem>>
      %dma_start3A_447 = tpu.memref_slice %arg3[%mul3A_2] : memref<4096xi32, #tpu.memory_space<hbm>> -> memref<128xi32, #tpu.memory_space<hbm>>
      %dma_start3A_448 = tpu.memref_slice %arg3[%mul3A_2] : memref<4096xi32, #tpu.memory_space<hbm>> -> memref<128xi32, #tpu.memory_space<hbm>>
      tpu.enqueue_dma source(%dma_start3A_448 : memref<128xi32, #tpu.memory_space<hbm>>) target(%arg7 : memref<128xi32, #tpu.memory_space<vmem>>) target_semaphore(%run_scoped3A : memref<!tpu.dma_semaphore, #tpu.memory_space<semaphore_mem>>)
      %dma_wait3A_449 = tpu.memref_slice %arg3[%mul3A_2] : memref<4096xi32, #tpu.memory_space<hbm>> -> memref<128xi32, #tpu.memory_space<hbm>>
      %dma_wait3A_450 = tpu.memref_slice %arg3[%mul3A_2] : memref<4096xi32, #tpu.memory_space<hbm>> -> memref<128xi32, #tpu.memory_space<hbm>>
      tpu.wait_dma2 semaphore(%run_scoped3A : memref<!tpu.dma_semaphore, #tpu.memory_space<semaphore_mem>>) src(%dma_wait3A_450 : memref<128xi32, #tpu.memory_space<hbm>>) dst(%arg7 : memref<128xi32, #tpu.memory_space<vmem>>)
      tpu.yield
    }) : () -> ()
    "tpu.region"() ({
      %run_scoped3A = tpu.sem_alloc : memref<!tpu.dma_semaphore, #tpu.memory_space<semaphore_mem>>
      %dma_start3A_447 = tpu.memref_slice %arg4[%mul3A_2] : memref<4096xi32, #tpu.memory_space<hbm>> -> memref<128xi32, #tpu.memory_space<hbm>>
      %dma_start3A_448 = tpu.memref_slice %arg4[%mul3A_2] : memref<4096xi32, #tpu.memory_space<hbm>> -> memref<128xi32, #tpu.memory_space<hbm>>
      tpu.enqueue_dma source(%dma_start3A_448 : memref<128xi32, #tpu.memory_space<hbm>>) target(%arg8 : memref<128xi32, #tpu.memory_space<vmem>>) target_semaphore(%run_scoped3A : memref<!tpu.dma_semaphore, #tpu.memory_space<semaphore_mem>>)
      %dma_wait3A_449 = tpu.memref_slice %arg4[%mul3A_2] : memref<4096xi32, #tpu.memory_space<hbm>> -> memref<128xi32, #tpu.memory_space<hbm>>
      %dma_wait3A_450 = tpu.memref_slice %arg4[%mul3A_2] : memref<4096xi32, #tpu.memory_space<hbm>> -> memref<128xi32, #tpu.memory_space<hbm>>
      tpu.wait_dma2 semaphore(%run_scoped3A : memref<!tpu.dma_semaphore, #tpu.memory_space<semaphore_mem>>) src(%dma_wait3A_450 : memref<128xi32, #tpu.memory_space<hbm>>) dst(%arg8 : memref<128xi32, #tpu.memory_space<vmem>>)
      tpu.yield
    }) : () -> ()
    "tpu.region"() ({
      %run_scoped3A = tpu.sem_alloc : memref<!tpu.dma_semaphore, #tpu.memory_space<semaphore_mem>>
      %dma_start3A_447 = tpu.memref_slice %arg5[%mul3A_2] : memref<4096xi32, #tpu.memory_space<hbm>> -> memref<128xi32, #tpu.memory_space<hbm>>
      %dma_start3A_448 = tpu.memref_slice %arg5[%mul3A_2] : memref<4096xi32, #tpu.memory_space<hbm>> -> memref<128xi32, #tpu.memory_space<hbm>>
      tpu.enqueue_dma source(%dma_start3A_448 : memref<128xi32, #tpu.memory_space<hbm>>) target(%arg9 : memref<128xi32, #tpu.memory_space<vmem>>) target_semaphore(%run_scoped3A : memref<!tpu.dma_semaphore, #tpu.memory_space<semaphore_mem>>)
      %dma_wait3A_449 = tpu.memref_slice %arg5[%mul3A_2] : memref<4096xi32, #tpu.memory_space<hbm>> -> memref<128xi32, #tpu.memory_space<hbm>>
      %dma_wait3A_450 = tpu.memref_slice %arg5[%mul3A_2] : memref<4096xi32, #tpu.memory_space<hbm>> -> memref<128xi32, #tpu.memory_space<hbm>>
      tpu.wait_dma2 semaphore(%run_scoped3A : memref<!tpu.dma_semaphore, #tpu.memory_space<semaphore_mem>>) src(%dma_wait3A_450 : memref<128xi32, #tpu.memory_space<hbm>>) dst(%arg9 : memref<128xi32, #tpu.memory_space<vmem>>)
      tpu.yield
    }) : () -> ()
    %get3A = arith.constant 0 : index
    %get3A_3 = tpu.vector_load %arg7[%get3A] {strides = array<i32>} : memref<128xi32, #tpu.memory_space<vmem>>, vector<16xi32>,
    %get3A_4 = vector.shape_cast %get3A_3 : vector<16xi32> to vector<16xi32>
    %get3A_5 = arith.constant 0 : index
    %get3A_6 = tpu.vector_load %arg8[%get3A_5] {strides = array<i32>} : memref<128xi32, #tpu.memory_space<vmem>>, vector<16xi32>,
    %get3A_7 = vector.shape_cast %get3A_6 : vector<16xi32> to vector<16xi32>
    %get3A_8 = arith.constant 0 : index
    %get3A_9 = tpu.vector_load %arg9[%get3A_8] {strides = array<i32>} : memref<128xi32, #tpu.memory_space<vmem>>, vector<16xi32>,
    %get3A_10 = vector.shape_cast %get3A_9 : vector<16xi32> to vector<16xi32>
    %mul3A_11 = arith.constant 64 : i32
    %mul3A_12 = vector.broadcast %mul3A_11 : i32 to vector<16xi32>
    %mul3A_13 = arith.muli %get3A_4, %mul3A_12 : vector<16xi32>
    %add3A_14 = arith.addi %mul3A_13, %get3A_7 : vector<16xi32>
    %mul3A_15 = arith.constant 64 : i32
    %mul3A_16 = vector.broadcast %mul3A_15 : i32 to vector<16xi32>
    %mul3A_17 = arith.muli %add3A_14, %mul3A_16 : vector<16xi32>
    %add3A_18 = arith.addi %mul3A_17, %get3A_10 : vector<16xi32>
    %ge3A = arith.constant 1 : i32
    %ge3A_19 = vector.broadcast %ge3A : i32 to vector<16xi32>
    %ge3A_20 = arith.cmpi sge, %get3A_7, %ge3A_19 : vector<16xi32>
    %sub3A = arith.constant 64 : i32
    %sub3A_21 = vector.broadcast %sub3A : i32 to vector<16xi32>
    %sub3A_22 = arith.subi %add3A_18, %sub3A_21 : vector<16xi32>
    %jit3A = arith.constant 32768 : i32
    %broadcast_in_dim3A = vector.broadcast %jit3A : i32 to vector<16xi32>
    %select_n3A = arith.select %ge3A_20, %sub3A_22, %broadcast_in_dim3A : vector<16xi1>, vector<16xi32>
    %swap3A = arith.constant 0 : index
    %swap3A_23 = tpu.vector_load %arg10[%swap3A] {strides = array<i32>} : memref<128xi32, #tpu.memory_space<vmem>>, vector<16xi32>,
    %swap3A_24 = vector.shape_cast %swap3A_23 : vector<16xi32> to vector<16xi32>
    %swap3A_25 = vector.shape_cast %select_n3A : vector<16xi32> to vector<16xi32>
    tpu.vector_store %arg10[%swap3A], %swap3A_25 {strides = array<i32>} : memref<128xi32, #tpu.memory_space<vmem>>, vector<16xi32>,
    %swap3A_26 = arith.constant 0 : index
    %swap3A_27 = tpu.vector_load %arg11[%swap3A_26] {strides = array<i32>} : memref<128xi32, #tpu.memory_space<vmem>>, vector<16xi32>,
    %swap3A_28 = vector.shape_cast %swap3A_27 : vector<16xi32> to vector<16xi32>
    %swap3A_29 = vector.shape_cast %add3A_18 : vector<16xi32> to vector<16xi32>
    tpu.vector_store %arg11[%swap3A_26], %swap3A_29 {strides = array<i32>} : memref<128xi32, #tpu.memory_space<vmem>>, vector<16xi32>,
    %le3A = arith.constant 62 : i32
    %le3A_30 = vector.broadcast %le3A : i32 to vector<16xi32>
    %le3A_31 = arith.cmpi sle, %get3A_7, %le3A_30 : vector<16xi32>
    %add3A_32 = arith.constant 64 : i32
    %add3A_33 = vector.broadcast %add3A_32 : i32 to vector<16xi32>
    %add3A_34 = arith.addi %add3A_18, %add3A_33 : vector<16xi32>
    %jit3A_35 = arith.constant 32768 : i32
    %broadcast_in_dim3A_36 = vector.broadcast %jit3A_35 : i32 to vector<16xi32>
    %select_n3A_37 = arith.select %le3A_31, %add3A_34, %broadcast_in_dim3A_36 : vector<16xi1>, vector<16xi32>
    %swap3A_38 = arith.constant 0 : index
    %swap3A_39 = tpu.vector_load %arg12[%swap3A_38] {strides = array<i32>} : memref<128xi32, #tpu.memory_space<vmem>>, vector<16xi32>,
    %swap3A_40 = vector.shape_cast %swap3A_39 : vector<16xi32> to vector<16xi32>
    %swap3A_41 = vector.shape_cast %select_n3A_37 : vector<16xi32> to vector<16xi32>
    tpu.vector_store %arg12[%swap3A_38], %swap3A_41 {strides = array<i32>} : memref<128xi32, #tpu.memory_space<vmem>>, vector<16xi32>,
    %get3A_42 = arith.constant 16 : index
    %get3A_43 = tpu.vector_load %arg7[%get3A_42] {strides = array<i32>} : memref<128xi32, #tpu.memory_space<vmem>>, vector<16xi32>,
    %get3A_44 = vector.shape_cast %get3A_43 : vector<16xi32> to vector<16xi32>
    %get3A_45 = arith.constant 16 : index
    %get3A_46 = tpu.vector_load %arg8[%get3A_45] {strides = array<i32>} : memref<128xi32, #tpu.memory_space<vmem>>, vector<16xi32>,
    %get3A_47 = vector.shape_cast %get3A_46 : vector<16xi32> to vector<16xi32>
    %get3A_48 = arith.constant 16 : index
    %get3A_49 = tpu.vector_load %arg9[%get3A_48] {strides = array<i32>} : memref<128xi32, #tpu.memory_space<vmem>>, vector<16xi32>,
    %get3A_50 = vector.shape_cast %get3A_49 : vector<16xi32> to vector<16xi32>
    %mul3A_51 = arith.constant 64 : i32
    %mul3A_52 = vector.broadcast %mul3A_51 : i32 to vector<16xi32>
    %mul3A_53 = arith.muli %get3A_44, %mul3A_52 : vector<16xi32>
    %add3A_54 = arith.addi %mul3A_53, %get3A_47 : vector<16xi32>
    %mul3A_55 = arith.constant 64 : i32
    %mul3A_56 = vector.broadcast %mul3A_55 : i32 to vector<16xi32>
    %mul3A_57 = arith.muli %add3A_54, %mul3A_56 : vector<16xi32>
    %add3A_58 = arith.addi %mul3A_57, %get3A_50 : vector<16xi32>
    %ge3A_59 = arith.constant 1 : i32
    %ge3A_60 = vector.broadcast %ge3A_59 : i32 to vector<16xi32>
    %ge3A_61 = arith.cmpi sge, %get3A_47, %ge3A_60 : vector<16xi32>
    %sub3A_62 = arith.constant 64 : i32
    %sub3A_63 = vector.broadcast %sub3A_62 : i32 to vector<16xi32>
    %sub3A_64 = arith.subi %add3A_58, %sub3A_63 : vector<16xi32>
    %jit3A_65 = arith.constant 32768 : i32
    %broadcast_in_dim3A_66 = vector.broadcast %jit3A_65 : i32 to vector<16xi32>
    %select_n3A_67 = arith.select %ge3A_61, %sub3A_64, %broadcast_in_dim3A_66 : vector<16xi1>, vector<16xi32>
    %swap3A_68 = arith.constant 16 : index
    %swap3A_69 = tpu.vector_load %arg10[%swap3A_68] {strides = array<i32>} : memref<128xi32, #tpu.memory_space<vmem>>, vector<16xi32>,
    %swap3A_70 = vector.shape_cast %swap3A_69 : vector<16xi32> to vector<16xi32>
    %swap3A_71 = vector.shape_cast %select_n3A_67 : vector<16xi32> to vector<16xi32>
    tpu.vector_store %arg10[%swap3A_68], %swap3A_71 {strides = array<i32>} : memref<128xi32, #tpu.memory_space<vmem>>, vector<16xi32>,
    %swap3A_72 = arith.constant 16 : index
    %swap3A_73 = tpu.vector_load %arg11[%swap3A_72] {strides = array<i32>} : memref<128xi32, #tpu.memory_space<vmem>>, vector<16xi32>,
    %swap3A_74 = vector.shape_cast %swap3A_73 : vector<16xi32> to vector<16xi32>
    %swap3A_75 = vector.shape_cast %add3A_58 : vector<16xi32> to vector<16xi32>
    tpu.vector_store %arg11[%swap3A_72], %swap3A_75 {strides = array<i32>} : memref<128xi32, #tpu.memory_space<vmem>>, vector<16xi32>,
    %le3A_76 = arith.constant 62 : i32
    %le3A_77 = vector.broadcast %le3A_76 : i32 to vector<16xi32>
    %le3A_78 = arith.cmpi sle, %get3A_47, %le3A_77 : vector<16xi32>
    %add3A_79 = arith.constant 64 : i32
    %add3A_80 = vector.broadcast %add3A_79 : i32 to vector<16xi32>
    %add3A_81 = arith.addi %add3A_58, %add3A_80 : vector<16xi32>
    %jit3A_82 = arith.constant 32768 : i32
    %broadcast_in_dim3A_83 = vector.broadcast %jit3A_82 : i32 to vector<16xi32>
    %select_n3A_84 = arith.select %le3A_78, %add3A_81, %broadcast_in_dim3A_83 : vector<16xi1>, vector<16xi32>
    %swap3A_85 = arith.constant 16 : index
    %swap3A_86 = tpu.vector_load %arg12[%swap3A_85] {strides = array<i32>} : memref<128xi32, #tpu.memory_space<vmem>>, vector<16xi32>,
    %swap3A_87 = vector.shape_cast %swap3A_86 : vector<16xi32> to vector<16xi32>
    %swap3A_88 = vector.shape_cast %select_n3A_84 : vector<16xi32> to vector<16xi32>
    tpu.vector_store %arg12[%swap3A_85], %swap3A_88 {strides = array<i32>} : memref<128xi32, #tpu.memory_space<vmem>>, vector<16xi32>,
    %get3A_89 = arith.constant 32 : index
    %get3A_90 = tpu.vector_load %arg7[%get3A_89] {strides = array<i32>} : memref<128xi32, #tpu.memory_space<vmem>>, vector<16xi32>,
    %get3A_91 = vector.shape_cast %get3A_90 : vector<16xi32> to vector<16xi32>
    %get3A_92 = arith.constant 32 : index
    %get3A_93 = tpu.vector_load %arg8[%get3A_92] {strides = array<i32>} : memref<128xi32, #tpu.memory_space<vmem>>, vector<16xi32>,
    %get3A_94 = vector.shape_cast %get3A_93 : vector<16xi32> to vector<16xi32>
    %get3A_95 = arith.constant 32 : index
    %get3A_96 = tpu.vector_load %arg9[%get3A_95] {strides = array<i32>} : memref<128xi32, #tpu.memory_space<vmem>>, vector<16xi32>,
    %get3A_97 = vector.shape_cast %get3A_96 : vector<16xi32> to vector<16xi32>
    %mul3A_98 = arith.constant 64 : i32
    %mul3A_99 = vector.broadcast %mul3A_98 : i32 to vector<16xi32>
    %mul3A_100 = arith.muli %get3A_91, %mul3A_99 : vector<16xi32>
    %add3A_101 = arith.addi %mul3A_100, %get3A_94 : vector<16xi32>
    %mul3A_102 = arith.constant 64 : i32
    %mul3A_103 = vector.broadcast %mul3A_102 : i32 to vector<16xi32>
    %mul3A_104 = arith.muli %add3A_101, %mul3A_103 : vector<16xi32>
    %add3A_105 = arith.addi %mul3A_104, %get3A_97 : vector<16xi32>
    %ge3A_106 = arith.constant 1 : i32
    %ge3A_107 = vector.broadcast %ge3A_106 : i32 to vector<16xi32>
    %ge3A_108 = arith.cmpi sge, %get3A_94, %ge3A_107 : vector<16xi32>
    %sub3A_109 = arith.constant 64 : i32
    %sub3A_110 = vector.broadcast %sub3A_109 : i32 to vector<16xi32>
    %sub3A_111 = arith.subi %add3A_105, %sub3A_110 : vector<16xi32>
    %jit3A_112 = arith.constant 32768 : i32
    %broadcast_in_dim3A_113 = vector.broadcast %jit3A_112 : i32 to vector<16xi32>
    %select_n3A_114 = arith.select %ge3A_108, %sub3A_111, %broadcast_in_dim3A_113 : vector<16xi1>, vector<16xi32>
    %swap3A_115 = arith.constant 32 : index
    %swap3A_116 = tpu.vector_load %arg10[%swap3A_115] {strides = array<i32>} : memref<128xi32, #tpu.memory_space<vmem>>, vector<16xi32>,
    %swap3A_117 = vector.shape_cast %swap3A_116 : vector<16xi32> to vector<16xi32>
    %swap3A_118 = vector.shape_cast %select_n3A_114 : vector<16xi32> to vector<16xi32>
    tpu.vector_store %arg10[%swap3A_115], %swap3A_118 {strides = array<i32>} : memref<128xi32, #tpu.memory_space<vmem>>, vector<16xi32>,
    %swap3A_119 = arith.constant 32 : index
    %swap3A_120 = tpu.vector_load %arg11[%swap3A_119] {strides = array<i32>} : memref<128xi32, #tpu.memory_space<vmem>>, vector<16xi32>,
    %swap3A_121 = vector.shape_cast %swap3A_120 : vector<16xi32> to vector<16xi32>
    %swap3A_122 = vector.shape_cast %add3A_105 : vector<16xi32> to vector<16xi32>
    tpu.vector_store %arg11[%swap3A_119], %swap3A_122 {strides = array<i32>} : memref<128xi32, #tpu.memory_space<vmem>>, vector<16xi32>,
    %le3A_123 = arith.constant 62 : i32
    %le3A_124 = vector.broadcast %le3A_123 : i32 to vector<16xi32>
    %le3A_125 = arith.cmpi sle, %get3A_94, %le3A_124 : vector<16xi32>
    %add3A_126 = arith.constant 64 : i32
    %add3A_127 = vector.broadcast %add3A_126 : i32 to vector<16xi32>
    %add3A_128 = arith.addi %add3A_105, %add3A_127 : vector<16xi32>
    %jit3A_129 = arith.constant 32768 : i32
    %broadcast_in_dim3A_130 = vector.broadcast %jit3A_129 : i32 to vector<16xi32>
    %select_n3A_131 = arith.select %le3A_125, %add3A_128, %broadcast_in_dim3A_130 : vector<16xi1>, vector<16xi32>
    %swap3A_132 = arith.constant 32 : index
    %swap3A_133 = tpu.vector_load %arg12[%swap3A_132] {strides = array<i32>} : memref<128xi32, #tpu.memory_space<vmem>>, vector<16xi32>,
    %swap3A_134 = vector.shape_cast %swap3A_133 : vector<16xi32> to vector<16xi32>
    %swap3A_135 = vector.shape_cast %select_n3A_131 : vector<16xi32> to vector<16xi32>
    tpu.vector_store %arg12[%swap3A_132], %swap3A_135 {strides = array<i32>} : memref<128xi32, #tpu.memory_space<vmem>>, vector<16xi32>,
    %get3A_136 = arith.constant 48 : index
    %get3A_137 = tpu.vector_load %arg7[%get3A_136] {strides = array<i32>} : memref<128xi32, #tpu.memory_space<vmem>>, vector<16xi32>,
    %get3A_138 = vector.shape_cast %get3A_137 : vector<16xi32> to vector<16xi32>
    %get3A_139 = arith.constant 48 : index
    %get3A_140 = tpu.vector_load %arg8[%get3A_139] {strides = array<i32>} : memref<128xi32, #tpu.memory_space<vmem>>, vector<16xi32>,
    %get3A_141 = vector.shape_cast %get3A_140 : vector<16xi32> to vector<16xi32>
    %get3A_142 = arith.constant 48 : index
    %get3A_143 = tpu.vector_load %arg9[%get3A_142] {strides = array<i32>} : memref<128xi32, #tpu.memory_space<vmem>>, vector<16xi32>,
    %get3A_144 = vector.shape_cast %get3A_143 : vector<16xi32> to vector<16xi32>
    %mul3A_145 = arith.constant 64 : i32
    %mul3A_146 = vector.broadcast %mul3A_145 : i32 to vector<16xi32>
    %mul3A_147 = arith.muli %get3A_138, %mul3A_146 : vector<16xi32>
    %add3A_148 = arith.addi %mul3A_147, %get3A_141 : vector<16xi32>
    %mul3A_149 = arith.constant 64 : i32
    %mul3A_150 = vector.broadcast %mul3A_149 : i32 to vector<16xi32>
    %mul3A_151 = arith.muli %add3A_148, %mul3A_150 : vector<16xi32>
    %add3A_152 = arith.addi %mul3A_151, %get3A_144 : vector<16xi32>
    %ge3A_153 = arith.constant 1 : i32
    %ge3A_154 = vector.broadcast %ge3A_153 : i32 to vector<16xi32>
    %ge3A_155 = arith.cmpi sge, %get3A_141, %ge3A_154 : vector<16xi32>
    %sub3A_156 = arith.constant 64 : i32
    %sub3A_157 = vector.broadcast %sub3A_156 : i32 to vector<16xi32>
    %sub3A_158 = arith.subi %add3A_152, %sub3A_157 : vector<16xi32>
    %jit3A_159 = arith.constant 32768 : i32
    %broadcast_in_dim3A_160 = vector.broadcast %jit3A_159 : i32 to vector<16xi32>
    %select_n3A_161 = arith.select %ge3A_155, %sub3A_158, %broadcast_in_dim3A_160 : vector<16xi1>, vector<16xi32>
    %swap3A_162 = arith.constant 48 : index
    %swap3A_163 = tpu.vector_load %arg10[%swap3A_162] {strides = array<i32>} : memref<128xi32, #tpu.memory_space<vmem>>, vector<16xi32>,
    %swap3A_164 = vector.shape_cast %swap3A_163 : vector<16xi32> to vector<16xi32>
    %swap3A_165 = vector.shape_cast %select_n3A_161 : vector<16xi32> to vector<16xi32>
    tpu.vector_store %arg10[%swap3A_162], %swap3A_165 {strides = array<i32>} : memref<128xi32, #tpu.memory_space<vmem>>, vector<16xi32>,
    %swap3A_166 = arith.constant 48 : index
    %swap3A_167 = tpu.vector_load %arg11[%swap3A_166] {strides = array<i32>} : memref<128xi32, #tpu.memory_space<vmem>>, vector<16xi32>,
    %swap3A_168 = vector.shape_cast %swap3A_167 : vector<16xi32> to vector<16xi32>
    %swap3A_169 = vector.shape_cast %add3A_152 : vector<16xi32> to vector<16xi32>
    tpu.vector_store %arg11[%swap3A_166], %swap3A_169 {strides = array<i32>} : memref<128xi32, #tpu.memory_space<vmem>>, vector<16xi32>,
    %le3A_170 = arith.constant 62 : i32
    %le3A_171 = vector.broadcast %le3A_170 : i32 to vector<16xi32>
    %le3A_172 = arith.cmpi sle, %get3A_141, %le3A_171 : vector<16xi32>
    %add3A_173 = arith.constant 64 : i32
    %add3A_174 = vector.broadcast %add3A_173 : i32 to vector<16xi32>
    %add3A_175 = arith.addi %add3A_152, %add3A_174 : vector<16xi32>
    %jit3A_176 = arith.constant 32768 : i32
    %broadcast_in_dim3A_177 = vector.broadcast %jit3A_176 : i32 to vector<16xi32>
    %select_n3A_178 = arith.select %le3A_172, %add3A_175, %broadcast_in_dim3A_177 : vector<16xi1>, vector<16xi32>
    %swap3A_179 = arith.constant 48 : index
    %swap3A_180 = tpu.vector_load %arg12[%swap3A_179] {strides = array<i32>} : memref<128xi32, #tpu.memory_space<vmem>>, vector<16xi32>,
    %swap3A_181 = vector.shape_cast %swap3A_180 : vector<16xi32> to vector<16xi32>
    %swap3A_182 = vector.shape_cast %select_n3A_178 : vector<16xi32> to vector<16xi32>
    tpu.vector_store %arg12[%swap3A_179], %swap3A_182 {strides = array<i32>} : memref<128xi32, #tpu.memory_space<vmem>>, vector<16xi32>,
    %get3A_183 = arith.constant 64 : index
    %get3A_184 = tpu.vector_load %arg7[%get3A_183] {strides = array<i32>} : memref<128xi32, #tpu.memory_space<vmem>>, vector<16xi32>,
    %get3A_185 = vector.shape_cast %get3A_184 : vector<16xi32> to vector<16xi32>
    %get3A_186 = arith.constant 64 : index
    %get3A_187 = tpu.vector_load %arg8[%get3A_186] {strides = array<i32>} : memref<128xi32, #tpu.memory_space<vmem>>, vector<16xi32>,
    %get3A_188 = vector.shape_cast %get3A_187 : vector<16xi32> to vector<16xi32>
    %get3A_189 = arith.constant 64 : index
    %get3A_190 = tpu.vector_load %arg9[%get3A_189] {strides = array<i32>} : memref<128xi32, #tpu.memory_space<vmem>>, vector<16xi32>,
    %get3A_191 = vector.shape_cast %get3A_190 : vector<16xi32> to vector<16xi32>
    %mul3A_192 = arith.constant 64 : i32
    %mul3A_193 = vector.broadcast %mul3A_192 : i32 to vector<16xi32>
    %mul3A_194 = arith.muli %get3A_185, %mul3A_193 : vector<16xi32>
    %add3A_195 = arith.addi %mul3A_194, %get3A_188 : vector<16xi32>
    %mul3A_196 = arith.constant 64 : i32
    %mul3A_197 = vector.broadcast %mul3A_196 : i32 to vector<16xi32>
    %mul3A_198 = arith.muli %add3A_195, %mul3A_197 : vector<16xi32>
    %add3A_199 = arith.addi %mul3A_198, %get3A_191 : vector<16xi32>
    %ge3A_200 = arith.constant 1 : i32
    %ge3A_201 = vector.broadcast %ge3A_200 : i32 to vector<16xi32>
    %ge3A_202 = arith.cmpi sge, %get3A_188, %ge3A_201 : vector<16xi32>
    %sub3A_203 = arith.constant 64 : i32
    %sub3A_204 = vector.broadcast %sub3A_203 : i32 to vector<16xi32>
    %sub3A_205 = arith.subi %add3A_199, %sub3A_204 : vector<16xi32>
    %jit3A_206 = arith.constant 32768 : i32
    %broadcast_in_dim3A_207 = vector.broadcast %jit3A_206 : i32 to vector<16xi32>
    %select_n3A_208 = arith.select %ge3A_202, %sub3A_205, %broadcast_in_dim3A_207 : vector<16xi1>, vector<16xi32>
    %swap3A_209 = arith.constant 64 : index
    %swap3A_210 = tpu.vector_load %arg10[%swap3A_209] {strides = array<i32>} : memref<128xi32, #tpu.memory_space<vmem>>, vector<16xi32>,
    %swap3A_211 = vector.shape_cast %swap3A_210 : vector<16xi32> to vector<16xi32>
    %swap3A_212 = vector.shape_cast %select_n3A_208 : vector<16xi32> to vector<16xi32>
    tpu.vector_store %arg10[%swap3A_209], %swap3A_212 {strides = array<i32>} : memref<128xi32, #tpu.memory_space<vmem>>, vector<16xi32>,
    %swap3A_213 = arith.constant 64 : index
    %swap3A_214 = tpu.vector_load %arg11[%swap3A_213] {strides = array<i32>} : memref<128xi32, #tpu.memory_space<vmem>>, vector<16xi32>,
    %swap3A_215 = vector.shape_cast %swap3A_214 : vector<16xi32> to vector<16xi32>
    %swap3A_216 = vector.shape_cast %add3A_199 : vector<16xi32> to vector<16xi32>
    tpu.vector_store %arg11[%swap3A_213], %swap3A_216 {strides = array<i32>} : memref<128xi32, #tpu.memory_space<vmem>>, vector<16xi32>,
    %le3A_217 = arith.constant 62 : i32
    %le3A_218 = vector.broadcast %le3A_217 : i32 to vector<16xi32>
    %le3A_219 = arith.cmpi sle, %get3A_188, %le3A_218 : vector<16xi32>
    %add3A_220 = arith.constant 64 : i32
    %add3A_221 = vector.broadcast %add3A_220 : i32 to vector<16xi32>
    %add3A_222 = arith.addi %add3A_199, %add3A_221 : vector<16xi32>
    %jit3A_223 = arith.constant 32768 : i32
    %broadcast_in_dim3A_224 = vector.broadcast %jit3A_223 : i32 to vector<16xi32>
    %select_n3A_225 = arith.select %le3A_219, %add3A_222, %broadcast_in_dim3A_224 : vector<16xi1>, vector<16xi32>
    %swap3A_226 = arith.constant 64 : index
    %swap3A_227 = tpu.vector_load %arg12[%swap3A_226] {strides = array<i32>} : memref<128xi32, #tpu.memory_space<vmem>>, vector<16xi32>,
    %swap3A_228 = vector.shape_cast %swap3A_227 : vector<16xi32> to vector<16xi32>
    %swap3A_229 = vector.shape_cast %select_n3A_225 : vector<16xi32> to vector<16xi32>
    tpu.vector_store %arg12[%swap3A_226], %swap3A_229 {strides = array<i32>} : memref<128xi32, #tpu.memory_space<vmem>>, vector<16xi32>,
    %get3A_230 = arith.constant 80 : index
    %get3A_231 = tpu.vector_load %arg7[%get3A_230] {strides = array<i32>} : memref<128xi32, #tpu.memory_space<vmem>>, vector<16xi32>,
    %get3A_232 = vector.shape_cast %get3A_231 : vector<16xi32> to vector<16xi32>
    %get3A_233 = arith.constant 80 : index
    %get3A_234 = tpu.vector_load %arg8[%get3A_233] {strides = array<i32>} : memref<128xi32, #tpu.memory_space<vmem>>, vector<16xi32>,
    %get3A_235 = vector.shape_cast %get3A_234 : vector<16xi32> to vector<16xi32>
    %get3A_236 = arith.constant 80 : index
    %get3A_237 = tpu.vector_load %arg9[%get3A_236] {strides = array<i32>} : memref<128xi32, #tpu.memory_space<vmem>>, vector<16xi32>,
    %get3A_238 = vector.shape_cast %get3A_237 : vector<16xi32> to vector<16xi32>
    %mul3A_239 = arith.constant 64 : i32
    %mul3A_240 = vector.broadcast %mul3A_239 : i32 to vector<16xi32>
    %mul3A_241 = arith.muli %get3A_232, %mul3A_240 : vector<16xi32>
    %add3A_242 = arith.addi %mul3A_241, %get3A_235 : vector<16xi32>
    %mul3A_243 = arith.constant 64 : i32
    %mul3A_244 = vector.broadcast %mul3A_243 : i32 to vector<16xi32>
    %mul3A_245 = arith.muli %add3A_242, %mul3A_244 : vector<16xi32>
    %add3A_246 = arith.addi %mul3A_245, %get3A_238 : vector<16xi32>
    %ge3A_247 = arith.constant 1 : i32
    %ge3A_248 = vector.broadcast %ge3A_247 : i32 to vector<16xi32>
    %ge3A_249 = arith.cmpi sge, %get3A_235, %ge3A_248 : vector<16xi32>
    %sub3A_250 = arith.constant 64 : i32
    %sub3A_251 = vector.broadcast %sub3A_250 : i32 to vector<16xi32>
    %sub3A_252 = arith.subi %add3A_246, %sub3A_251 : vector<16xi32>
    %jit3A_253 = arith.constant 32768 : i32
    %broadcast_in_dim3A_254 = vector.broadcast %jit3A_253 : i32 to vector<16xi32>
    %select_n3A_255 = arith.select %ge3A_249, %sub3A_252, %broadcast_in_dim3A_254 : vector<16xi1>, vector<16xi32>
    %swap3A_256 = arith.constant 80 : index
    %swap3A_257 = tpu.vector_load %arg10[%swap3A_256] {strides = array<i32>} : memref<128xi32, #tpu.memory_space<vmem>>, vector<16xi32>,
    %swap3A_258 = vector.shape_cast %swap3A_257 : vector<16xi32> to vector<16xi32>
    %swap3A_259 = vector.shape_cast %select_n3A_255 : vector<16xi32> to vector<16xi32>
    tpu.vector_store %arg10[%swap3A_256], %swap3A_259 {strides = array<i32>} : memref<128xi32, #tpu.memory_space<vmem>>, vector<16xi32>,
    %swap3A_260 = arith.constant 80 : index
    %swap3A_261 = tpu.vector_load %arg11[%swap3A_260] {strides = array<i32>} : memref<128xi32, #tpu.memory_space<vmem>>, vector<16xi32>,
    %swap3A_262 = vector.shape_cast %swap3A_261 : vector<16xi32> to vector<16xi32>
    %swap3A_263 = vector.shape_cast %add3A_246 : vector<16xi32> to vector<16xi32>
    tpu.vector_store %arg11[%swap3A_260], %swap3A_263 {strides = array<i32>} : memref<128xi32, #tpu.memory_space<vmem>>, vector<16xi32>,
    %le3A_264 = arith.constant 62 : i32
    %le3A_265 = vector.broadcast %le3A_264 : i32 to vector<16xi32>
    %le3A_266 = arith.cmpi sle, %get3A_235, %le3A_265 : vector<16xi32>
    %add3A_267 = arith.constant 64 : i32
    %add3A_268 = vector.broadcast %add3A_267 : i32 to vector<16xi32>
    %add3A_269 = arith.addi %add3A_246, %add3A_268 : vector<16xi32>
    %jit3A_270 = arith.constant 32768 : i32
    %broadcast_in_dim3A_271 = vector.broadcast %jit3A_270 : i32 to vector<16xi32>
    %select_n3A_272 = arith.select %le3A_266, %add3A_269, %broadcast_in_dim3A_271 : vector<16xi1>, vector<16xi32>
    %swap3A_273 = arith.constant 80 : index
    %swap3A_274 = tpu.vector_load %arg12[%swap3A_273] {strides = array<i32>} : memref<128xi32, #tpu.memory_space<vmem>>, vector<16xi32>,
    %swap3A_275 = vector.shape_cast %swap3A_274 : vector<16xi32> to vector<16xi32>
    %swap3A_276 = vector.shape_cast %select_n3A_272 : vector<16xi32> to vector<16xi32>
    tpu.vector_store %arg12[%swap3A_273], %swap3A_276 {strides = array<i32>} : memref<128xi32, #tpu.memory_space<vmem>>, vector<16xi32>,
    %get3A_277 = arith.constant 96 : index
    %get3A_278 = tpu.vector_load %arg7[%get3A_277] {strides = array<i32>} : memref<128xi32, #tpu.memory_space<vmem>>, vector<16xi32>,
    %get3A_279 = vector.shape_cast %get3A_278 : vector<16xi32> to vector<16xi32>
    %get3A_280 = arith.constant 96 : index
    %get3A_281 = tpu.vector_load %arg8[%get3A_280] {strides = array<i32>} : memref<128xi32, #tpu.memory_space<vmem>>, vector<16xi32>,
    %get3A_282 = vector.shape_cast %get3A_281 : vector<16xi32> to vector<16xi32>
    %get3A_283 = arith.constant 96 : index
    %get3A_284 = tpu.vector_load %arg9[%get3A_283] {strides = array<i32>} : memref<128xi32, #tpu.memory_space<vmem>>, vector<16xi32>,
    %get3A_285 = vector.shape_cast %get3A_284 : vector<16xi32> to vector<16xi32>
    %mul3A_286 = arith.constant 64 : i32
    %mul3A_287 = vector.broadcast %mul3A_286 : i32 to vector<16xi32>
    %mul3A_288 = arith.muli %get3A_279, %mul3A_287 : vector<16xi32>
    %add3A_289 = arith.addi %mul3A_288, %get3A_282 : vector<16xi32>
    %mul3A_290 = arith.constant 64 : i32
    %mul3A_291 = vector.broadcast %mul3A_290 : i32 to vector<16xi32>
    %mul3A_292 = arith.muli %add3A_289, %mul3A_291 : vector<16xi32>
    %add3A_293 = arith.addi %mul3A_292, %get3A_285 : vector<16xi32>
    %ge3A_294 = arith.constant 1 : i32
    %ge3A_295 = vector.broadcast %ge3A_294 : i32 to vector<16xi32>
    %ge3A_296 = arith.cmpi sge, %get3A_282, %ge3A_295 : vector<16xi32>
    %sub3A_297 = arith.constant 64 : i32
    %sub3A_298 = vector.broadcast %sub3A_297 : i32 to vector<16xi32>
    %sub3A_299 = arith.subi %add3A_293, %sub3A_298 : vector<16xi32>
    %jit3A_300 = arith.constant 32768 : i32
    %broadcast_in_dim3A_301 = vector.broadcast %jit3A_300 : i32 to vector<16xi32>
    %select_n3A_302 = arith.select %ge3A_296, %sub3A_299, %broadcast_in_dim3A_301 : vector<16xi1>, vector<16xi32>
    %swap3A_303 = arith.constant 96 : index
    %swap3A_304 = tpu.vector_load %arg10[%swap3A_303] {strides = array<i32>} : memref<128xi32, #tpu.memory_space<vmem>>, vector<16xi32>,
    %swap3A_305 = vector.shape_cast %swap3A_304 : vector<16xi32> to vector<16xi32>
    %swap3A_306 = vector.shape_cast %select_n3A_302 : vector<16xi32> to vector<16xi32>
    tpu.vector_store %arg10[%swap3A_303], %swap3A_306 {strides = array<i32>} : memref<128xi32, #tpu.memory_space<vmem>>, vector<16xi32>,
    %swap3A_307 = arith.constant 96 : index
    %swap3A_308 = tpu.vector_load %arg11[%swap3A_307] {strides = array<i32>} : memref<128xi32, #tpu.memory_space<vmem>>, vector<16xi32>,
    %swap3A_309 = vector.shape_cast %swap3A_308 : vector<16xi32> to vector<16xi32>
    %swap3A_310 = vector.shape_cast %add3A_293 : vector<16xi32> to vector<16xi32>
    tpu.vector_store %arg11[%swap3A_307], %swap3A_310 {strides = array<i32>} : memref<128xi32, #tpu.memory_space<vmem>>, vector<16xi32>,
    %le3A_311 = arith.constant 62 : i32
    %le3A_312 = vector.broadcast %le3A_311 : i32 to vector<16xi32>
    %le3A_313 = arith.cmpi sle, %get3A_282, %le3A_312 : vector<16xi32>
    %add3A_314 = arith.constant 64 : i32
    %add3A_315 = vector.broadcast %add3A_314 : i32 to vector<16xi32>
    %add3A_316 = arith.addi %add3A_293, %add3A_315 : vector<16xi32>
    %jit3A_317 = arith.constant 32768 : i32
    %broadcast_in_dim3A_318 = vector.broadcast %jit3A_317 : i32 to vector<16xi32>
    %select_n3A_319 = arith.select %le3A_313, %add3A_316, %broadcast_in_dim3A_318 : vector<16xi1>, vector<16xi32>
    %swap3A_320 = arith.constant 96 : index
    %swap3A_321 = tpu.vector_load %arg12[%swap3A_320] {strides = array<i32>} : memref<128xi32, #tpu.memory_space<vmem>>, vector<16xi32>,
    %swap3A_322 = vector.shape_cast %swap3A_321 : vector<16xi32> to vector<16xi32>
    %swap3A_323 = vector.shape_cast %select_n3A_319 : vector<16xi32> to vector<16xi32>
    tpu.vector_store %arg12[%swap3A_320], %swap3A_323 {strides = array<i32>} : memref<128xi32, #tpu.memory_space<vmem>>, vector<16xi32>,
    %get3A_324 = arith.constant 112 : index
    %get3A_325 = tpu.vector_load %arg7[%get3A_324] {strides = array<i32>} : memref<128xi32, #tpu.memory_space<vmem>>, vector<16xi32>,
    %get3A_326 = vector.shape_cast %get3A_325 : vector<16xi32> to vector<16xi32>
    %get3A_327 = arith.constant 112 : index
    %get3A_328 = tpu.vector_load %arg8[%get3A_327] {strides = array<i32>} : memref<128xi32, #tpu.memory_space<vmem>>, vector<16xi32>,
    %get3A_329 = vector.shape_cast %get3A_328 : vector<16xi32> to vector<16xi32>
    %get3A_330 = arith.constant 112 : index
    %get3A_331 = tpu.vector_load %arg9[%get3A_330] {strides = array<i32>} : memref<128xi32, #tpu.memory_space<vmem>>, vector<16xi32>,
    %get3A_332 = vector.shape_cast %get3A_331 : vector<16xi32> to vector<16xi32>
    %mul3A_333 = arith.constant 64 : i32
    %mul3A_334 = vector.broadcast %mul3A_333 : i32 to vector<16xi32>
    %mul3A_335 = arith.muli %get3A_326, %mul3A_334 : vector<16xi32>
    %add3A_336 = arith.addi %mul3A_335, %get3A_329 : vector<16xi32>
    %mul3A_337 = arith.constant 64 : i32
    %mul3A_338 = vector.broadcast %mul3A_337 : i32 to vector<16xi32>
    %mul3A_339 = arith.muli %add3A_336, %mul3A_338 : vector<16xi32>
    %add3A_340 = arith.addi %mul3A_339, %get3A_332 : vector<16xi32>
    %ge3A_341 = arith.constant 1 : i32
    %ge3A_342 = vector.broadcast %ge3A_341 : i32 to vector<16xi32>
    %ge3A_343 = arith.cmpi sge, %get3A_329, %ge3A_342 : vector<16xi32>
    %sub3A_344 = arith.constant 64 : i32
    %sub3A_345 = vector.broadcast %sub3A_344 : i32 to vector<16xi32>
    %sub3A_346 = arith.subi %add3A_340, %sub3A_345 : vector<16xi32>
    %jit3A_347 = arith.constant 32768 : i32
    %broadcast_in_dim3A_348 = vector.broadcast %jit3A_347 : i32 to vector<16xi32>
    %select_n3A_349 = arith.select %ge3A_343, %sub3A_346, %broadcast_in_dim3A_348 : vector<16xi1>, vector<16xi32>
    %swap3A_350 = arith.constant 112 : index
    %swap3A_351 = tpu.vector_load %arg10[%swap3A_350] {strides = array<i32>} : memref<128xi32, #tpu.memory_space<vmem>>, vector<16xi32>,
    %swap3A_352 = vector.shape_cast %swap3A_351 : vector<16xi32> to vector<16xi32>
    %swap3A_353 = vector.shape_cast %select_n3A_349 : vector<16xi32> to vector<16xi32>
    tpu.vector_store %arg10[%swap3A_350], %swap3A_353 {strides = array<i32>} : memref<128xi32, #tpu.memory_space<vmem>>, vector<16xi32>,
    %swap3A_354 = arith.constant 112 : index
    %swap3A_355 = tpu.vector_load %arg11[%swap3A_354] {strides = array<i32>} : memref<128xi32, #tpu.memory_space<vmem>>, vector<16xi32>,
    %swap3A_356 = vector.shape_cast %swap3A_355 : vector<16xi32> to vector<16xi32>
    %swap3A_357 = vector.shape_cast %add3A_340 : vector<16xi32> to vector<16xi32>
    tpu.vector_store %arg11[%swap3A_354], %swap3A_357 {strides = array<i32>} : memref<128xi32, #tpu.memory_space<vmem>>, vector<16xi32>,
    %le3A_358 = arith.constant 62 : i32
    %le3A_359 = vector.broadcast %le3A_358 : i32 to vector<16xi32>
    %le3A_360 = arith.cmpi sle, %get3A_329, %le3A_359 : vector<16xi32>
    %add3A_361 = arith.constant 64 : i32
    %add3A_362 = vector.broadcast %add3A_361 : i32 to vector<16xi32>
    %add3A_363 = arith.addi %add3A_340, %add3A_362 : vector<16xi32>
    %jit3A_364 = arith.constant 32768 : i32
    %broadcast_in_dim3A_365 = vector.broadcast %jit3A_364 : i32 to vector<16xi32>
    %select_n3A_366 = arith.select %le3A_360, %add3A_363, %broadcast_in_dim3A_365 : vector<16xi1>, vector<16xi32>
    %swap3A_367 = arith.constant 112 : index
    %swap3A_368 = tpu.vector_load %arg12[%swap3A_367] {strides = array<i32>} : memref<128xi32, #tpu.memory_space<vmem>>, vector<16xi32>,
    %swap3A_369 = vector.shape_cast %swap3A_368 : vector<16xi32> to vector<16xi32>
    %swap3A_370 = vector.shape_cast %select_n3A_366 : vector<16xi32> to vector<16xi32>
    tpu.vector_store %arg12[%swap3A_367], %swap3A_370 {strides = array<i32>} : memref<128xi32, #tpu.memory_space<vmem>>, vector<16xi32>,
    %dma_start3A = arith.constant 0 : i32
    %dma_start3A_371 = tpu.memref_slice %arg10[%dma_start3A] : memref<128xi32, #tpu.memory_space<vmem>> -> memref<128xi32, #tpu.memory_space<vmem>>
    %dma_start3A_372 = arith.constant 0 : i32
    %dma_start3A_373 = arith.constant 0 : i32
    %dma_start3A_374 = tpu.memref_slice %arg2[%dma_start3A_372, %dma_start3A_373] : memref<36864x384xi32, #tpu.memory_space<hbm>> -> memref<36864x384xi32, #tpu.memory_space<hbm>>
    tpu.enqueue_indirect_dma source(%dma_start3A_374 : memref<36864x384xi32, #tpu.memory_space<hbm>>) target(%arg13 : memref<128x384xi32, #tpu.memory_space<vmem>>) offsets(%dma_start3A_371 : memref<128xi32, #tpu.memory_space<vmem>>) semaphore(%arg15 : memref<!tpu.dma_semaphore, #tpu.memory_space<semaphore_mem>>)
    %dma_start3A_375 = arith.constant 0 : i32
    %dma_start3A_376 = tpu.memref_slice %arg11[%dma_start3A_375] : memref<128xi32, #tpu.memory_space<vmem>> -> memref<128xi32, #tpu.memory_space<vmem>>
    %dma_start3A_377 = arith.constant 0 : i32
    %dma_start3A_378 = arith.constant 0 : i32
    %dma_start3A_379 = tpu.memref_slice %arg2[%dma_start3A_377, %dma_start3A_378] : memref<36864x384xi32, #tpu.memory_space<hbm>> -> memref<36864x384xi32, #tpu.memory_space<hbm>>
    tpu.enqueue_indirect_dma source(%dma_start3A_379 : memref<36864x384xi32, #tpu.memory_space<hbm>>) target(%arg14 : memref<128x384xi32, #tpu.memory_space<vmem>>) offsets(%dma_start3A_376 : memref<128xi32, #tpu.memory_space<vmem>>) semaphore(%arg16 : memref<!tpu.dma_semaphore, #tpu.memory_space<semaphore_mem>>)
    %dma_wait3A = arith.constant 0 : i32
    %dma_wait3A_380 = tpu.memref_slice %arg10[%dma_wait3A] : memref<128xi32, #tpu.memory_space<vmem>> -> memref<128xi32, #tpu.memory_space<vmem>>
    %dma_wait3A_381 = arith.constant 0 : i32
    %dma_wait3A_382 = arith.constant 0 : i32
    %dma_wait3A_383 = tpu.memref_slice %arg2[%dma_wait3A_381, %dma_wait3A_382] : memref<36864x384xi32, #tpu.memory_space<hbm>> -> memref<36864x384xi32, #tpu.memory_space<hbm>>
    tpu.wait_indirect_dma semaphore(%arg15 : memref<!tpu.dma_semaphore, #tpu.memory_space<semaphore_mem>>) src(%dma_wait3A_383 : memref<36864x384xi32, #tpu.memory_space<hbm>>) dst(%arg13 : memref<128x384xi32, #tpu.memory_space<vmem>>)
    %add3A_384 = arith.constant 0 : i32
    %add3A_385 = arith.addi %mul3A_2, %add3A_384 : i32
    %dma_start3A_386 = arith.constant 0 : i32
    %dma_start3A_387 = arith.constant 0 : i32
    %dma_start3A_388 = tpu.memref_slice %arg6[%dma_start3A_386, %add3A_385, %dma_start3A_387] : memref<3x4096x384xi32, #tpu.memory_space<hbm>> -> memref<1x128x384xi32, #tpu.memory_space<hbm>>
    %dma_start3A_389 = tpu.memref_squeeze %dma_start3A_388 : memref<1x128x384xi32, #tpu.memory_space<hbm>> -> memref<128x384xi32, #tpu.memory_space<hbm>>
    %dma_start3A_390 = arith.constant 0 : i32
    %dma_start3A_391 = tpu.memref_slice %arg6[%dma_start3A_386, %add3A_385, %dma_start3A_390] : memref<3x4096x384xi32, #tpu.memory_space<hbm>> -> memref<1x128x384xi32, #tpu.memory_space<hbm>>
    %dma_start3A_392 = tpu.memref_squeeze %dma_start3A_391 : memref<1x128x384xi32, #tpu.memory_space<hbm>> -> memref<128x384xi32, #tpu.memory_space<hbm>>
    tpu.enqueue_dma source(%arg13 : memref<128x384xi32, #tpu.memory_space<vmem>>) target(%dma_start3A_392 : memref<128x384xi32, #tpu.memory_space<hbm>>) target_semaphore(%arg17 : memref<!tpu.dma_semaphore, #tpu.memory_space<semaphore_mem>>)
    %dma_wait3A_393 = arith.constant 0 : i32
    %dma_wait3A_394 = arith.constant 0 : i32
    %dma_wait3A_395 = tpu.memref_slice %arg6[%dma_wait3A_393, %add3A_385, %dma_wait3A_394] : memref<3x4096x384xi32, #tpu.memory_space<hbm>> -> memref<1x128x384xi32, #tpu.memory_space<hbm>>
    %dma_wait3A_396 = tpu.memref_squeeze %dma_wait3A_395 : memref<1x128x384xi32, #tpu.memory_space<hbm>> -> memref<128x384xi32, #tpu.memory_space<hbm>>
    %dma_wait3A_397 = arith.constant 0 : i32
    %dma_wait3A_398 = tpu.memref_slice %arg6[%dma_wait3A_393, %add3A_385, %dma_wait3A_397] : memref<3x4096x384xi32, #tpu.memory_space<hbm>> -> memref<1x128x384xi32, #tpu.memory_space<hbm>>
    %dma_wait3A_399 = tpu.memref_squeeze %dma_wait3A_398 : memref<1x128x384xi32, #tpu.memory_space<hbm>> -> memref<128x384xi32, #tpu.memory_space<hbm>>
    tpu.wait_dma2 semaphore(%arg17 : memref<!tpu.dma_semaphore, #tpu.memory_space<semaphore_mem>>) src(%arg13 : memref<128x384xi32, #tpu.memory_space<vmem>>) dst(%dma_wait3A_399 : memref<128x384xi32, #tpu.memory_space<hbm>>)
    %dma_start3A_400 = arith.constant 0 : i32
    %dma_start3A_401 = tpu.memref_slice %arg12[%dma_start3A_400] : memref<128xi32, #tpu.memory_space<vmem>> -> memref<128xi32, #tpu.memory_space<vmem>>
    %dma_start3A_402 = arith.constant 0 : i32
    %dma_start3A_403 = arith.constant 0 : i32
    %dma_start3A_404 = tpu.memref_slice %arg2[%dma_start3A_402, %dma_start3A_403] : memref<36864x384xi32, #tpu.memory_space<hbm>> -> memref<36864x384xi32, #tpu.memory_space<hbm>>
    tpu.enqueue_indirect_dma source(%dma_start3A_404 : memref<36864x384xi32, #tpu.memory_space<hbm>>) target(%arg13 : memref<128x384xi32, #tpu.memory_space<vmem>>) offsets(%dma_start3A_401 : memref<128xi32, #tpu.memory_space<vmem>>) semaphore(%arg15 : memref<!tpu.dma_semaphore, #tpu.memory_space<semaphore_mem>>)
    %dma_wait3A_405 = arith.constant 0 : i32
    %dma_wait3A_406 = tpu.memref_slice %arg11[%dma_wait3A_405] : memref<128xi32, #tpu.memory_space<vmem>> -> memref<128xi32, #tpu.memory_space<vmem>>
    %dma_wait3A_407 = arith.constant 0 : i32
    %dma_wait3A_408 = arith.constant 0 : i32
    %dma_wait3A_409 = tpu.memref_slice %arg2[%dma_wait3A_407, %dma_wait3A_408] : memref<36864x384xi32, #tpu.memory_space<hbm>> -> memref<36864x384xi32, #tpu.memory_space<hbm>>
    tpu.wait_indirect_dma semaphore(%arg16 : memref<!tpu.dma_semaphore, #tpu.memory_space<semaphore_mem>>) src(%dma_wait3A_409 : memref<36864x384xi32, #tpu.memory_space<hbm>>) dst(%arg14 : memref<128x384xi32, #tpu.memory_space<vmem>>)
    %add3A_410 = arith.constant 0 : i32
    %add3A_411 = arith.addi %mul3A_2, %add3A_410 : i32
    %dma_start3A_412 = arith.constant 1 : i32
    %dma_start3A_413 = arith.constant 0 : i32
    %dma_start3A_414 = tpu.memref_slice %arg6[%dma_start3A_412, %add3A_411, %dma_start3A_413] : memref<3x4096x384xi32, #tpu.memory_space<hbm>> -> memref<1x128x384xi32, #tpu.memory_space<hbm>>
    %dma_start3A_415 = tpu.memref_squeeze %dma_start3A_414 : memref<1x128x384xi32, #tpu.memory_space<hbm>> -> memref<128x384xi32, #tpu.memory_space<hbm>>
    %dma_start3A_416 = arith.constant 0 : i32
    %dma_start3A_417 = tpu.memref_slice %arg6[%dma_start3A_412, %add3A_411, %dma_start3A_416] : memref<3x4096x384xi32, #tpu.memory_space<hbm>> -> memref<1x128x384xi32, #tpu.memory_space<hbm>>
    %dma_start3A_418 = tpu.memref_squeeze %dma_start3A_417 : memref<1x128x384xi32, #tpu.memory_space<hbm>> -> memref<128x384xi32, #tpu.memory_space<hbm>>
    tpu.enqueue_dma source(%arg14 : memref<128x384xi32, #tpu.memory_space<vmem>>) target(%dma_start3A_418 : memref<128x384xi32, #tpu.memory_space<hbm>>) target_semaphore(%arg18 : memref<!tpu.dma_semaphore, #tpu.memory_space<semaphore_mem>>)
    %dma_wait3A_419 = arith.constant 0 : i32
    %dma_wait3A_420 = tpu.memref_slice %arg12[%dma_wait3A_419] : memref<128xi32, #tpu.memory_space<vmem>> -> memref<128xi32, #tpu.memory_space<vmem>>
    %dma_wait3A_421 = arith.constant 0 : i32
    %dma_wait3A_422 = arith.constant 0 : i32
    %dma_wait3A_423 = tpu.memref_slice %arg2[%dma_wait3A_421, %dma_wait3A_422] : memref<36864x384xi32, #tpu.memory_space<hbm>> -> memref<36864x384xi32, #tpu.memory_space<hbm>>
    tpu.wait_indirect_dma semaphore(%arg15 : memref<!tpu.dma_semaphore, #tpu.memory_space<semaphore_mem>>) src(%dma_wait3A_423 : memref<36864x384xi32, #tpu.memory_space<hbm>>) dst(%arg13 : memref<128x384xi32, #tpu.memory_space<vmem>>)
    %add3A_424 = arith.constant 0 : i32
    %add3A_425 = arith.addi %mul3A_2, %add3A_424 : i32
    %dma_start3A_426 = arith.constant 2 : i32
    %dma_start3A_427 = arith.constant 0 : i32
    %dma_start3A_428 = tpu.memref_slice %arg6[%dma_start3A_426, %add3A_425, %dma_start3A_427] : memref<3x4096x384xi32, #tpu.memory_space<hbm>> -> memref<1x128x384xi32, #tpu.memory_space<hbm>>
    %dma_start3A_429 = tpu.memref_squeeze %dma_start3A_428 : memref<1x128x384xi32, #tpu.memory_space<hbm>> -> memref<128x384xi32, #tpu.memory_space<hbm>>
    %dma_start3A_430 = arith.constant 0 : i32
    %dma_start3A_431 = tpu.memref_slice %arg6[%dma_start3A_426, %add3A_425, %dma_start3A_430] : memref<3x4096x384xi32, #tpu.memory_space<hbm>> -> memref<1x128x384xi32, #tpu.memory_space<hbm>>
    %dma_start3A_432 = tpu.memref_squeeze %dma_start3A_431 : memref<1x128x384xi32, #tpu.memory_space<hbm>> -> memref<128x384xi32, #tpu.memory_space<hbm>>
    tpu.enqueue_dma source(%arg13 : memref<128x384xi32, #tpu.memory_space<vmem>>) target(%dma_start3A_432 : memref<128x384xi32, #tpu.memory_space<hbm>>) target_semaphore(%arg17 : memref<!tpu.dma_semaphore, #tpu.memory_space<semaphore_mem>>)
    %dma_wait3A_433 = arith.constant 2 : i32
    %dma_wait3A_434 = arith.constant 0 : i32
    %dma_wait3A_435 = tpu.memref_slice %arg6[%dma_wait3A_433, %add3A_425, %dma_wait3A_434] : memref<3x4096x384xi32, #tpu.memory_space<hbm>> -> memref<1x128x384xi32, #tpu.memory_space<hbm>>
    %dma_wait3A_436 = tpu.memref_squeeze %dma_wait3A_435 : memref<1x128x384xi32, #tpu.memory_space<hbm>> -> memref<128x384xi32, #tpu.memory_space<hbm>>
    %dma_wait3A_437 = arith.constant 0 : i32
    %dma_wait3A_438 = tpu.memref_slice %arg6[%dma_wait3A_433, %add3A_425, %dma_wait3A_437] : memref<3x4096x384xi32, #tpu.memory_space<hbm>> -> memref<1x128x384xi32, #tpu.memory_space<hbm>>
    %dma_wait3A_439 = tpu.memref_squeeze %dma_wait3A_438 : memref<1x128x384xi32, #tpu.memory_space<hbm>> -> memref<128x384xi32, #tpu.memory_space<hbm>>
    tpu.wait_dma2 semaphore(%arg17 : memref<!tpu.dma_semaphore, #tpu.memory_space<semaphore_mem>>) src(%arg13 : memref<128x384xi32, #tpu.memory_space<vmem>>) dst(%dma_wait3A_439 : memref<128x384xi32, #tpu.memory_space<hbm>>)
    %dma_wait3A_440 = arith.constant 1 : i32
    %dma_wait3A_441 = arith.constant 0 : i32
    %dma_wait3A_442 = tpu.memref_slice %arg6[%dma_wait3A_440, %add3A_411, %dma_wait3A_441] : memref<3x4096x384xi32, #tpu.memory_space<hbm>> -> memref<1x128x384xi32, #tpu.memory_space<hbm>>
    %dma_wait3A_443 = tpu.memref_squeeze %dma_wait3A_442 : memref<1x128x384xi32, #tpu.memory_space<hbm>> -> memref<128x384xi32, #tpu.memory_space<hbm>>
    %dma_wait3A_444 = arith.constant 0 : i32
    %dma_wait3A_445 = tpu.memref_slice %arg6[%dma_wait3A_440, %add3A_411, %dma_wait3A_444] : memref<3x4096x384xi32, #tpu.memory_space<hbm>> -> memref<1x128x384xi32, #tpu.memory_space<hbm>>
    %dma_wait3A_446 = tpu.memref_squeeze %dma_wait3A_445 : memref<1x128x384xi32, #tpu.memory_space<hbm>> -> memref<128x384xi32, #tpu.memory_space<hbm>>
    tpu.wait_dma2 semaphore(%arg18 : memref<!tpu.dma_semaphore, #tpu.memory_space<semaphore_mem>>) src(%arg14 : memref<128x384xi32, #tpu.memory_space<vmem>>) dst(%dma_wait3A_446 : memref<128x384xi32, #tpu.memory_space<hbm>>)
    return
  }
}

module attributes {stable_mosaic.version = 14 : i64} {
  func.func @_stem_body(%arg0: i32, %arg1: memref<4096x192xf32, #tpu.memory_space<vmem>>, %arg2: memref<192x256xf32, #tpu.memory_space<vmem>>, %arg3: memref<1x256xf32, #tpu.memory_space<vmem>>, %arg4: memref<4096x384xi32, #tpu.memory_space<vmem>>) attributes {dimension_semantics = [#tpu.dimension_semantics<arbitrary>], iteration_bounds = array<i64: 9>, scalar_prefetch = 0 : i64, scratch_operands = 0 : i64, tpu.core_type = #tpu.core_type<tc>, window_params = [{transform_indices = @transform_0, window_bounds = array<i64: 4096, 192>}, {pipeline_mode = #tpu.pipeline_mode<synchronous>, transform_indices = @transform_1, window_bounds = array<i64: 192, 256>}, {pipeline_mode = #tpu.pipeline_mode<synchronous>, transform_indices = @transform_2, window_bounds = array<i64: 1, 256>}, {transform_indices = @transform_3, window_bounds = array<i64: 4096, 384>}]} {
    %eq3A = arith.constant 8 : i32
    %eq3A_0 = arith.cmpi eq, %arg0, %eq3A : i32
    %convert_element_type3A = arith.extui %eq3A_0 : i1 to i32
    %cond3A = arith.constant 0 : i32
    %cond3A_1 = arith.cmpi ne, %convert_element_type3A, %cond3A : i32
    scf.if %cond3A_1 {
      %broadcast_in_dim3A = arith.constant 0 : i32
      %broadcast_in_dim3A_6 = vector.broadcast %broadcast_in_dim3A : i32 to vector<4096x384xi32>
      %swap3A = arith.constant 0 : index
      %swap3A_7 = arith.constant 0 : index
      %swap3A_8 = vector.load %arg4[%swap3A, %swap3A_7] : memref<4096x384xi32, #tpu.memory_space<vmem>>, vector<4096x384xi32>
      tpu.vector_store %arg4[%swap3A, %swap3A_7], %broadcast_in_dim3A_6 {strides = array<i32>} : memref<4096x384xi32, #tpu.memory_space<vmem>>, vector<4096x384xi32>,
    } else {
    }
    %lt3A = arith.constant 8 : i32
    %lt3A_2 = arith.cmpi slt, %arg0, %lt3A : i32
    %convert_element_type3A_3 = arith.extui %lt3A_2 : i1 to i32
    %cond3A_4 = arith.constant 0 : i32
    %cond3A_5 = arith.cmpi ne, %convert_element_type3A_3, %cond3A_4 : i32
    scf.if %cond3A_5 {
      %get3A = arith.constant 0 : index
      %get3A_6 = arith.constant 0 : index
      %get3A_7 = vector.load %arg1[%get3A, %get3A_6] : memref<4096x192xf32, #tpu.memory_space<vmem>>, vector<4096x192xf32>
      %get3A_8 = arith.constant 0 : index
      %get3A_9 = arith.constant 0 : index
      %get3A_10 = vector.load %arg2[%get3A_8, %get3A_9] : memref<192x256xf32, #tpu.memory_space<vmem>>, vector<192x256xf32>
      %dot_general3A = arith.constant dense<0.000000e+00> : vector<4096x256xf32>
      %dot_general3A_11 = tpu.matmul %get3A_7, %get3A_10, %dot_general3A {dimension_numbers = #tpu.dot_dimension_numbers<[1], [0], [0], [1], [0, 0, 1, 1], [], []>, transpose_lhs_hint = false} : vector<4096x192xf32>, vector<192x256xf32>, vector<4096x256xf32> -> vector<4096x256xf32>
      %get3A_12 = arith.constant 0 : index
      %get3A_13 = arith.constant 0 : index
      %get3A_14 = vector.load %arg3[%get3A_12, %get3A_13] : memref<1x256xf32, #tpu.memory_space<vmem>>, vector<1x256xf32>
      %add3A = vector.broadcast %get3A_14 : vector<1x256xf32> to vector<4096x256xf32>
      %add3A_15 = arith.addf %dot_general3A_11, %add3A : vector<4096x256xf32>
      %logistic3A = arith.negf %add3A_15 : vector<4096x256xf32>
      %logistic3A_16 = math.exp %logistic3A : vector<4096x256xf32>
      %logistic3A_17 = arith.constant 1.000000e+00 : f32
      %logistic3A_18 = vector.broadcast %logistic3A_17 : f32 to vector<4096x256xf32>
      %logistic3A_19 = arith.addf %logistic3A_18, %logistic3A_16 : vector<4096x256xf32>
      %logistic3A_20 = arith.divf %logistic3A_18, %logistic3A_19 : vector<4096x256xf32>
      %mul3A = arith.mulf %add3A_15, %logistic3A_20 : vector<4096x256xf32>
      %slice3A = vector.extract_strided_slice %mul3A {offsets = [0, 0], sizes = [4096, 128], strides = [1, 1]} : vector<4096x256xf32> to vector<4096x128xf32>
      %convert_element_type3A_21 = arith.truncf %slice3A : vector<4096x128xf32> to vector<4096x128xbf16>
      %bitcast_convert_type3A = tpu.bitcast %convert_element_type3A_21 : vector<4096x128xbf16> -> vector<4096x128xi16>
      %convert_element_type3A_22 = arith.extui %bitcast_convert_type3A : vector<4096x128xi16> to vector<4096x128xi32>
      %slice3A_23 = vector.extract_strided_slice %mul3A {offsets = [0, 128], sizes = [4096, 128], strides = [1, 1]} : vector<4096x256xf32> to vector<4096x128xf32>
      %convert_element_type3A_24 = arith.truncf %slice3A_23 : vector<4096x128xf32> to vector<4096x128xbf16>
      %bitcast_convert_type3A_25 = tpu.bitcast %convert_element_type3A_24 : vector<4096x128xbf16> -> vector<4096x128xi16>
      %convert_element_type3A_26 = arith.extui %bitcast_convert_type3A_25 : vector<4096x128xi16> to vector<4096x128xi32>
      %shift_left3A = arith.constant 16 : i32
      %shift_left3A_27 = vector.broadcast %shift_left3A : i32 to vector<4096x128xi32>
      %shift_left3A_28 = arith.shli %convert_element_type3A_26, %shift_left3A_27 : vector<4096x128xi32>
      %or3A = arith.ori %shift_left3A_28, %convert_element_type3A_22 : vector<4096x128xi32>
      %bitcast_convert_type3A_29 = tpu.bitcast %or3A : vector<4096x128xi32> -> vector<4096x128xi32>
      %broadcast_in_dim3A = arith.constant 0 : i32
      %broadcast_in_dim3A_30 = vector.broadcast %broadcast_in_dim3A : i32 to vector<1x128xi32>
      %slice3A_31 = vector.extract_strided_slice %bitcast_convert_type3A_29 {offsets = [0, 0], sizes = [4095, 128], strides = [1, 1]} : vector<4096x128xi32> to vector<4095x128xi32>
      %concatenate3A = tpu.concatenate %broadcast_in_dim3A_30, %slice3A_31 in 0 : vector<1x128xi32>, vector<4095x128xi32> -> vector<4096x128xi32>
      %slice3A_32 = vector.extract_strided_slice %bitcast_convert_type3A_29 {offsets = [1, 0], sizes = [4095, 128], strides = [1, 1]} : vector<4096x128xi32> to vector<4095x128xi32>
      %concatenate3A_33 = tpu.concatenate %slice3A_32, %broadcast_in_dim3A_30 in 0 : vector<4095x128xi32>, vector<1x128xi32> -> vector<4096x128xi32>
      %iota3A = tpu.iota {dimensions = array<i32: 0>} : vector<4096x128xi32>
      %jit3A = arith.constant 64 : i32
      %eq3A_34 = arith.constant 0 : i32
      %eq3A_35 = arith.cmpi eq, %jit3A, %eq3A_34 : i32
      %jit3A_36 = arith.constant 1 : i32
      %select_n3A = arith.select %eq3A_35, %jit3A_36, %jit3A : i32
      %rem3A = vector.broadcast %select_n3A : i32 to vector<4096x128xi32>
      %rem3A_37 = arith.remsi %iota3A, %rem3A : vector<4096x128xi32>
      %ne3A = arith.constant 0 : i32
      %ne3A_38 = vector.broadcast %ne3A : i32 to vector<4096x128xi32>
      %ne3A_39 = arith.cmpi ne, %rem3A_37, %ne3A_38 : vector<4096x128xi32>
      %lt3A_40 = arith.constant 0 : i32
      %lt3A_41 = vector.broadcast %lt3A_40 : i32 to vector<4096x128xi32>
      %lt3A_42 = arith.cmpi slt, %rem3A_37, %lt3A_41 : vector<4096x128xi32>
      %lt3A_43 = arith.constant 0 : i32
      %lt3A_44 = arith.cmpi slt, %select_n3A, %lt3A_43 : i32
      %ne3A_45 = vector.broadcast %lt3A_44 : i1 to vector<4096x128xi1>
      %ne3A_46 = vector.broadcast %ne3A_45 : vector<4096x128xi1> to vector<4096x128xi1>
      %ne3A_47 = arith.xori %lt3A_42, %ne3A_46 : vector<4096x128xi1>
      %and3A = arith.andi %ne3A_47, %ne3A_39 : vector<4096x128xi1>
      %add3A_48 = vector.broadcast %select_n3A : i32 to vector<4096x128xi32>
      %add3A_49 = arith.addi %rem3A_37, %add3A_48 : vector<4096x128xi32>
      %select_n3A_50 = arith.select %and3A, %add3A_49, %rem3A_37 : vector<4096x128xi1>, vector<4096x128xi32>
      %broadcast_in_dim3A_51 = arith.constant 0 : i32
      %broadcast_in_dim3A_52 = vector.broadcast %broadcast_in_dim3A_51 : i32 to vector<4096x128xi32>
      %ne3A_53 = arith.constant 0 : i32
      %ne3A_54 = vector.broadcast %ne3A_53 : i32 to vector<4096x128xi32>
      %ne3A_55 = arith.cmpi ne, %select_n3A_50, %ne3A_54 : vector<4096x128xi32>
      %select_n3A_56 = arith.select %ne3A_55, %concatenate3A, %broadcast_in_dim3A_52 : vector<4096x128xi1>, vector<4096x128xi32>
      %swap3A = arith.constant 0 : index
      %swap3A_57 = arith.constant 0 : index
      %swap3A_58 = vector.load %arg4[%swap3A, %swap3A_57] : memref<4096x384xi32, #tpu.memory_space<vmem>>, vector<4096x128xi32>
      tpu.vector_store %arg4[%swap3A, %swap3A_57], %select_n3A_56 {strides = array<i32>} : memref<4096x384xi32, #tpu.memory_space<vmem>>, vector<4096x128xi32>,
      %swap3A_59 = arith.constant 0 : index
      %swap3A_60 = arith.constant 128 : index
      %swap3A_61 = vector.load %arg4[%swap3A_59, %swap3A_60] : memref<4096x384xi32, #tpu.memory_space<vmem>>, vector<4096x128xi32>
      tpu.vector_store %arg4[%swap3A_59, %swap3A_60], %bitcast_convert_type3A_29 {strides = array<i32>} : memref<4096x384xi32, #tpu.memory_space<vmem>>, vector<4096x128xi32>,
      %ne3A_62 = arith.constant 63 : i32
      %ne3A_63 = vector.broadcast %ne3A_62 : i32 to vector<4096x128xi32>
      %ne3A_64 = arith.cmpi ne, %select_n3A_50, %ne3A_63 : vector<4096x128xi32>
      %select_n3A_65 = arith.select %ne3A_64, %concatenate3A_33, %broadcast_in_dim3A_52 : vector<4096x128xi1>, vector<4096x128xi32>
      %swap3A_66 = arith.constant 0 : index
      %swap3A_67 = arith.constant 256 : index
      %swap3A_68 = vector.load %arg4[%swap3A_66, %swap3A_67] : memref<4096x384xi32, #tpu.memory_space<vmem>>, vector<4096x128xi32>
      tpu.vector_store %arg4[%swap3A_66, %swap3A_67], %select_n3A_65 {strides = array<i32>} : memref<4096x384xi32, #tpu.memory_space<vmem>>, vector<4096x128xi32>,
    } else {
    }
    return
  }
  func.func @transform_0(%arg0: i32) -> (i32, i32) {
    %min3A = arith.constant 7 : i32
    %min3A_0 = arith.minsi %arg0, %min3A : i32
    %c0_i32 = arith.constant 0 : i32
    %c0_i32_1 = arith.constant 0 : i32
    return %min3A_0, %c0_i32 : i32, i32
  }
  func.func @transform_1(%arg0: i32) -> (i32, i32) {
    %c0_i32 = arith.constant 0 : i32
    %c0_i32_0 = arith.constant 0 : i32
    %c0_i32_1 = arith.constant 0 : i32
    return %c0_i32, %c0_i32_0 : i32, i32
  }
  func.func @transform_2(%arg0: i32) -> (i32, i32) {
    %c0_i32 = arith.constant 0 : i32
    %c0_i32_0 = arith.constant 0 : i32
    %c0_i32_1 = arith.constant 0 : i32
    return %c0_i32, %c0_i32_0 : i32, i32
  }
  func.func @transform_3(%arg0: i32) -> (i32, i32) {
    %c0_i32 = arith.constant 0 : i32
    %c0_i32_0 = arith.constant 0 : i32
    return %arg0, %c0_i32 : i32, i32
  }
}

module attributes {stable_mosaic.version = 14 : i64} {
  func.func @_head_body(%arg0: i32, %arg1: memref<3x1024x384xi32, #tpu.memory_space<vmem>>, %arg2: memref<3x512x384xf32, #tpu.memory_space<vmem>>, %arg3: memref<3x512x384xf32, #tpu.memory_space<vmem>>, %arg4: memref<1x512xf32, #tpu.memory_space<vmem>>, %arg5: memref<85x256xf32, #tpu.memory_space<vmem>>, %arg6: memref<85x256xf32, #tpu.memory_space<vmem>>, %arg7: memref<1x85xf32, #tpu.memory_space<vmem>>, %arg8: memref<1024x85xf32, #tpu.memory_space<vmem>>) attributes {dimension_semantics = [#tpu.dimension_semantics<arbitrary>], iteration_bounds = array<i64: 4>, scalar_prefetch = 0 : i64, scratch_operands = 0 : i64, tpu.core_type = #tpu.core_type<tc>, window_params = [{transform_indices = @transform_0, window_bounds = array<i64: 3, 1024, 384>}, {pipeline_mode = #tpu.pipeline_mode<synchronous>, transform_indices = @transform_1, window_bounds = array<i64: 3, 512, 384>}, {pipeline_mode = #tpu.pipeline_mode<synchronous>, transform_indices = @transform_2, window_bounds = array<i64: 3, 512, 384>}, {pipeline_mode = #tpu.pipeline_mode<synchronous>, transform_indices = @transform_3, window_bounds = array<i64: 1, 512>}, {pipeline_mode = #tpu.pipeline_mode<synchronous>, transform_indices = @transform_4, window_bounds = array<i64: 85, 256>}, {pipeline_mode = #tpu.pipeline_mode<synchronous>, transform_indices = @transform_5, window_bounds = array<i64: 85, 256>}, {pipeline_mode = #tpu.pipeline_mode<synchronous>, transform_indices = @transform_6, window_bounds = array<i64: 1, 85>}, {transform_indices = @transform_7, window_bounds = array<i64: 1024, 85>}]} {
    %broadcast_in_dim3A = arith.constant 0.000000e+00 : f32
    %broadcast_in_dim3A_0 = vector.broadcast %broadcast_in_dim3A : f32 to vector<1024x512xf32>
    %get3A = arith.constant 0 : index
    %get3A_1 = arith.constant 0 : index
    %get3A_2 = vector.load %arg4[%get3A, %get3A_1] : memref<1x512xf32, #tpu.memory_space<vmem>>, vector<1x512xf32>
    %add3A = vector.broadcast %get3A_2 : vector<1x512xf32> to vector<1024x512xf32>
    %add3A_3 = arith.addf %broadcast_in_dim3A_0, %add3A : vector<1024x512xf32>
    %get3A_4 = arith.constant 0 : index
    %get3A_5 = arith.constant 0 : index
    %get3A_6 = arith.constant 0 : index
    %get3A_7 = vector.load %arg1[%get3A_4, %get3A_5, %get3A_6] : memref<3x1024x384xi32, #tpu.memory_space<vmem>>, vector<1x1024x384xi32>
    %get3A_8 = vector.shape_cast %get3A_7 : vector<1x1024x384xi32> to vector<1024x384xi32>
    %bitcast_convert_type3A = tpu.bitcast %get3A_8 : vector<1024x384xi32> -> vector<1024x384xi32>
    %shift_left3A = arith.constant 16 : i32
    %shift_left3A_9 = vector.broadcast %shift_left3A : i32 to vector<1024x384xi32>
    %shift_left3A_10 = arith.shli %bitcast_convert_type3A, %shift_left3A_9 : vector<1024x384xi32>
    %bitcast_convert_type3A_11 = tpu.bitcast %shift_left3A_10 : vector<1024x384xi32> -> vector<1024x384xf32>
    %and3A = arith.constant -65536 : i32
    %and3A_12 = vector.broadcast %and3A : i32 to vector<1024x384xi32>
    %and3A_13 = arith.andi %bitcast_convert_type3A, %and3A_12 : vector<1024x384xi32>
    %bitcast_convert_type3A_14 = tpu.bitcast %and3A_13 : vector<1024x384xi32> -> vector<1024x384xf32>
    %get3A_15 = arith.constant 0 : index
    %get3A_16 = arith.constant 0 : index
    %get3A_17 = arith.constant 0 : index
    %get3A_18 = vector.load %arg2[%get3A_15, %get3A_16, %get3A_17] : memref<3x512x384xf32, #tpu.memory_space<vmem>>, vector<1x512x384xf32>
    %get3A_19 = vector.shape_cast %get3A_18 : vector<1x512x384xf32> to vector<512x384xf32>
    %dot_general3A = arith.constant dense<0.000000e+00> : vector<1024x512xf32>
    %dot_general3A_20 = tpu.matmul %bitcast_convert_type3A_11, %get3A_19, %dot_general3A {dimension_numbers = #tpu.dot_dimension_numbers<[1], [1], [0], [0], [0, 0, 1, 0], [], []>, transpose_lhs_hint = false} : vector<1024x384xf32>, vector<512x384xf32>, vector<1024x512xf32> -> vector<1024x512xf32>
    %add3A_21 = arith.addf %add3A_3, %dot_general3A_20 : vector<1024x512xf32>
    %get3A_22 = arith.constant 0 : index
    %get3A_23 = arith.constant 0 : index
    %get3A_24 = arith.constant 0 : index
    %get3A_25 = vector.load %arg3[%get3A_22, %get3A_23, %get3A_24] : memref<3x512x384xf32, #tpu.memory_space<vmem>>, vector<1x512x384xf32>
    %get3A_26 = vector.shape_cast %get3A_25 : vector<1x512x384xf32> to vector<512x384xf32>
    %dot_general3A_27 = arith.constant dense<0.000000e+00> : vector<1024x512xf32>
    %dot_general3A_28 = tpu.matmul %bitcast_convert_type3A_14, %get3A_26, %dot_general3A_27 {dimension_numbers = #tpu.dot_dimension_numbers<[1], [1], [0], [0], [0, 0, 1, 0], [], []>, transpose_lhs_hint = false} : vector<1024x384xf32>, vector<512x384xf32>, vector<1024x512xf32> -> vector<1024x512xf32>
    %add3A_29 = arith.addf %add3A_21, %dot_general3A_28 : vector<1024x512xf32>
    %get3A_30 = arith.constant 1 : index
    %get3A_31 = arith.constant 0 : index
    %get3A_32 = arith.constant 0 : index
    %get3A_33 = vector.load %arg1[%get3A_30, %get3A_31, %get3A_32] : memref<3x1024x384xi32, #tpu.memory_space<vmem>>, vector<1x1024x384xi32>
    %get3A_34 = vector.shape_cast %get3A_33 : vector<1x1024x384xi32> to vector<1024x384xi32>
    %bitcast_convert_type3A_35 = tpu.bitcast %get3A_34 : vector<1024x384xi32> -> vector<1024x384xi32>
    %shift_left3A_36 = arith.constant 16 : i32
    %shift_left3A_37 = vector.broadcast %shift_left3A_36 : i32 to vector<1024x384xi32>
    %shift_left3A_38 = arith.shli %bitcast_convert_type3A_35, %shift_left3A_37 : vector<1024x384xi32>
    %bitcast_convert_type3A_39 = tpu.bitcast %shift_left3A_38 : vector<1024x384xi32> -> vector<1024x384xf32>
    %and3A_40 = arith.constant -65536 : i32
    %and3A_41 = vector.broadcast %and3A_40 : i32 to vector<1024x384xi32>
    %and3A_42 = arith.andi %bitcast_convert_type3A_35, %and3A_41 : vector<1024x384xi32>
    %bitcast_convert_type3A_43 = tpu.bitcast %and3A_42 : vector<1024x384xi32> -> vector<1024x384xf32>
    %get3A_44 = arith.constant 1 : index
    %get3A_45 = arith.constant 0 : index
    %get3A_46 = arith.constant 0 : index
    %get3A_47 = vector.load %arg2[%get3A_44, %get3A_45, %get3A_46] : memref<3x512x384xf32, #tpu.memory_space<vmem>>, vector<1x512x384xf32>
    %get3A_48 = vector.shape_cast %get3A_47 : vector<1x512x384xf32> to vector<512x384xf32>
    %dot_general3A_49 = arith.constant dense<0.000000e+00> : vector<1024x512xf32>
    %dot_general3A_50 = tpu.matmul %bitcast_convert_type3A_39, %get3A_48, %dot_general3A_49 {dimension_numbers = #tpu.dot_dimension_numbers<[1], [1], [0], [0], [0, 0, 1, 0], [], []>, transpose_lhs_hint = false} : vector<1024x384xf32>, vector<512x384xf32>, vector<1024x512xf32> -> vector<1024x512xf32>
    %add3A_51 = arith.addf %add3A_29, %dot_general3A_50 : vector<1024x512xf32>
    %get3A_52 = arith.constant 1 : index
    %get3A_53 = arith.constant 0 : index
    %get3A_54 = arith.constant 0 : index
    %get3A_55 = vector.load %arg3[%get3A_52, %get3A_53, %get3A_54] : memref<3x512x384xf32, #tpu.memory_space<vmem>>, vector<1x512x384xf32>
    %get3A_56 = vector.shape_cast %get3A_55 : vector<1x512x384xf32> to vector<512x384xf32>
    %dot_general3A_57 = arith.constant dense<0.000000e+00> : vector<1024x512xf32>
    %dot_general3A_58 = tpu.matmul %bitcast_convert_type3A_43, %get3A_56, %dot_general3A_57 {dimension_numbers = #tpu.dot_dimension_numbers<[1], [1], [0], [0], [0, 0, 1, 0], [], []>, transpose_lhs_hint = false} : vector<1024x384xf32>, vector<512x384xf32>, vector<1024x512xf32> -> vector<1024x512xf32>
    %add3A_59 = arith.addf %add3A_51, %dot_general3A_58 : vector<1024x512xf32>
    %get3A_60 = arith.constant 2 : index
    %get3A_61 = arith.constant 0 : index
    %get3A_62 = arith.constant 0 : index
    %get3A_63 = vector.load %arg1[%get3A_60, %get3A_61, %get3A_62] : memref<3x1024x384xi32, #tpu.memory_space<vmem>>, vector<1x1024x384xi32>
    %get3A_64 = vector.shape_cast %get3A_63 : vector<1x1024x384xi32> to vector<1024x384xi32>
    %bitcast_convert_type3A_65 = tpu.bitcast %get3A_64 : vector<1024x384xi32> -> vector<1024x384xi32>
    %shift_left3A_66 = arith.constant 16 : i32
    %shift_left3A_67 = vector.broadcast %shift_left3A_66 : i32 to vector<1024x384xi32>
    %shift_left3A_68 = arith.shli %bitcast_convert_type3A_65, %shift_left3A_67 : vector<1024x384xi32>
    %bitcast_convert_type3A_69 = tpu.bitcast %shift_left3A_68 : vector<1024x384xi32> -> vector<1024x384xf32>
    %and3A_70 = arith.constant -65536 : i32
    %and3A_71 = vector.broadcast %and3A_70 : i32 to vector<1024x384xi32>
    %and3A_72 = arith.andi %bitcast_convert_type3A_65, %and3A_71 : vector<1024x384xi32>
    %bitcast_convert_type3A_73 = tpu.bitcast %and3A_72 : vector<1024x384xi32> -> vector<1024x384xf32>
    %get3A_74 = arith.constant 2 : index
    %get3A_75 = arith.constant 0 : index
    %get3A_76 = arith.constant 0 : index
    %get3A_77 = vector.load %arg2[%get3A_74, %get3A_75, %get3A_76] : memref<3x512x384xf32, #tpu.memory_space<vmem>>, vector<1x512x384xf32>
    %get3A_78 = vector.shape_cast %get3A_77 : vector<1x512x384xf32> to vector<512x384xf32>
    %dot_general3A_79 = arith.constant dense<0.000000e+00> : vector<1024x512xf32>
    %dot_general3A_80 = tpu.matmul %bitcast_convert_type3A_69, %get3A_78, %dot_general3A_79 {dimension_numbers = #tpu.dot_dimension_numbers<[1], [1], [0], [0], [0, 0, 1, 0], [], []>, transpose_lhs_hint = false} : vector<1024x384xf32>, vector<512x384xf32>, vector<1024x512xf32> -> vector<1024x512xf32>
    %add3A_81 = arith.addf %add3A_59, %dot_general3A_80 : vector<1024x512xf32>
    %get3A_82 = arith.constant 2 : index
    %get3A_83 = arith.constant 0 : index
    %get3A_84 = arith.constant 0 : index
    %get3A_85 = vector.load %arg3[%get3A_82, %get3A_83, %get3A_84] : memref<3x512x384xf32, #tpu.memory_space<vmem>>, vector<1x512x384xf32>
    %get3A_86 = vector.shape_cast %get3A_85 : vector<1x512x384xf32> to vector<512x384xf32>
    %dot_general3A_87 = arith.constant dense<0.000000e+00> : vector<1024x512xf32>
    %dot_general3A_88 = tpu.matmul %bitcast_convert_type3A_73, %get3A_86, %dot_general3A_87 {dimension_numbers = #tpu.dot_dimension_numbers<[1], [1], [0], [0], [0, 0, 1, 0], [], []>, transpose_lhs_hint = false} : vector<1024x384xf32>, vector<512x384xf32>, vector<1024x512xf32> -> vector<1024x512xf32>
    %add3A_89 = arith.addf %add3A_81, %dot_general3A_88 : vector<1024x512xf32>
    %logistic3A = arith.negf %add3A_89 : vector<1024x512xf32>
    %logistic3A_90 = math.exp %logistic3A : vector<1024x512xf32>
    %logistic3A_91 = arith.constant 1.000000e+00 : f32
    %logistic3A_92 = vector.broadcast %logistic3A_91 : f32 to vector<1024x512xf32>
    %logistic3A_93 = arith.addf %logistic3A_92, %logistic3A_90 : vector<1024x512xf32>
    %logistic3A_94 = arith.divf %logistic3A_92, %logistic3A_93 : vector<1024x512xf32>
    %mul3A = arith.mulf %add3A_89, %logistic3A_94 : vector<1024x512xf32>
    %slice3A = vector.extract_strided_slice %mul3A {offsets = [0, 256], sizes = [1024, 256], strides = [1, 1]} : vector<1024x512xf32> to vector<1024x256xf32>
    %get3A_95 = arith.constant 0 : index
    %get3A_96 = arith.constant 0 : index
    %get3A_97 = vector.load %arg5[%get3A_95, %get3A_96] : memref<85x256xf32, #tpu.memory_space<vmem>>, vector<85x256xf32>
    %dot_general3A_98 = arith.constant dense<0.000000e+00> : vector<1024x85xf32>
    %dot_general3A_99 = tpu.matmul %slice3A, %get3A_97, %dot_general3A_98 {dimension_numbers = #tpu.dot_dimension_numbers<[1], [1], [0], [0], [0, 0, 1, 0], [], []>, transpose_lhs_hint = false} : vector<1024x256xf32>, vector<85x256xf32>, vector<1024x85xf32> -> vector<1024x85xf32>
    %slice3A_100 = vector.extract_strided_slice %mul3A {offsets = [0, 0], sizes = [1024, 256], strides = [1, 1]} : vector<1024x512xf32> to vector<1024x256xf32>
    %get3A_101 = arith.constant 0 : index
    %get3A_102 = arith.constant 0 : index
    %get3A_103 = vector.load %arg6[%get3A_101, %get3A_102] : memref<85x256xf32, #tpu.memory_space<vmem>>, vector<85x256xf32>
    %dot_general3A_104 = arith.constant dense<0.000000e+00> : vector<1024x85xf32>
    %dot_general3A_105 = tpu.matmul %slice3A_100, %get3A_103, %dot_general3A_104 {dimension_numbers = #tpu.dot_dimension_numbers<[1], [1], [0], [0], [0, 0, 1, 0], [], []>, transpose_lhs_hint = false} : vector<1024x256xf32>, vector<85x256xf32>, vector<1024x85xf32> -> vector<1024x85xf32>
    %add3A_106 = arith.addf %dot_general3A_99, %dot_general3A_105 : vector<1024x85xf32>
    %get3A_107 = arith.constant 0 : index
    %get3A_108 = arith.constant 0 : index
    %get3A_109 = vector.load %arg7[%get3A_107, %get3A_108] : memref<1x85xf32, #tpu.memory_space<vmem>>, vector<1x85xf32>
    %add3A_110 = vector.broadcast %get3A_109 : vector<1x85xf32> to vector<1024x85xf32>
    %add3A_111 = arith.addf %add3A_106, %add3A_110 : vector<1024x85xf32>
    %swap3A = arith.constant 0 : index
    %swap3A_112 = arith.constant 0 : index
    %swap3A_113 = vector.load %arg8[%swap3A, %swap3A_112] : memref<1024x85xf32, #tpu.memory_space<vmem>>, vector<1024x85xf32>
    tpu.vector_store %arg8[%swap3A, %swap3A_112], %add3A_111 {strides = array<i32>} : memref<1024x85xf32, #tpu.memory_space<vmem>>, vector<1024x85xf32>,
    return
  }
  func.func @transform_0(%arg0: i32) -> (i32, i32, i32) {
    %c0_i32 = arith.constant 0 : i32
    %c0_i32_0 = arith.constant 0 : i32
    %c0_i32_1 = arith.constant 0 : i32
    return %c0_i32, %arg0, %c0_i32_0 : i32, i32, i32
  }
  func.func @transform_1(%arg0: i32) -> (i32, i32, i32) {
    %c0_i32 = arith.constant 0 : i32
    %c0_i32_0 = arith.constant 0 : i32
    %c0_i32_1 = arith.constant 0 : i32
    %c0_i32_2 = arith.constant 0 : i32
    return %c0_i32, %c0_i32_0, %c0_i32_1 : i32, i32, i32
  }
  func.func @transform_2(%arg0: i32) -> (i32, i32, i32) {
    %c0_i32 = arith.constant 0 : i32
    %c0_i32_0 = arith.constant 0 : i32
    %c0_i32_1 = arith.constant 0 : i32
    %c0_i32_2 = arith.constant 0 : i32
    return %c0_i32, %c0_i32_0, %c0_i32_1 : i32, i32, i32
  }
  func.func @transform_3(%arg0: i32) -> (i32, i32) {
    %c0_i32 = arith.constant 0 : i32
    %c0_i32_0 = arith.constant 0 : i32
    %c0_i32_1 = arith.constant 0 : i32
    return %c0_i32, %c0_i32_0 : i32, i32
  }
  func.func @transform_4(%arg0: i32) -> (i32, i32) {
    %c0_i32 = arith.constant 0 : i32
    %c0_i32_0 = arith.constant 0 : i32
    %c0_i32_1 = arith.constant 0 : i32
    return %c0_i32, %c0_i32_0 : i32, i32
  }
  func.func @transform_5(%arg0: i32) -> (i32, i32) {
    %c0_i32 = arith.constant 0 : i32
    %c0_i32_0 = arith.constant 0 : i32
    %c0_i32_1 = arith.constant 0 : i32
    return %c0_i32, %c0_i32_0 : i32, i32
  }
  func.func @transform_6(%arg0: i32) -> (i32, i32) {
    %c0_i32 = arith.constant 0 : i32
    %c0_i32_0 = arith.constant 0 : i32
    %c0_i32_1 = arith.constant 0 : i32
    return %c0_i32, %c0_i32_0 : i32, i32
  }
  func.func @transform_7(%arg0: i32) -> (i32, i32) {
    %c0_i32 = arith.constant 0 : i32
    %c0_i32_0 = arith.constant 0 : i32
    return %arg0, %c0_i32 : i32, i32
  }
}

</mosaic_0001>

<sc_bundles>
// kernel: kernel.10.cloned.1.call-start
scs
__scs_entry_jumppad:
0x0: {  	(pc) =	sbr.rel $0x88, $3  }
0x1: {  	(tag) =	ssettag $0x0;
	lr =	simm.s32 $0x1  }
0x2: {  	[smem:$0x3F93] =	sst lr;
	_ =	strace $0xD0000000  }
0x3: {  	_ = 	snop  }
0x4: {  	_ = 	snop  }
0x5: {  	_ = 	snop  }
0x6: {  	_ = 	snop  }
0x7: {  	_ = 	snop  }
__scs_overlays_trampoline_lowered:
0x8: {  	[smem:$0x3FA2] =	sst s0  }
0x9: {  	[smem:$0x3FA3] =	sst s1  }
0xa: {  	[smem:$0x3FA4] =	sst s2  }
0xb: {  	[smem:$0x3FA5] =	sst s3  }
0xc: {  	[smem:$0x3FA6] =	sst s4  }
0xd: {  	[smem:$0x3FA7] =	sst s5  }
0xe: {  	[smem:$0x3FA8] =	sst s6  }
0xf: {  	[smem:$0x3FA9] =	sst s7  }
0x10: {  	[smem:$0x3FAA] =	sst s8  }
0x11: {  	[smem:$0x3FAB] =	sst s9;
	s0 =	simm.s32 @!p0 $0x0  }
0x12: {  	s1 =	sld [smem:$0x3F91];
	s0 =	simm.s32 @p0 $0x1  }
0x13: {  	[smem:$0x3FAC] =	sst s0;
	s0 =	simm.s32 @!p1 $0x0  }
0x14: {  	s2 =	sld [smem:$0x3F90];
	s0 =	simm.s32 @p1 $0x1  }
0x15: {  	[smem:$0x3FAD] =	sst s0;
	s0 =	simm.s32 @!p2 $0x0  }
0x16: {  	s3 =	sld [smem:$0x3FDB];
	s0 =	simm.s32 @p2 $0x1  }
0x17: {  	s4 =	simm.s32 $0x1BF5;
	[smem:$0x3FAF] =	sst s0  }
0x18: {  	s0 =	sld [smem:$0x3F92];
	_ =	swait.ge [sflag:s4], $0x0  }
0x19: {  	s7 =	sld [smem:$0x3F93]  }
0x1a: {  	s8 =	sadd.s32 $0xFFFFE003, lr  }
0x1b: {  	s9 =	sadd.s32 $0xFFFFFEF7, lr;
	s5 =	simm.s32 $0xFFFFFFFF;
	p2 =	slt.u32 s8, $0xFFFFF086  }
0x1c: {  	p1 =	slt.u32 s9, $0xF7A;
	s5 =	simm.s32 @!p2 $0x0  }
0x1d: {  	s5 =	simm.s32 @p1 $0x1;
	p0 =	seq.s32 s7, s2  }
0x1e: {  	s7 =	smul.u32 @!p0 $0xF7A, s2;
	p2 =	seq.s32 @!p0 s5, $0x0  }
0x1f: {  	s9 =	smul.u32 $0xF7A, s1;
	s8 =	simm.s32 @!p0 $0x1BF5;
	p2 =	por !p2, p0  }
0x20: {  	[sflag:s8] =	ssyncset.s32 @!p0 $0xFFFFF086;
	s6 =	sadd.s32 @!p0 s3, s7;
	s7 =	simm.s32 @!p0 $0x108  }
0x21: {  	s3 =	sadd.s32 s3, s9;
	s6 =	sadd.s32 @!p0 $0x88, s6;
	s7 =	simm.s32 @p2 $0x1082  }
0x22: {  	[simem:s7], [sflag:s8] =	dma.local @!p0 [hbm:s6], $0xF7A  }
0x23: {  	s9 =	sor.u32 $0xD0000000, s2;
	s6 =	simm.s32 $0x108;
	_ =	swait.ge @!p0 [sflag:s8], $0x0  }
0x24: {  	s3 =	sadd.s32 $0x88, s3;
	s6 =	simm.s32 @!p1 $0x1082;
	[sflag:s4] =	ssyncset.s32 $0xFFFFF086  }
0x25: {  	[simem:s6], [sflag:s4] =	dma.local [hbm:s3], $0xF7A  }
0x26: {  	[smem:$0x3F93] =	sst s1;
	(tag) =	ssettag s2;
	_ =	strace s9  }
0x27: {  	s1 =	sld [smem:$0x3FA3]  }
0x28: {  	s2 =	sld [smem:$0x3FA4]  }
0x29: {  	s4 =	sld [smem:$0x3FA6]  }
0x2a: {  	p0 =	seq.s32 s5, $0x0;
	s5 =	sld [smem:$0x3FA7]  }
0x2b: {  	s6 =	sld [smem:$0x3FA8]  }
0x2c: {  	s7 =	sld [smem:$0x3FA9]  }
0x2d: {  	s3 =	simm.s32 $0x108;
	s8 =	sld [smem:$0x3FAA]  }
0x2e: {  	s3 =	simm.s32 @!p0 $0x1082;
	s9 =	sld [smem:$0x3FAB]  }
0x2f: {  	lr =	sadd.s32 s0, s3;
	s0 =	sld [smem:$0x3FA2]  }
0x30: {  	s3 =	sld [smem:$0x3FA5]  }
0x31: {  	[smem:$0x3FAE] =	sst s10  }
0x32: {  	s10 =	sld [smem:$0x3FAC];
	_ =	sdelay $0x3  }
0x33: {  	p0 =	seq.s32 s10, $0x1;
	s10 =	sld [smem:$0x3FAE];
	_ =	sdelay $0x3  }
0x34: {  	[smem:$0x3FAE] =	sst s10  }
0x35: {  	s10 =	sld [smem:$0x3FAD];
	_ =	sdelay $0x3  }
0x36: {  	p1 =	seq.s32 s10, $0x1;
	s10 =	sld [smem:$0x3FAE];
	_ =	sdelay $0x3  }
0x37: {  	[smem:$0x3FAE] =	sst s10  }
0x38: {  	s10 =	sld [smem:$0x3FAF]  }
0x39: {  	_ = 	snop;
	(pc) =	sbr.ind lr, $3  }
0x3a: {  	_ = 	snop  }
0x3b: {  	_ = 	snop  }
0x3c: {  	p2 =	seq.s32 s10, $0x1;
	s10 =	sld [smem:$0x3FAE]  }
0x3d: {  	_ =	shalt  }
0x3e: {  	_ =	shalt  }
0x3f: {  	_ =	shalt  }
0x40: {  	_ =	shalt  }
0x41: {  	_ =	shalt  }
0x42: {  	_ =	shalt  }
0x43: {  	_ =	shalt  }
0x44: {  	_ =	shalt  }
0x45: {  	_ =	shalt  }
0x46: {  	_ =	shalt  }
0x47: {  	_ =	shalt  }
0x48: {  	_ =	shalt  }
0x49: {  	_ =	shalt  }
0x4a: {  	_ =	shalt  }
0x4b: {  	_ =	shalt  }
0x4c: {  	_ =	shalt  }
0x4d: {  	_ =	shalt  }
0x4e: {  	_ =	shalt  }
0x4f: {  	_ =	shalt  }
0x50: {  	_ =	shalt  }
0x51: {  	_ =	shalt  }
0x52: {  	_ =	shalt  }
0x53: {  	_ =	shalt  }
0x54: {  	_ =	shalt  }
0x55: {  	_ =	shalt  }
0x56: {  	_ =	shalt  }
0x57: {  	_ =	shalt  }
0x58: {  	_ =	shalt  }
0x59: {  	_ =	shalt  }
0x5a: {  	_ =	shalt  }
0x5b: {  	_ =	shalt  }
0x5c: {  	_ =	shalt  }
0x5d: {  	_ =	shalt  }
0x5e: {  	_ =	shalt  }
0x5f: {  	_ =	shalt  }
0x60: {  	_ =	shalt  }
0x61: {  	_ =	shalt  }
0x62: {  	_ =	shalt  }
0x63: {  	_ =	shalt  }
0x64: {  	_ =	shalt  }
0x65: {  	_ =	shalt  }
0x66: {  	_ =	shalt  }
0x67: {  	_ =	shalt  }
0x68: {  	_ =	shalt  }
0x69: {  	_ =	shalt  }
0x6a: {  	_ =	shalt  }
0x6b: {  	_ =	shalt  }
0x6c: {  	_ =	shalt  }
0x6d: {  	_ =	shalt  }
0x6e: {  	_ =	shalt  }
0x6f: {  	_ =	shalt  }
0x70: {  	_ =	shalt  }
0x71: {  	_ =	shalt  }
0x72: {  	_ =	shalt  }
0x73: {  	_ =	shalt  }
0x74: {  	_ =	shalt  }
0x75: {  	_ =	shalt  }
0x76: {  	_ =	shalt  }
0x77: {  	_ =	shalt  }
0x78: {  	_ =	shalt  }
0x79: {  	_ =	shalt  }
0x7a: {  	_ =	shalt  }
0x7b: {  	_ =	shalt  }
0x7c: {  	_ =	shalt  }
0x7d: {  	_ =	shalt  }
0x7e: {  	_ =	shalt  }
0x7f: {  	_ =	shalt  }
0x80: {  	_ =	shalt  }
0x81: {  	_ =	shalt  }
0x82: {  	_ =	shalt  }
0x83: {  	_ =	shalt  }
0x84: {  	_ =	shalt  }
0x85: {  	_ =	shalt  }
0x86: {  	_ =	shalt  }
0x87: {  	_ =	shalt  }
.Lfunc_end0:
.L_simem_size_0:
called_computation.1_lowered:
.L_overlay_start_0:
0x88: {  	s2 =	sld [smem:$0x3FD9]  }
0x89: {  	s3 =	sld [smem:$0x3FFE];
	_ =	sdelay $0x1  }
0x8a: {  	s1 =	srdreg.scid  }
0x8b: {  	s0 =	sand.u32 $0x1, s1  }
0x8c: {  	s17 =	sshll.u32 s0, $0xA;
	s2 =	sadd.s32 s3, s2  }
0x8d: {  	s2 =	sadd.s32 s2, s17  }
0x8e: {  	[smem:$0x3FBA] =	sst s2  }
0x8f: {  	_ = 	snop  }
0x90: {  	s2 =	sld [smem:$0x3FD0];
	(tm) =	ssettm $0x1  }
0x91: {  	s18 =	sld [smem:$0x3FFB];
	_ =	sdelay $0x3  }
0x92: {  	_ =	strace s18  }
0x93: {  	s3 =	sld [smem:$0x3FFC];
	_ =	sdelay $0x3  }
0x94: {  	_ =	strace s3  }
0x95: {  	s3 =	sld [smem:$0x3FFD];
	_ =	sdelay $0x3  }
0x96: {  	_ =	strace s3  }
0x97: {  	_ =	strace $0x8FFFFFFF  }
0x98: {  	s19 =	sld [smem:$0x3FDB];
	_ =	sdelay $0x1  }
0x99: {  	s4 =	simm.s32 $_scs_section_size  }
0x9a: {  	s5 =	simm.s32 $_size__tile_overlayer_lowered;
	s6 =	simm.s32 $_tile_overlayer_lowered  }
0x9b: {  	s22 =	simm.s32 $0x1BFF;
	s21 =	sshll.u32 s6, $0x1;
	s3 =	sadd.s32 s4, s19  }
0x9c: {  	s7 =	simm.s32 $0x0;
	s20 =	sshll.u32 s5, $0x1;
	s5 =	sadd.s32 s21, s3  }
0x9d: {  	[timem:s7], [sflag:s22] =	dma.local [hbm:s5], s20  }
0x9e: {  	_ =	swait.ge [sflag:s22], s20  }
0x9f: {  	s4 =	ssub.s32 $0x0, s20;
	[sflag:s22] =	ssyncset.done $0x0  }
0xa0: {  	[sflag:s22] =	ssyncadd.s32 s4;
	_ =	sdelay $0x1  }
0xa1: {  	s23 =	simm.s32 $0x1B8B  }
0xa2: {  	_ =	swait.ge [sflag:s23], $0x1  }
0xa3: {  	[sflag:s23] =	ssyncset.done $0x0  }
0xa4: {  	s25 =	simm.s32 $0x1B8E;
	s24 =	sld [smem:$0x3FFE];
	[sflag:s23] =	ssyncadd.s32 $0xFFFFFFFF  }
0xa5: {  	s26 =	simm.s32 $execute0_lowered;
	[smem:$0x3FD2] =	sst s25  }
0xa6: {  	s5 =	sshll.u32 s26, $0x1;
	_ =	strace $0x80000046;
	[dreg:$0x1] =	wrdreg $0xFFFFFFFF  }
0xa7: {  	s28 =	simm.s32 $_size_execute0_lowered;
	s3 =	sadd.s32 s3, s5;
	[dreg:$0x0] =	wrdreg $0x0  }
0xa8: {  	s5 =	sshll.u32 s28, $0x1;
	[dreg:$0x2] =	wrdreg s3  }
0xa9: {  	[dreg:$0x3] =	wrdreg s5  }
0xaa: {  	[dreg:$0x4] =	wrdreg $0xC0  }
0xab: {  	_ =	task [dreg:s7], $0x5FFFF  }
0xac: {  	[dreg:$0x1] =	wrdreg $0xFFFFFFFF  }
0xad: {  	[dreg:$0x0] =	wrdreg $0x60  }
0xae: {  	[dreg:$0x2] =	wrdreg s24  }
0xaf: {  	[dreg:$0x3] =	wrdreg s2  }
0xb0: {  	[dreg:$0x4] =	wrdreg $0xA  }
0xb1: {  	_ =	task.clear_ibuf [dreg:s7], $0x5FFFF;
	_ =	strace $0x90000046  }
0xb2: {  	s29 =	simm.s32 $0xA;
	_ =	strace $0x80000048  }
0xb3: {  	_ =	swait.ge [sflag:s29], $0x1  }
0xb4: {  	[sflag:s29] =	ssyncadd.s32 $0xFFFFFFFF  }
0xb5: {  	_ =	strace $0x90000048  }
0xb6: {  	_ =	sfence  }
0xb7: {  	s30 =	sld [smem:$0x0];
	_ =	sdelay $0x2  }
0xb8: {  	s31 =	sshll.u32 s1, $0xD;
	s1 =	sshrl.u32 s1, $0x2  }
0xb9: {  	s3 =	sand.u32 $0x4000, s31;
	s1 =	sadd.s32 s1, s30  }
0xba: {  	s0 =	sor.u32 s3, s0;
	s1 =	sshll.u32 s1, $0x11  }
0xbb: {  	s0 =	sor.u32 s1, s0  }
0xbc: {  	s0 =	sadd.s32 $0x8F2B, s0  }
0xbd: {  	[sflag:s0] =	ssyncadd.remote.s32 $0x1  }
0xbe: {  	_ =	sfence.sel $0xFFFF  }
0xbf: {  	[dreg:$0x0] =	wrdreg $0xFFFFFFFF;
	(pc) =	sbr.abs _section_cstart, $3  }
0xc0: {  	[dreg:$0x1] =	wrdreg $0xFFFFFFFF  }
0xc1: {  	_ =	task.clear_ibuf [dreg:s7], $0x2FFFF;
	_ =	strace $0x9FFFFFFF  }
0xc2: {  	(tm) =	ssettm $0x7FFFFFFF  }
0xc3: {  	_ =	shalt  }
tec
execute0_lowered:
.L_overlay_start_1:
0x0: {  	(tag) =	ssettag $0x1  }
0x1: {  	s1 =	rddreg [dreg:$0x0];
	s2 =	stileid.u32  }
0x2: {  	s3 =	rddreg [dreg:$0x1];
	s4 =	sshll.u32 s2, $0x5;
	s2 =	simm.s32 $0x0  }
0x3: {  	s14 =	simm.s32 $0x80;
	[smem:$0x7FF] =	sst s2  }
0x4: {  	s15 =	simm.s32 $0x100;
	_ =	strace $0x80000047;
	[dreg:$0x9] =	wrdreg s14  }
0x5: {  	s16 =	simm.s32 $0xCB00;
	[dreg:$0xa] =	wrdreg s15  }
0x6: {  	s17 =	simm.s32 $0xCF00;
	[dreg:$0xb] =	wrdreg s16  }
0x7: {  	s18 =	simm.s32 $0xD700;
	[dreg:$0xc] =	wrdreg s17  }
0x8: {  	s19 =	simm.s32 $0xDB00;
	[dreg:$0xd] =	wrdreg s18  }
0x9: {  	s20 =	simm.s32 $0xE300;
	[dreg:$0xe] =	wrdreg s19  }
0xa: {  	s21 =	simm.s32 $0xE700;
	[dreg:$0xf] =	wrdreg s20  }
0xb: {  	s22 =	simm.s32 $0xEF00;
	[dreg:$0x10] =	wrdreg s21  }
0xc: {  	s23 =	simm.s32 $0xF300;
	[dreg:$0x11] =	wrdreg s22  }
0xd: {  	s0 =	srdreg.scid;
	s24 =	simm.s32 $0xFB00;
	[dreg:$0x12] =	wrdreg s23  }
0xe: {  	s26 =	simm.s32 $0xFF00;
	s7 =	simm.s32 $0x10B00;
	[dreg:$0x13] =	wrdreg s24  }
0xf: {  	s28 =	simm.s32 $0x2F00;
	s29 =	simm.s32 $0x3300;
	[dreg:$0x14] =	wrdreg s26  }
0x10: {  	s30 =	simm.s32 $0x3B00;
	[dreg:$0x16] =	wrdreg s7;
	s14 =	simm.s32 $0x13700  }
0x11: {  	s31 =	simm.s32 $0x3F00;
	s15 =	simm.s32 $0x13B00;
	[dreg:$0x1d] =	wrdreg s14  }
0x12: {  	s0 =	sand.u32 $0x1, s0;
	s16 =	simm.s32 $0x14300;
	[dreg:$0x1e] =	wrdreg s15  }
0x13: {  	s5 =	sshll.u32 s0, $0x4;
	s17 =	simm.s32 $0x14700;
	[dreg:$0x1f] =	wrdreg s16  }
0x14: {  	s0 =	ssub.s32 $0x2, s0;
	s18 =	simm.s32 $0x14F00;
	[smem:$0x7F4] =	sst s17  }
0x15: {  	s4 =	sor.u32 s5, s4;
	s19 =	simm.s32 $0x15300;
	[smem:$0x7F5] =	sst s18  }
0x16: {  	s25 =	sshrl.u32 s0, $0x1;
	s20 =	simm.s32 $0x15B00;
	[smem:$0x7F6] =	sst s19  }
0x17: {  	s21 =	simm.s32 $0x15F00;
	s22 =	simm.s32 $0x16700;
	[smem:$0x7F7] =	sst s20  }
0x18: {  	s23 =	simm.s32 $0x16B00;
	s24 =	simm.s32 $0x17300;
	[smem:$0x7F8] =	sst s21  }
0x19: {  	s26 =	simm.s32 $0x17F00;
	s7 =	simm.s32 $0x8700;
	[smem:$0x7F9] =	sst s22  }
0x1a: {  	s5 =	smul.u32 $0xC00, s4;
	s6 =	sadd.s32 s4, s1;
	[smem:$0x7FA] =	sst s23  }
0x1b: {  	s3 =	sadd.s32 s3, s4;
	s0 =	ssub.s32 s0, s25;
	[smem:$0x7FB] =	sst s24  }
0x1c: {  	s25 =	simm.s32 $0x17700;
	[smem:$0x7FD] =	sst s26;
	s16 =	simm.s32 $0x3  }
0x1d: {  	s15 =	simm.s32 $0x300;
	s21 =	simm.s32 $0xB00;
	s22 =	simm.s32 $0xF00  }
0x1e: {  	s23 =	simm.s32 $0x1700;
	s24 =	simm.s32 $0x1B00;
	[dreg:$0x3] =	wrdreg s3  }
0x1f: {  	s26 =	simm.s32 $0x2700;
	s9 =	sadd.s32 $0x2800, s6;
	[smem:$0x7FC] =	sst s25  }
0x20: {  	s14 =	simm.s32 $0x7700;
	s10 =	sadd.s32 $0x2600, s6;
	[dreg:$0x4] =	wrdreg s9  }
0x21: {  	s17 =	simm.s32 $0x7B00;
	s6 =	simm.s32 $0x10700;
	[dreg:$0x5] =	wrdreg s10  }
0x22: {  	s18 =	simm.s32 $0x8300;
	[dreg:$0x15] =	wrdreg s6;
	s9 =	simm.s32 $0x11700  }
0x23: {  	s8 =	sshrl.u32 s5, $0x3;
	s10 =	simm.s32 $0x11F00;
	[dreg:$0x18] =	wrdreg s9  }
0x24: {  	s4 =	sadd.s32 s8, s1;
	s8 =	simm.s32 $0x11300;
	[dreg:$0x19] =	wrdreg s10  }
0x25: {  	s3 =	sadd.s32 $0x2A00, s1;
	s11 =	sadd.s32 $0x1B2A00, s4;
	[dreg:$0x17] =	wrdreg s8  }
0x26: {  	s25 =	simm.s32 $0x2300;
	s12 =	sadd.s32 $0x1E2A00, s4;
	[dreg:$0x6] =	wrdreg s11  }
0x27: {  	s5 =	smax.u32 s0, $0x1;
	s13 =	sadd.s32 $0x212A00, s4;
	[dreg:$0x7] =	wrdreg s12  }
0x28: {  	s6 =	simm.s32 $0x5;
	[dreg:$0x8] =	wrdreg s13;
	s11 =	simm.s32 $0x12300  }
0x29: {  	s9 =	simm.s32 $0x5700;
	s12 =	simm.s32 $0x12B00;
	[dreg:$0x1a] =	wrdreg s11  }
0x2a: {  	v2 =	vlaneseq.u32;
	s10 =	simm.s32 $0x5F00;
	s13 =	simm.s32 $0x12F00;
	[dreg:$0x1b] =	wrdreg s12  }
0x2b: {  	vm0 =	vmmov $0xffff;
	vm1 =	vmmov $0xff;
	v1 =	vshrl.u32 v2, $0x3;
	s4 =	sadd.s32 $0x2B00, s1;
	s8 =	simm.s32 $0x5300;
	[dreg:$0x1c] =	wrdreg s13  }
0x2c: {  	v0 =	vand.u32 $0x7, v2;
	v2 =	vor.u32 $0x8, v2;
	v1 =	vmul.u32 $0x8, v1;
	s11 =	simm.s32 $0x6300;
	s12 =	simm.s32 $0x6B00;
	s13 =	simm.s32 $0x6F00  }
.LBB2_1:
0x2d: {  	s19 =	rddreg [dreg:$0x3]  }
0x2e: {  	[tilespmem:s2], [sflag:$0x5] =	stream.linear.gather [hbm4b:s19+s2], $0x80, $0x38;
	[tilespmem:$0x18300] =	vst v63  }
0x2f: {  	_ =	swait.ge [sflag:s6], $0x80  }
0x30: {  	s1 =	rddreg [dreg:$0x4];
	[sflag:s6] =	ssyncset.done $0x0  }
0x31: {  	s20 =	rddreg [dreg:$0x9];
	[sflag:s6] =	ssyncadd.s32 $0xFFFFFF80  }
0x32: {  	[tilespmem:s20], [sflag:$0x5] =	stream.linear.gather [hbm4b:s1+s2], $0x80, $0x38;
	[tilespmem:$0x18300] =	vst v63  }
0x33: {  	_ =	swait.ge [sflag:s6], $0x80  }
0x34: {  	s0 =	rddreg [dreg:$0x5];
	[sflag:s6] =	ssyncset.done $0x0  }
0x35: {  	s1 =	rddreg [dreg:$0xa];
	[sflag:s6] =	ssyncadd.s32 $0xFFFFFF80  }
0x36: {  	[tilespmem:s1], [sflag:$0x5] =	stream.linear.gather [hbm4b:s0+s2], $0x80, $0x38;
	[tilespmem:$0x18300] =	vst v63  }
0x37: {  	_ =	swait.ge [sflag:s6], $0x80  }
0x38: {  	[sflag:s6] =	ssyncset.done $0x0  }
0x39: {  	[sflag:s6] =	ssyncadd.s32 $0xFFFFFF80  }
0x3a: {  	v3 =	vld [tilespmem:$0x0]  }
0x3b: {  	v4 =	vld [tilespmem:$0x80]  }
0x3c: {  	v5 =	vld [tilespmem:$0x100]  }
0x3d: {  	v6 =	vld [tilespmem:$0x10]  }
0x3e: {  	v7 =	vld [tilespmem:$0x90]  }
0x3f: {  	v10 =	vld [tilespmem:$0x20]  }
0x40: {  	v40 =	vld [tilespmem:$0xA0]  }
0x41: {  	v12 =	vld [tilespmem:$0x120]  }
0x42: {  	v44 =	vld [tilespmem:$0xB0]  }
0x43: {  	v45 =	vld [tilespmem:$0x40]  }
0x44: {  	v47 =	vld [tilespmem:$0xC0]  }
0x45: {  	v17 =	vld [tilespmem:$0x50]  }
0x46: {  	v52 =	vld [tilespmem:$0xD0]  }
0x47: {  	v58 =	vld [tilespmem:$0x60]  }
0x48: {  	v59 =	vld [tilespmem:$0xE0];
	v3 =	vshll.u32 v3, $0xC;
	v9 =	vshll.u32 v4, $0x6  }
0x49: {  	v42 =	vld [tilespmem:$0x30];
	vm2 =	vgt.s32 v4, $0x0;
	v6 =	vshll.u32 v6, $0xC;
	v11 =	vshll.u32 v7, $0x6  }
0x4a: {  	v23 =	vld [tilespmem:$0x70];
	vm3 =	vgt.s32 v7, $0x0;
	v10 =	vshll.u32 v10, $0xC;
	v14 =	vshll.u32 v40, $0x6  }
0x4b: {  	v15 =	vld [tilespmem:$0x130];
	v50 =	vshll.u32 v44, $0x6;
	v54 =	vshll.u32 v45, $0xC;
	v55 =	vshll.u32 v47, $0x6  }
0x4c: {  	v56 =	vld [tilespmem:$0x150];
	v61 =	vshll.u32 v17, $0xC;
	v62 =	vshll.u32 v52, $0x6;
	v24 =	vshll.u32 v58, $0xC  }
0x4d: {  	v26 =	vld [tilespmem:$0xF0];
	v25 =	vshll.u32 v59, $0x6;
	v3 =	vadd.s32 v3, v9;
	v41 =	vadd.s32 v6, v11  }
0x4e: {  	v8 =	vld [tilespmem:$0x110];
	v10 =	vadd.s32 v10, v14;
	v6 =	vshll.u32 v42, $0xC;
	v3 =	vadd.s32 v5, v3  }
0x4f: {  	v33 =	vshll.u32 v23, $0xC;
	v10 =	vadd.s32 v12, v10;
	v6 =	vadd.s32 v6, v50;
	[tilespmem:$0x200] =	vst v3  }
0x50: {  	v16 =	vld [tilespmem:$0x140];
	v19 =	vadd.s32 v61, v62;
	v5 =	vadd.s32 $0xFFFFFFC0, v3;
	v6 =	vadd.s32 v15, v6;
	[tilespmem:$0x220] =	vst v10  }
0x51: {  	v49 =	vadd.s32 $0xFFFFFFC0, v10;
	v51 =	vadd.s32 $0x40, v10;
	v10 =	vadd.s32 v56, v19;
	[tilespmem:$0x230] =	vst v6  }
0x52: {  	v34 =	vshll.u32 v26, $0x6;
	v57 =	vadd.s32 v54, v55;
	v5 =	vnsel vm2, $0x8000, v5;
	[tilespmem:$0x250] =	vst v10  }
0x53: {  	v43 =	vadd.s32 $0x40, v3;
	vm2 =	vlt.s32 v4, $0x3F;
	v4 =	vadd.s32 v8, v41;
	[tilespmem:$0x180] =	vst v5  }
0x54: {  	v53 =	vadd.s32 $0xFFFFFFC0, v6;
	v22 =	vadd.s32 $0xFFFFFFC0, v10;
	v11 =	vnsel vm2, $0x8000, v43;
	[tilespmem:$0x210] =	vst v4  }
0x55: {  	v27 =	vadd.s32 $0x40, v10;
	v13 =	vadd.s32 $0xFFFFFFC0, v4;
	v5 =	vadd.s32 v16, v57;
	[tilespmem:$0x280] =	vst v11  }
0x56: {  	v63 =	vld [tilespmem:$0x160];
	vm2 =	vlt.s32 v7, $0x3F;
	v46 =	vadd.s32 $0x40, v4;
	v13 =	vnsel vm3, $0x8000, v13;
	[tilespmem:$0x240] =	vst v5  }
0x57: {  	v48 =	vnsel vm2, $0x8000, v46;
	vm2 =	vgt.s32 v40, $0x0;
	vm3 =	vgt.s32 v47, $0x0;
	v20 =	vld [tilespmem:$0x180];
	[tilespmem:$0x190] =	vst v13  }
0x58: {  	v60 =	vadd.s32 $0xFFFFFFC0, v5;
	v3 =	vnsel vm2, $0x8000, v49;
	vm2 =	vlt.s32 v40, $0x3F;
	[tilespmem:$0x290] =	vst v48  }
0x59: {  	v21 =	vadd.s32 $0x40, v5;
	v18 =	vnsel vm3, $0x8000, v60;
	v9 =	vnsel vm2, $0x8000, v51;
	[tilespmem:$0x1A0] =	vst v3  }
0x5a: {  	vm2 =	vgt.s32 v44, $0x0;
	v3 =	vadd.s32 $0x40, v6;
	[tilespmem:$0x1C0] =	vst v18;
	v6 =	vadd.s32 v24, v25  }
0x5b: {  	v4 =	vnsel vm2, $0x8000, v53;
	vm2 =	vlt.s32 v44, $0x3F;
	[tilespmem:$0x2A0] =	vst v9;
	v6 =	vadd.s32 v63, v6  }
0x5c: {  	v3 =	vnsel vm2, $0x8000, v3;
	[tilespmem:$0x1B0] =	vst v4;
	vm2 =	vlt.s32 v47, $0x3F;
	v30 =	vshrl.u32 v20, $0x3  }
0x5d: {  	v29 =	vld [tilespmem:$0x170];
	v31 =	vadd.s32 $0xFFFFFFC0, v6;
	v35 =	vadd.s32 $0x40, v6;
	[tilespmem:$0x260] =	vst v6;
	v8 =	vmul.u32 $0x18, v30  }
0x5e: {  	v4 =	vnsel vm2, $0x8000, v21;
	vm2 =	vgt.s32 v52, $0x0;
	[tilespmem:$0x2B0] =	vst v3;
	v32 =	vand.u32 $0x7, v20  }
0x5f: {  	v3 =	vnsel vm2, $0x8000, v22;
	vm2 =	vlt.s32 v52, $0x3F;
	[tilespmem:$0x2C0] =	vst v4;
	v4 =	vor.u32 v32, v8  }
0x60: {  	v28 =	vnsel vm2, $0x8000, v27;
	vm2 =	vgt.s32 v59, $0x0;
	[tilespmem:$0x1D0] =	vst v3;
	v36 =	vperm.xlane v4, v0  }
0x61: {  	v3 =	vnsel vm2, $0x8000, v31;
	vm2 =	vlt.s32 v59, $0x3F;
	[tilespmem:$0x2D0] =	vst v28;
	v8 =	vadd.s32 v33, v34  }
0x62: {  	[tilespmem:$0x1E0] =	vst v3;
	v3 =	vadd.s32 v29, v8;
	v5 =	vnsel vm2, $0x8000, v35;
	v38 =	vadd.s32 v1, v36  }
0x63: {  	vm2 =	vgt.s32 v26, $0x0;
	v4 =	vperm.xlane v4, v2;
	v37 =	vadd.s32 $0xFFFFFFC0, v3;
	[tilespmem:$0x2E0] =	vst v5  }
0x64: {  	v40 =	vadd.s32 $0x40, v3;
	[tilespmem:$0x270] =	vst v3;
	v39 =	vnsel vm2, $0x8000, v37;
	vm2 =	vlt.s32 v26, $0x3F  }
0x65: {  	[tilespmem:$0x1F0] =	vst v39;
	v3 =	vnsel vm2, $0x8000, v40  }
0x66: {  	[tilespmem:$0x2F0] =	vst v3;
	v3 =	vadd.s32 v1, v4  }
0x67: {  	[tilespmem:s15], [sflag:$0x1] =	stream.indirect_vreg.gather [hbm4b:s3+s2], $0x80, v38, vm0, $0xb8;
	[tilespmem:$0x18300] =	vst v63  }
0x68: {  	_ = 	snop  }
0x69: {  	[tilespmem:s21], [sflag:$0x1] =	stream.indirect_vreg.gather [hbm4b:s4+s2], $0x80, v38, vm1, $0xb8;
	[tilespmem:$0x18300] =	vst v63  }
0x6a: {  	_ = 	snop  }
0x6b: {  	[tilespmem:s22], [sflag:$0x1] =	stream.indirect_vreg.gather [hbm4b:s3+s2], $0x80, v3, vm0, $0xb8;
	[tilespmem:$0x18300] =	vst v63  }
0x6c: {  	_ = 	snop  }
0x6d: {  	[tilespmem:s23], [sflag:$0x1] =	stream.indirect_vreg.gather [hbm4b:s4+s2], $0x80, v3, vm1, $0xb8;
	[tilespmem:$0x18300] =	vst v63  }
0x6e: {  	v3 =	vld [tilespmem:$0x190];
	_ =	sdelay $0x4  }
0x6f: {  	v41 =	vshrl.u32 v3, $0x3  }
0x70: {  	v4 =	vmul.u32 $0x18, v41  }
0x71: {  	v3 =	vand.u32 $0x7, v3  }
0x72: {  	v3 =	vor.u32 v3, v4  }
0x73: {  	v4 =	vperm.xlane v3, v0;
	_ =	sdelay $0x1  }
0x74: {  	v4 =	vadd.s32 v1, v4;
	_ =	sdelay $0x1  }
0x75: {  	v3 =	vperm.xlane v3, v2;
	_ =	sdelay $0x1  }
0x76: {  	v3 =	vadd.s32 v1, v3  }
0x77: {  	[tilespmem:s24], [sflag:$0x1] =	stream.indirect_vreg.gather [hbm4b:s3+s2], $0x80, v4, vm0, $0xb8;
	[tilespmem:$0x18300] =	vst v63  }
0x78: {  	_ = 	snop  }
0x79: {  	[tilespmem:s25], [sflag:$0x1] =	stream.indirect_vreg.gather [hbm4b:s4+s2], $0x80, v4, vm1, $0xb8;
	[tilespmem:$0x18300] =	vst v63  }
0x7a: {  	_ = 	snop  }
0x7b: {  	[tilespmem:s26], [sflag:$0x1] =	stream.indirect_vreg.gather [hbm4b:s3+s2], $0x80, v3, vm0, $0xb8;
	[tilespmem:$0x18300] =	vst v63  }
0x7c: {  	_ = 	snop  }
0x7d: {  	[tilespmem:s28], [sflag:$0x1] =	stream.indirect_vreg.gather [hbm4b:s4+s2], $0x80, v3, vm1, $0xb8;
	[tilespmem:$0x18300] =	vst v63  }
0x7e: {  	v3 =	vld [tilespmem:$0x1A0];
	_ =	sdelay $0x4  }
0x7f: {  	v42 =	vshrl.u32 v3, $0x3  }
0x80: {  	v4 =	vmul.u32 $0x18, v42  }
0x81: {  	v3 =	vand.u32 $0x7, v3  }
0x82: {  	v3 =	vor.u32 v3, v4  }
0x83: {  	v4 =	vperm.xlane v3, v0;
	_ =	sdelay $0x1  }
0x84: {  	v4 =	vadd.s32 v1, v4;
	_ =	sdelay $0x1  }
0x85: {  	v3 =	vperm.xlane v3, v2;
	_ =	sdelay $0x1  }
0x86: {  	v3 =	vadd.s32 v1, v3  }
0x87: {  	[tilespmem:s29], [sflag:$0x1] =	stream.indirect_vreg.gather [hbm4b:s3+s2], $0x80, v4, vm0, $0xb8;
	[tilespmem:$0x18300] =	vst v63  }
0x88: {  	_ = 	snop  }
0x89: {  	[tilespmem:s30], [sflag:$0x1] =	stream.indirect_vreg.gather [hbm4b:s4+s2], $0x80, v4, vm1, $0xb8;
	[tilespmem:$0x18300] =	vst v63  }
0x8a: {  	_ = 	snop  }
0x8b: {  	[tilespmem:s31], [sflag:$0x1] =	stream.indirect_vreg.gather [hbm4b:s3+s2], $0x80, v3, vm0, $0xb8;
	[tilespmem:$0x18300] =	vst v63  }
0x8c: {  	s1 =	simm.s32 $0x4700  }
0x8d: {  	[tilespmem:s1], [sflag:$0x1] =	stream.indirect_vreg.gather [hbm4b:s4+s2], $0x80, v3, vm1, $0xb8;
	[tilespmem:$0x18300] =	vst v63  }
0x8e: {  	v3 =	vld [tilespmem:$0x1B0];
	_ =	sdelay $0x4  }
0x8f: {  	v43 =	vshrl.u32 v3, $0x3  }
0x90: {  	v4 =	vmul.u32 $0x18, v43  }
0x91: {  	v3 =	vand.u32 $0x7, v3  }
0x92: {  	v3 =	vor.u32 v3, v4  }
0x93: {  	v4 =	vperm.xlane v3, v0;
	_ =	sdelay $0x1  }
0x94: {  	v4 =	vadd.s32 v1, v4;
	_ =	sdelay $0x1  }
0x95: {  	v3 =	vperm.xlane v3, v2;
	_ =	sdelay $0x1  }
0x96: {  	s0 =	simm.s32 $0x4B00;
	v3 =	vadd.s32 v1, v3  }
0x97: {  	[tilespmem:s0], [sflag:$0x1] =	stream.indirect_vreg.gather [hbm4b:s3+s2], $0x80, v4, vm0, $0xb8;
	[tilespmem:$0x18300] =	vst v63  }
0x98: {  	_ = 	snop  }
0x99: {  	[tilespmem:s8], [sflag:$0x1] =	stream.indirect_vreg.gather [hbm4b:s4+s2], $0x80, v4, vm1, $0xb8;
	[tilespmem:$0x18300] =	vst v63  }
0x9a: {  	_ = 	snop  }
0x9b: {  	[tilespmem:s9], [sflag:$0x1] =	stream.indirect_vreg.gather [hbm4b:s3+s2], $0x80, v3, vm0, $0xb8;
	[tilespmem:$0x18300] =	vst v63  }
0x9c: {  	_ = 	snop  }
0x9d: {  	[tilespmem:s10], [sflag:$0x1] =	stream.indirect_vreg.gather [hbm4b:s4+s2], $0x80, v3, vm1, $0xb8;
	[tilespmem:$0x18300] =	vst v63  }
0x9e: {  	v3 =	vld [tilespmem:$0x1C0];
	_ =	sdelay $0x4  }
0x9f: {  	v44 =	vshrl.u32 v3, $0x3  }
0xa0: {  	v4 =	vmul.u32 $0x18, v44  }
0xa1: {  	v3 =	vand.u32 $0x7, v3  }
0xa2: {  	v3 =	vor.u32 v3, v4  }
0xa3: {  	v4 =	vperm.xlane v3, v0;
	_ =	sdelay $0x1  }
0xa4: {  	v4 =	vadd.s32 v1, v4;
	_ =	sdelay $0x1  }
0xa5: {  	v3 =	vperm.xlane v3, v2;
	_ =	sdelay $0x1  }
0xa6: {  	v3 =	vadd.s32 v1, v3  }
0xa7: {  	[tilespmem:s11], [sflag:$0x1] =	stream.indirect_vreg.gather [hbm4b:s3+s2], $0x80, v4, vm0, $0xb8;
	[tilespmem:$0x18300] =	vst v63  }
0xa8: {  	_ = 	snop  }
0xa9: {  	[tilespmem:s12], [sflag:$0x1] =	stream.indirect_vreg.gather [hbm4b:s4+s2], $0x80, v4, vm1, $0xb8;
	[tilespmem:$0x18300] =	vst v63  }
0xaa: {  	_ = 	snop  }
0xab: {  	[tilespmem:s13], [sflag:$0x1] =	stream.indirect_vreg.gather [hbm4b:s3+s2], $0x80, v3, vm0, $0xb8;
	[tilespmem:$0x18300] =	vst v63  }
0xac: {  	_ = 	snop  }
0xad: {  	[tilespmem:s14], [sflag:$0x1] =	stream.indirect_vreg.gather [hbm4b:s4+s2], $0x80, v3, vm1, $0xb8;
	[tilespmem:$0x18300] =	vst v63  }
0xae: {  	v3 =	vld [tilespmem:$0x1D0];
	_ =	sdelay $0x4  }
0xaf: {  	v45 =	vshrl.u32 v3, $0x3  }
0xb0: {  	v4 =	vmul.u32 $0x18, v45  }
0xb1: {  	v3 =	vand.u32 $0x7, v3  }
0xb2: {  	v3 =	vor.u32 v3, v4  }
0xb3: {  	v4 =	vperm.xlane v3, v0;
	_ =	sdelay $0x1  }
0xb4: {  	v4 =	vadd.s32 v1, v4;
	_ =	sdelay $0x1  }
0xb5: {  	v3 =	vperm.xlane v3, v2;
	_ =	sdelay $0x1  }
0xb6: {  	v3 =	vadd.s32 v1, v3  }
0xb7: {  	[tilespmem:s17], [sflag:$0x1] =	stream.indirect_vreg.gather [hbm4b:s3+s2], $0x80, v4, vm0, $0xb8;
	[tilespmem:$0x18300] =	vst v63  }
0xb8: {  	_ = 	snop  }
0xb9: {  	[tilespmem:s18], [sflag:$0x1] =	stream.indirect_vreg.gather [hbm4b:s4+s2], $0x80, v4, vm1, $0xb8;
	[tilespmem:$0x18300] =	vst v63  }
0xba: {  	_ = 	snop  }
0xbb: {  	[tilespmem:s7], [sflag:$0x1] =	stream.indirect_vreg.gather [hbm4b:s3+s2], $0x80, v3, vm0, $0xb8;
	[tilespmem:$0x18300] =	vst v63  }
0xbc: {  	s20 =	simm.s32 $0x8F00  }
0xbd: {  	[tilespmem:s20], [sflag:$0x1] =	stream.indirect_vreg.gather [hbm4b:s4+s2], $0x80, v3, vm1, $0xb8;
	[tilespmem:$0x18300] =	vst v63  }
0xbe: {  	v3 =	vld [tilespmem:$0x1E0];
	_ =	sdelay $0x4  }
0xbf: {  	v46 =	vshrl.u32 v3, $0x3  }
0xc0: {  	v4 =	vmul.u32 $0x18, v46  }
0xc1: {  	v3 =	vand.u32 $0x7, v3  }
0xc2: {  	v3 =	vor.u32 v3, v4  }
0xc3: {  	v4 =	vperm.xlane v3, v0;
	_ =	sdelay $0x1  }
0xc4: {  	v4 =	vadd.s32 v1, v4;
	_ =	sdelay $0x1  }
0xc5: {  	v3 =	vperm.xlane v3, v2;
	_ =	sdelay $0x1  }
0xc6: {  	s19 =	simm.s32 $0x9300;
	v3 =	vadd.s32 v1, v3  }
0xc7: {  	[tilespmem:s19], [sflag:$0x1] =	stream.indirect_vreg.gather [hbm4b:s3+s2], $0x80, v4, vm0, $0xb8;
	[tilespmem:$0x18300] =	vst v63  }
0xc8: {  	s20 =	simm.s32 $0x9B00  }
0xc9: {  	[tilespmem:s20], [sflag:$0x1] =	stream.indirect_vreg.gather [hbm4b:s4+s2], $0x80, v4, vm1, $0xb8;
	[tilespmem:$0x18300] =	vst v63  }
0xca: {  	s19 =	simm.s32 $0x9F00  }
0xcb: {  	[tilespmem:s19], [sflag:$0x1] =	stream.indirect_vreg.gather [hbm4b:s3+s2], $0x80, v3, vm0, $0xb8;
	[tilespmem:$0x18300] =	vst v63  }
0xcc: {  	s20 =	simm.s32 $0xA700  }
0xcd: {  	[tilespmem:s20], [sflag:$0x1] =	stream.indirect_vreg.gather [hbm4b:s4+s2], $0x80, v3, vm1, $0xb8;
	[tilespmem:$0x18300] =	vst v63  }
0xce: {  	v3 =	vld [tilespmem:$0x1F0];
	_ =	sdelay $0x4  }
0xcf: {  	v47 =	vshrl.u32 v3, $0x3  }
0xd0: {  	v4 =	vmul.u32 $0x18, v47  }
0xd1: {  	v3 =	vand.u32 $0x7, v3  }
0xd2: {  	v3 =	vor.u32 v3, v4  }
0xd3: {  	v4 =	vperm.xlane v3, v0;
	_ =	sdelay $0x1  }
0xd4: {  	v4 =	vadd.s32 v1, v4;
	_ =	sdelay $0x1  }
0xd5: {  	v3 =	vperm.xlane v3, v2;
	_ =	sdelay $0x1  }
0xd6: {  	s19 =	simm.s32 $0xAB00;
	v3 =	vadd.s32 v1, v3  }
0xd7: {  	[tilespmem:s19], [sflag:$0x1] =	stream.indirect_vreg.gather [hbm4b:s3+s2], $0x80, v4, vm0, $0xb8;
	[tilespmem:$0x18300] =	vst v63  }
0xd8: {  	s20 =	simm.s32 $0xB300  }
0xd9: {  	[tilespmem:s20], [sflag:$0x1] =	stream.indirect_vreg.gather [hbm4b:s4+s2], $0x80, v4, vm1, $0xb8;
	[tilespmem:$0x18300] =	vst v63  }
0xda: {  	s19 =	simm.s32 $0xB700  }
0xdb: {  	[tilespmem:s19], [sflag:$0x1] =	stream.indirect_vreg.gather [hbm4b:s3+s2], $0x80, v3, vm0, $0xb8;
	[tilespmem:$0x18300] =	vst v63  }
0xdc: {  	s20 =	simm.s32 $0xBF00  }
0xdd: {  	[tilespmem:s20], [sflag:$0x1] =	stream.indirect_vreg.gather [hbm4b:s4+s2], $0x80, v3, vm1, $0xb8;
	[tilespmem:$0x18300] =	vst v63  }
0xde: {  	v3 =	vld [tilespmem:$0x200];
	_ =	sdelay $0x4  }
0xdf: {  	v48 =	vshrl.u32 v3, $0x3  }
0xe0: {  	v4 =	vmul.u32 $0x18, v48  }
0xe1: {  	v3 =	vand.u32 $0x7, v3  }
0xe2: {  	v3 =	vor.u32 v3, v4  }
0xe3: {  	v4 =	vperm.xlane v3, v0;
	_ =	sdelay $0x1  }
0xe4: {  	v4 =	vadd.s32 v1, v4;
	_ =	sdelay $0x1  }
0xe5: {  	v3 =	vperm.xlane v3, v2;
	_ =	sdelay $0x1  }
0xe6: {  	s0 =	simm.s32 $0xC300;
	v3 =	vadd.s32 v1, v3  }
0xe7: {  	[tilespmem:s0], [sflag:$0x2] =	stream.indirect_vreg.gather [hbm4b:s3+s2], $0x80, v4, vm0, $0xb8;
	[tilespmem:$0x18300] =	vst v63  }
0xe8: {  	s19 =	rddreg [dreg:$0xb]  }
0xe9: {  	[tilespmem:s19], [sflag:$0x2] =	stream.indirect_vreg.gather [hbm4b:s4+s2], $0x80, v4, vm1, $0xb8;
	[tilespmem:$0x18300] =	vst v63  }
0xea: {  	s20 =	rddreg [dreg:$0xc]  }
0xeb: {  	[tilespmem:s20], [sflag:$0x2] =	stream.indirect_vreg.gather [hbm4b:s3+s2], $0x80, v3, vm0, $0xb8;
	[tilespmem:$0x18300] =	vst v63  }
0xec: {  	s19 =	rddreg [dreg:$0xd]  }
0xed: {  	[tilespmem:s19], [sflag:$0x2] =	stream.indirect_vreg.gather [hbm4b:s4+s2], $0x80, v3, vm1, $0xb8;
	[tilespmem:$0x18300] =	vst v63  }
0xee: {  	v3 =	vld [tilespmem:$0x210];
	_ =	sdelay $0x4  }
0xef: {  	v49 =	vshrl.u32 v3, $0x3  }
0xf0: {  	v4 =	vmul.u32 $0x18, v49  }
0xf1: {  	v3 =	vand.u32 $0x7, v3  }
0xf2: {  	v3 =	vor.u32 v3, v4  }
0xf3: {  	v4 =	vperm.xlane v3, v0;
	_ =	sdelay $0x1  }
0xf4: {  	v4 =	vadd.s32 v1, v4;
	_ =	sdelay $0x1  }
0xf5: {  	v3 =	vperm.xlane v3, v2;
	_ =	sdelay $0x1  }
0xf6: {  	s19 =	rddreg [dreg:$0xe];
	v3 =	vadd.s32 v1, v3  }
0xf7: {  	[tilespmem:s19], [sflag:$0x2] =	stream.indirect_vreg.gather [hbm4b:s3+s2], $0x80, v4, vm0, $0xb8;
	[tilespmem:$0x18300] =	vst v63  }
0xf8: {  	s20 =	rddreg [dreg:$0xf]  }
0xf9: {  	[tilespmem:s20], [sflag:$0x2] =	stream.indirect_vreg.gather [hbm4b:s4+s2], $0x80, v4, vm1, $0xb8;
	[tilespmem:$0x18300] =	vst v63  }
0xfa: {  	s19 =	rddreg [dreg:$0x10]  }
0xfb: {  	[tilespmem:s19], [sflag:$0x2] =	stream.indirect_vreg.gather [hbm4b:s3+s2], $0x80, v3, vm0, $0xb8;
	[tilespmem:$0x18300] =	vst v63  }
0xfc: {  	s20 =	rddreg [dreg:$0x11]  }
0xfd: {  	[tilespmem:s20], [sflag:$0x2] =	stream.indirect_vreg.gather [hbm4b:s4+s2], $0x80, v3, vm1, $0xb8;
	[tilespmem:$0x18300] =	vst v63  }
0xfe: {  	v3 =	vld [tilespmem:$0x220];
	_ =	sdelay $0x4  }
0xff: {  	v50 =	vshrl.u32 v3, $0x3  }
0x100: {  	v4 =	vmul.u32 $0x18, v50  }
0x101: {  	v3 =	vand.u32 $0x7, v3  }
0x102: {  	v3 =	vor.u32 v3, v4  }
0x103: {  	v4 =	vperm.xlane v3, v0;
	_ =	sdelay $0x1  }
0x104: {  	v4 =	vadd.s32 v1, v4;
	_ =	sdelay $0x1  }
0x105: {  	v3 =	vperm.xlane v3, v2;
	_ =	sdelay $0x1  }
0x106: {  	s19 =	rddreg [dreg:$0x12];
	v3 =	vadd.s32 v1, v3  }
0x107: {  	[tilespmem:s19], [sflag:$0x2] =	stream.indirect_vreg.gather [hbm4b:s3+s2], $0x80, v4, vm0, $0xb8;
	[tilespmem:$0x18300] =	vst v63  }
0x108: {  	s20 =	rddreg [dreg:$0x13]  }
0x109: {  	[tilespmem:s20], [sflag:$0x2] =	stream.indirect_vreg.gather [hbm4b:s4+s2], $0x80, v4, vm1, $0xb8;
	[tilespmem:$0x18300] =	vst v63  }
0x10a: {  	s19 =	rddreg [dreg:$0x14]  }
0x10b: {  	[tilespmem:s19], [sflag:$0x2] =	stream.indirect_vreg.gather [hbm4b:s3+s2], $0x80, v3, vm0, $0xb8;
	[tilespmem:$0x18300] =	vst v63  }
0x10c: {  	s20 =	rddreg [dreg:$0x15]  }
0x10d: {  	[tilespmem:s20], [sflag:$0x2] =	stream.indirect_vreg.gather [hbm4b:s4+s2], $0x80, v3, vm1, $0xb8;
	[tilespmem:$0x18300] =	vst v63  }
0x10e: {  	v3 =	vld [tilespmem:$0x230];
	_ =	sdelay $0x4  }
0x10f: {  	v51 =	vshrl.u32 v3, $0x3  }
0x110: {  	v4 =	vmul.u32 $0x18, v51  }
0x111: {  	v3 =	vand.u32 $0x7, v3  }
0x112: {  	v3 =	vor.u32 v3, v4  }
0x113: {  	v4 =	vperm.xlane v3, v0;
	_ =	sdelay $0x1  }
0x114: {  	v4 =	vadd.s32 v1, v4;
	_ =	sdelay $0x1  }
0x115: {  	v3 =	vperm.xlane v3, v2;
	_ =	sdelay $0x1  }
0x116: {  	s19 =	rddreg [dreg:$0x16];
	v3 =	vadd.s32 v1, v3  }
0x117: {  	[tilespmem:s19], [sflag:$0x2] =	stream.indirect_vreg.gather [hbm4b:s3+s2], $0x80, v4, vm0, $0xb8;
	[tilespmem:$0x18300] =	vst v63  }
0x118: {  	s20 =	rddreg [dreg:$0x17]  }
0x119: {  	[tilespmem:s20], [sflag:$0x2] =	stream.indirect_vreg.gather [hbm4b:s4+s2], $0x80, v4, vm1, $0xb8;
	[tilespmem:$0x18300] =	vst v63  }
0x11a: {  	s19 =	rddreg [dreg:$0x18]  }
0x11b: {  	[tilespmem:s19], [sflag:$0x2] =	stream.indirect_vreg.gather [hbm4b:s3+s2], $0x80, v3, vm0, $0xb8;
	[tilespmem:$0x18300] =	vst v63  }
0x11c: {  	s20 =	rddreg [dreg:$0x19]  }
0x11d: {  	[tilespmem:s20], [sflag:$0x2] =	stream.indirect_vreg.gather [hbm4b:s4+s2], $0x80, v3, vm1, $0xb8;
	[tilespmem:$0x18300] =	vst v63  }
0x11e: {  	v3 =	vld [tilespmem:$0x240];
	_ =	sdelay $0x4  }
0x11f: {  	v52 =	vshrl.u32 v3, $0x3  }
0x120: {  	v4 =	vmul.u32 $0x18, v52  }
0x121: {  	v3 =	vand.u32 $0x7, v3  }
0x122: {  	v3 =	vor.u32 v3, v4  }
0x123: {  	v4 =	vperm.xlane v3, v0;
	_ =	sdelay $0x1  }
0x124: {  	v4 =	vadd.s32 v1, v4;
	_ =	sdelay $0x1  }
0x125: {  	v3 =	vperm.xlane v3, v2;
	_ =	sdelay $0x1  }
0x126: {  	s19 =	rddreg [dreg:$0x1a];
	v3 =	vadd.s32 v1, v3  }
0x127: {  	[tilespmem:s19], [sflag:$0x2] =	stream.indirect_vreg.gather [hbm4b:s3+s2], $0x80, v4, vm0, $0xb8;
	[tilespmem:$0x18300] =	vst v63  }
0x128: {  	s20 =	rddreg [dreg:$0x1b]  }
0x129: {  	[tilespmem:s20], [sflag:$0x2] =	stream.indirect_vreg.gather [hbm4b:s4+s2], $0x80, v4, vm1, $0xb8;
	[tilespmem:$0x18300] =	vst v63  }
0x12a: {  	s19 =	rddreg [dreg:$0x1c]  }
0x12b: {  	[tilespmem:s19], [sflag:$0x2] =	stream.indirect_vreg.gather [hbm4b:s3+s2], $0x80, v3, vm0, $0xb8;
	[tilespmem:$0x18300] =	vst v63  }
0x12c: {  	s20 =	rddreg [dreg:$0x1d]  }
0x12d: {  	[tilespmem:s20], [sflag:$0x2] =	stream.indirect_vreg.gather [hbm4b:s4+s2], $0x80, v3, vm1, $0xb8;
	[tilespmem:$0x18300] =	vst v63  }
0x12e: {  	v3 =	vld [tilespmem:$0x250];
	_ =	sdelay $0x4  }
0x12f: {  	v53 =	vshrl.u32 v3, $0x3  }
0x130: {  	v4 =	vmul.u32 $0x18, v53  }
0x131: {  	v3 =	vand.u32 $0x7, v3  }
0x132: {  	v3 =	vor.u32 v3, v4  }
0x133: {  	v4 =	vperm.xlane v3, v0;
	_ =	sdelay $0x1  }
0x134: {  	v4 =	vadd.s32 v1, v4;
	_ =	sdelay $0x1  }
0x135: {  	v3 =	vperm.xlane v3, v2  }
0x136: {  	s19 =	rddreg [dreg:$0x1e]  }
0x137: {  	s20 =	rddreg [dreg:$0x1f];
	v3 =	vadd.s32 v1, v3  }
0x138: {  	[tilespmem:s19], [sflag:$0x2] =	stream.indirect_vreg.gather [hbm4b:s3+s2], $0x80, v4, vm0, $0xb8;
	[tilespmem:$0x18300] =	vst v63  }
0x139: {  	s19 =	sld [smem:$0x7F4]  }
0x13a: {  	[tilespmem:s20], [sflag:$0x2] =	stream.indirect_vreg.gather [hbm4b:s4+s2], $0x80, v4, vm1, $0xb8;
	[tilespmem:$0x18300] =	vst v63  }
0x13b: {  	s20 =	sld [smem:$0x7F5]  }
0x13c: {  	[tilespmem:s19], [sflag:$0x2] =	stream.indirect_vreg.gather [hbm4b:s3+s2], $0x80, v3, vm0, $0xb8;
	[tilespmem:$0x18300] =	vst v63  }
0x13d: {  	_ = 	snop  }
0x13e: {  	[tilespmem:s20], [sflag:$0x2] =	stream.indirect_vreg.gather [hbm4b:s4+s2], $0x80, v3, vm1, $0xb8;
	[tilespmem:$0x18300] =	vst v63  }
0x13f: {  	v3 =	vld [tilespmem:$0x260];
	_ =	sdelay $0x4  }
0x140: {  	v54 =	vshrl.u32 v3, $0x3  }
0x141: {  	v4 =	vmul.u32 $0x18, v54  }
0x142: {  	v3 =	vand.u32 $0x7, v3  }
0x143: {  	v3 =	vor.u32 v3, v4  }
0x144: {  	v4 =	vperm.xlane v3, v0;
	_ =	sdelay $0x1  }
0x145: {  	v4 =	vadd.s32 v1, v4;
	_ =	sdelay $0x1  }
0x146: {  	s19 =	sld [smem:$0x7F6];
	v3 =	vperm.xlane v3, v2;
	_ =	sdelay $0x1  }
0x147: {  	s20 =	sld [smem:$0x7F7];
	v3 =	vadd.s32 v1, v3  }
0x148: {  	[tilespmem:s19], [sflag:$0x2] =	stream.indirect_vreg.gather [hbm4b:s3+s2], $0x80, v4, vm0, $0xb8;
	[tilespmem:$0x18300] =	vst v63  }
0x149: {  	s19 =	sld [smem:$0x7F8]  }
0x14a: {  	[tilespmem:s20], [sflag:$0x2] =	stream.indirect_vreg.gather [hbm4b:s4+s2], $0x80, v4, vm1, $0xb8;
	[tilespmem:$0x18300] =	vst v63  }
0x14b: {  	s20 =	sld [smem:$0x7F9]  }
0x14c: {  	[tilespmem:s19], [sflag:$0x2] =	stream.indirect_vreg.gather [hbm4b:s3+s2], $0x80, v3, vm0, $0xb8;
	[tilespmem:$0x18300] =	vst v63  }
0x14d: {  	_ = 	snop  }
0x14e: {  	[tilespmem:s20], [sflag:$0x2] =	stream.indirect_vreg.gather [hbm4b:s4+s2], $0x80, v3, vm1, $0xb8;
	[tilespmem:$0x18300] =	vst v63  }
0x14f: {  	v3 =	vld [tilespmem:$0x270];
	_ =	sdelay $0x4  }
0x150: {  	v55 =	vshrl.u32 v3, $0x3  }
0x151: {  	v4 =	vmul.u32 $0x18, v55  }
0x152: {  	v3 =	vand.u32 $0x7, v3  }
0x153: {  	v3 =	vor.u32 v3, v4  }
0x154: {  	v4 =	vperm.xlane v3, v0;
	_ =	sdelay $0x1  }
0x155: {  	v4 =	vadd.s32 v1, v4;
	_ =	sdelay $0x1  }
0x156: {  	s19 =	sld [smem:$0x7FA];
	v3 =	vperm.xlane v3, v2;
	_ =	sdelay $0x1  }
0x157: {  	s20 =	sld [smem:$0x7FB];
	v3 =	vadd.s32 v1, v3  }
0x158: {  	[tilespmem:s19], [sflag:$0x2] =	stream.indirect_vreg.gather [hbm4b:s3+s2], $0x80, v4, vm0, $0xb8;
	[tilespmem:$0x18300] =	vst v63  }
0x159: {  	s19 =	sld [smem:$0x7FC]  }
0x15a: {  	[tilespmem:s20], [sflag:$0x2] =	stream.indirect_vreg.gather [hbm4b:s4+s2], $0x80, v4, vm1, $0xb8;
	[tilespmem:$0x18300] =	vst v63  }
0x15b: {  	s20 =	sld [smem:$0x7FD]  }
0x15c: {  	[tilespmem:s19], [sflag:$0x2] =	stream.indirect_vreg.gather [hbm4b:s3+s2], $0x80, v3, vm0, $0xb8;
	[tilespmem:$0x18300] =	vst v63  }
0x15d: {  	_ = 	snop  }
0x15e: {  	[tilespmem:s20], [sflag:$0x2] =	stream.indirect_vreg.gather [hbm4b:s4+s2], $0x80, v3, vm1, $0xb8;
	[tilespmem:$0x18300] =	vst v63  }
0x15f: {  	s20 =	simm.s32 $0x1  }
0x160: {  	_ =	swait.ge [sflag:s20], $0xC000  }
0x161: {  	[sflag:s20] =	ssyncset.done $0x0  }
0x162: {  	s19 =	rddreg [dreg:$0x6];
	[sflag:s20] =	ssyncadd.s32 $0xFFFF4000  }
0x163: {  	[hbm4b:s19+s2] =	stream.linear.scatter [tilespmem:s15], [sflag:$0x3], $0xC000, $0x38;
	[tilespmem:$0x18300] =	vst v63  }
0x164: {  	_ =	swait.ge [sflag:s16], $0xC000  }
0x165: {  	[sflag:s16] =	ssyncset.done $0x0  }
0x166: {  	[sflag:s16] =	ssyncadd.s32 $0xFFFF4000  }
0x167: {  	v3 =	vld [tilespmem:$0x280];
	_ =	sdelay $0x4  }
0x168: {  	v56 =	vshrl.u32 v3, $0x3  }
0x169: {  	v4 =	vmul.u32 $0x18, v56  }
0x16a: {  	v3 =	vand.u32 $0x7, v3  }
0x16b: {  	v3 =	vor.u32 v3, v4  }
0x16c: {  	v4 =	vperm.xlane v3, v0;
	_ =	sdelay $0x1  }
0x16d: {  	v4 =	vadd.s32 v1, v4;
	_ =	sdelay $0x1  }
0x16e: {  	v3 =	vperm.xlane v3, v2;
	_ =	sdelay $0x1  }
0x16f: {  	v3 =	vadd.s32 v1, v3  }
0x170: {  	[tilespmem:s15], [sflag:$0x1] =	stream.indirect_vreg.gather [hbm4b:s3+s2], $0x80, v4, vm0, $0xb8;
	[tilespmem:$0x18300] =	vst v63  }
0x171: {  	_ = 	snop  }
0x172: {  	[tilespmem:s21], [sflag:$0x1] =	stream.indirect_vreg.gather [hbm4b:s4+s2], $0x80, v4, vm1, $0xb8;
	[tilespmem:$0x18300] =	vst v63  }
0x173: {  	_ = 	snop  }
0x174: {  	[tilespmem:s22], [sflag:$0x1] =	stream.indirect_vreg.gather [hbm4b:s3+s2], $0x80, v3, vm0, $0xb8;
	[tilespmem:$0x18300] =	vst v63  }
0x175: {  	_ = 	snop  }
0x176: {  	[tilespmem:s23], [sflag:$0x1] =	stream.indirect_vreg.gather [hbm4b:s4+s2], $0x80, v3, vm1, $0xb8;
	[tilespmem:$0x18300] =	vst v63  }
0x177: {  	v3 =	vld [tilespmem:$0x290];
	_ =	sdelay $0x4  }
0x178: {  	v57 =	vshrl.u32 v3, $0x3  }
0x179: {  	v4 =	vmul.u32 $0x18, v57  }
0x17a: {  	v3 =	vand.u32 $0x7, v3  }
0x17b: {  	v3 =	vor.u32 v3, v4  }
0x17c: {  	v4 =	vperm.xlane v3, v0;
	_ =	sdelay $0x1  }
0x17d: {  	v4 =	vadd.s32 v1, v4;
	_ =	sdelay $0x1  }
0x17e: {  	v3 =	vperm.xlane v3, v2;
	_ =	sdelay $0x1  }
0x17f: {  	v3 =	vadd.s32 v1, v3  }
0x180: {  	[tilespmem:s24], [sflag:$0x1] =	stream.indirect_vreg.gather [hbm4b:s3+s2], $0x80, v4, vm0, $0xb8;
	[tilespmem:$0x18300] =	vst v63  }
0x181: {  	_ = 	snop  }
0x182: {  	[tilespmem:s25], [sflag:$0x1] =	stream.indirect_vreg.gather [hbm4b:s4+s2], $0x80, v4, vm1, $0xb8;
	[tilespmem:$0x18300] =	vst v63  }
0x183: {  	_ = 	snop  }
0x184: {  	[tilespmem:s26], [sflag:$0x1] =	stream.indirect_vreg.gather [hbm4b:s3+s2], $0x80, v3, vm0, $0xb8;
	[tilespmem:$0x18300] =	vst v63  }
0x185: {  	_ = 	snop  }
0x186: {  	[tilespmem:s28], [sflag:$0x1] =	stream.indirect_vreg.gather [hbm4b:s4+s2], $0x80, v3, vm1, $0xb8;
	[tilespmem:$0x18300] =	vst v63  }
0x187: {  	v3 =	vld [tilespmem:$0x2A0];
	_ =	sdelay $0x4  }
0x188: {  	v58 =	vshrl.u32 v3, $0x3  }
0x189: {  	v4 =	vmul.u32 $0x18, v58  }
0x18a: {  	v3 =	vand.u32 $0x7, v3  }
0x18b: {  	v3 =	vor.u32 v3, v4  }
0x18c: {  	v4 =	vperm.xlane v3, v0;
	_ =	sdelay $0x1  }
0x18d: {  	v4 =	vadd.s32 v1, v4;
	_ =	sdelay $0x1  }
0x18e: {  	v3 =	vperm.xlane v3, v2;
	_ =	sdelay $0x1  }
0x18f: {  	v3 =	vadd.s32 v1, v3  }
0x190: {  	[tilespmem:s29], [sflag:$0x1] =	stream.indirect_vreg.gather [hbm4b:s3+s2], $0x80, v4, vm0, $0xb8;
	[tilespmem:$0x18300] =	vst v63  }
0x191: {  	_ = 	snop  }
0x192: {  	[tilespmem:s30], [sflag:$0x1] =	stream.indirect_vreg.gather [hbm4b:s4+s2], $0x80, v4, vm1, $0xb8;
	[tilespmem:$0x18300] =	vst v63  }
0x193: {  	_ = 	snop  }
0x194: {  	[tilespmem:s31], [sflag:$0x1] =	stream.indirect_vreg.gather [hbm4b:s3+s2], $0x80, v3, vm0, $0xb8;
	[tilespmem:$0x18300] =	vst v63  }
0x195: {  	_ = 	snop  }
0x196: {  	[tilespmem:s1], [sflag:$0x1] =	stream.indirect_vreg.gather [hbm4b:s4+s2], $0x80, v3, vm1, $0xb8;
	[tilespmem:$0x18300] =	vst v63  }
0x197: {  	v3 =	vld [tilespmem:$0x2B0];
	_ =	sdelay $0x4  }
0x198: {  	v59 =	vshrl.u32 v3, $0x3  }
0x199: {  	v4 =	vmul.u32 $0x18, v59  }
0x19a: {  	v3 =	vand.u32 $0x7, v3  }
0x19b: {  	v3 =	vor.u32 v3, v4  }
0x19c: {  	v4 =	vperm.xlane v3, v0;
	_ =	sdelay $0x1  }
0x19d: {  	v4 =	vadd.s32 v1, v4;
	_ =	sdelay $0x1  }
0x19e: {  	v3 =	vperm.xlane v3, v2;
	_ =	sdelay $0x1  }
0x19f: {  	s19 =	simm.s32 $0x4B00;
	v3 =	vadd.s32 v1, v3  }
0x1a0: {  	[tilespmem:s19], [sflag:$0x1] =	stream.indirect_vreg.gather [hbm4b:s3+s2], $0x80, v4, vm0, $0xb8;
	[tilespmem:$0x18300] =	vst v63  }
0x1a1: {  	_ = 	snop  }
0x1a2: {  	[tilespmem:s8], [sflag:$0x1] =	stream.indirect_vreg.gather [hbm4b:s4+s2], $0x80, v4, vm1, $0xb8;
	[tilespmem:$0x18300] =	vst v63  }
0x1a3: {  	_ = 	snop  }
0x1a4: {  	[tilespmem:s9], [sflag:$0x1] =	stream.indirect_vreg.gather [hbm4b:s3+s2], $0x80, v3, vm0, $0xb8;
	[tilespmem:$0x18300] =	vst v63  }
0x1a5: {  	_ = 	snop  }
0x1a6: {  	[tilespmem:s10], [sflag:$0x1] =	stream.indirect_vreg.gather [hbm4b:s4+s2], $0x80, v3, vm1, $0xb8;
	[tilespmem:$0x18300] =	vst v63  }
0x1a7: {  	v3 =	vld [tilespmem:$0x2C0];
	_ =	sdelay $0x4  }
0x1a8: {  	v60 =	vshrl.u32 v3, $0x3  }
0x1a9: {  	v4 =	vmul.u32 $0x18, v60  }
0x1aa: {  	v3 =	vand.u32 $0x7, v3  }
0x1ab: {  	v3 =	vor.u32 v3, v4  }
0x1ac: {  	v4 =	vperm.xlane v3, v0;
	_ =	sdelay $0x1  }
0x1ad: {  	v4 =	vadd.s32 v1, v4;
	_ =	sdelay $0x1  }
0x1ae: {  	v3 =	vperm.xlane v3, v2;
	_ =	sdelay $0x1  }
0x1af: {  	v3 =	vadd.s32 v1, v3  }
0x1b0: {  	[tilespmem:s11], [sflag:$0x1] =	stream.indirect_vreg.gather [hbm4b:s3+s2], $0x80, v4, vm0, $0xb8;
	[tilespmem:$0x18300] =	vst v63  }
0x1b1: {  	_ = 	snop  }
0x1b2: {  	[tilespmem:s12], [sflag:$0x1] =	stream.indirect_vreg.gather [hbm4b:s4+s2], $0x80, v4, vm1, $0xb8;
	[tilespmem:$0x18300] =	vst v63  }
0x1b3: {  	_ = 	snop  }
0x1b4: {  	[tilespmem:s13], [sflag:$0x1] =	stream.indirect_vreg.gather [hbm4b:s3+s2], $0x80, v3, vm0, $0xb8;
	[tilespmem:$0x18300] =	vst v63  }
0x1b5: {  	_ = 	snop  }
0x1b6: {  	[tilespmem:s14], [sflag:$0x1] =	stream.indirect_vreg.gather [hbm4b:s4+s2], $0x80, v3, vm1, $0xb8;
	[tilespmem:$0x18300] =	vst v63  }
0x1b7: {  	v3 =	vld [tilespmem:$0x2D0];
	_ =	sdelay $0x4  }
0x1b8: {  	v61 =	vshrl.u32 v3, $0x3  }
0x1b9: {  	v4 =	vmul.u32 $0x18, v61  }
0x1ba: {  	v3 =	vand.u32 $0x7, v3  }
0x1bb: {  	v3 =	vor.u32 v3, v4  }
0x1bc: {  	v4 =	vperm.xlane v3, v0;
	_ =	sdelay $0x1  }
0x1bd: {  	v4 =	vadd.s32 v1, v4;
	_ =	sdelay $0x1  }
0x1be: {  	v3 =	vperm.xlane v3, v2;
	_ =	sdelay $0x1  }
0x1bf: {  	v3 =	vadd.s32 v1, v3  }
0x1c0: {  	[tilespmem:s17], [sflag:$0x1] =	stream.indirect_vreg.gather [hbm4b:s3+s2], $0x80, v4, vm0, $0xb8;
	[tilespmem:$0x18300] =	vst v63  }
0x1c1: {  	_ = 	snop  }
0x1c2: {  	[tilespmem:s18], [sflag:$0x1] =	stream.indirect_vreg.gather [hbm4b:s4+s2], $0x80, v4, vm1, $0xb8;
	[tilespmem:$0x18300] =	vst v63  }
0x1c3: {  	_ = 	snop  }
0x1c4: {  	[tilespmem:s7], [sflag:$0x1] =	stream.indirect_vreg.gather [hbm4b:s3+s2], $0x80, v3, vm0, $0xb8;
	[tilespmem:$0x18300] =	vst v63  }
0x1c5: {  	s19 =	simm.s32 $0x8F00  }
0x1c6: {  	[tilespmem:s19], [sflag:$0x1] =	stream.indirect_vreg.gather [hbm4b:s4+s2], $0x80, v3, vm1, $0xb8;
	[tilespmem:$0x18300] =	vst v63  }
0x1c7: {  	v3 =	vld [tilespmem:$0x2E0];
	_ =	sdelay $0x4  }
0x1c8: {  	v62 =	vshrl.u32 v3, $0x3  }
0x1c9: {  	v4 =	vmul.u32 $0x18, v62  }
0x1ca: {  	v3 =	vand.u32 $0x7, v3  }
0x1cb: {  	v3 =	vor.u32 v3, v4  }
0x1cc: {  	v4 =	vperm.xlane v3, v0;
	_ =	sdelay $0x1  }
0x1cd: {  	v4 =	vadd.s32 v1, v4;
	_ =	sdelay $0x1  }
0x1ce: {  	v3 =	vperm.xlane v3, v2;
	_ =	sdelay $0x1  }
0x1cf: {  	s19 =	simm.s32 $0x9300;
	v3 =	vadd.s32 v1, v3  }
0x1d0: {  	[tilespmem:s19], [sflag:$0x1] =	stream.indirect_vreg.gather [hbm4b:s3+s2], $0x80, v4, vm0, $0xb8;
	[tilespmem:$0x18300] =	vst v63  }
0x1d1: {  	s19 =	simm.s32 $0x9B00  }
0x1d2: {  	[tilespmem:s19], [sflag:$0x1] =	stream.indirect_vreg.gather [hbm4b:s4+s2], $0x80, v4, vm1, $0xb8;
	[tilespmem:$0x18300] =	vst v63  }
0x1d3: {  	s19 =	simm.s32 $0x9F00  }
0x1d4: {  	[tilespmem:s19], [sflag:$0x1] =	stream.indirect_vreg.gather [hbm4b:s3+s2], $0x80, v3, vm0, $0xb8;
	[tilespmem:$0x18300] =	vst v63  }
0x1d5: {  	s19 =	simm.s32 $0xA700  }
0x1d6: {  	[tilespmem:s19], [sflag:$0x1] =	stream.indirect_vreg.gather [hbm4b:s4+s2], $0x80, v3, vm1, $0xb8;
	[tilespmem:$0x18300] =	vst v63  }
0x1d7: {  	v3 =	vld [tilespmem:$0x2F0];
	_ =	sdelay $0x4  }
0x1d8: {  	v63 =	vshrl.u32 v3, $0x3  }
0x1d9: {  	v4 =	vmul.u32 $0x18, v63  }
0x1da: {  	v3 =	vand.u32 $0x7, v3  }
0x1db: {  	v3 =	vor.u32 v3, v4  }
0x1dc: {  	v4 =	vperm.xlane v3, v0;
	_ =	sdelay $0x1  }
0x1dd: {  	v4 =	vadd.s32 v1, v4;
	_ =	sdelay $0x1  }
0x1de: {  	v3 =	vperm.xlane v3, v2;
	_ =	sdelay $0x1  }
0x1df: {  	s19 =	simm.s32 $0xAB00;
	v3 =	vadd.s32 v1, v3  }
0x1e0: {  	[tilespmem:s19], [sflag:$0x1] =	stream.indirect_vreg.gather [hbm4b:s3+s2], $0x80, v4, vm0, $0xb8;
	[tilespmem:$0x18300] =	vst v63  }
0x1e1: {  	s19 =	simm.s32 $0xB300  }
0x1e2: {  	[tilespmem:s19], [sflag:$0x1] =	stream.indirect_vreg.gather [hbm4b:s4+s2], $0x80, v4, vm1, $0xb8;
	[tilespmem:$0x18300] =	vst v63  }
0x1e3: {  	s19 =	simm.s32 $0xB700  }
0x1e4: {  	[tilespmem:s19], [sflag:$0x1] =	stream.indirect_vreg.gather [hbm4b:s3+s2], $0x80, v3, vm0, $0xb8;
	[tilespmem:$0x18300] =	vst v63  }
0x1e5: {  	s1 =	simm.s32 $0x2;
	s19 =	simm.s32 $0xBF00  }
0x1e6: {  	[tilespmem:s19], [sflag:$0x1] =	stream.indirect_vreg.gather [hbm4b:s4+s2], $0x80, v3, vm1, $0xb8;
	[tilespmem:$0x18300] =	vst v63  }
0x1e7: {  	_ =	swait.ge [sflag:s1], $0xC000  }
0x1e8: {  	[sflag:s1] =	ssyncset.done $0x0  }
0x1e9: {  	s19 =	rddreg [dreg:$0x7];
	[sflag:s1] =	ssyncadd.s32 $0xFFFF4000  }
0x1ea: {  	[hbm4b:s19+s2] =	stream.linear.scatter [tilespmem:s0], [sflag:$0x4], $0xC000, $0x38;
	[tilespmem:$0x18300] =	vst v63  }
0x1eb: {  	_ =	swait.ge [sflag:s20], $0xC000  }
0x1ec: {  	[sflag:s20] =	ssyncset.done $0x0  }
0x1ed: {  	s1 =	rddreg [dreg:$0x8];
	[sflag:s20] =	ssyncadd.s32 $0xFFFF4000  }
0x1ee: {  	[hbm4b:s1+s2] =	stream.linear.scatter [tilespmem:s15], [sflag:$0x3], $0xC000, $0x38;
	[tilespmem:$0x18300] =	vst v63  }
0x1ef: {  	p0 =	sne.s32 s5, $0x1;
	_ =	swait.ge [sflag:s16], $0xC000  }
.Ltmp0:
0x1f0: {  	[sflag:s16] =	ssyncset.done $0x0;
	(pc) =	sbr.rel @p0 .LBB2_1-.Ltmp0, $4  }
0x1f1: {  	s20 =	simm.s32 $0x4;
	[sflag:s16] =	ssyncadd.s32 $0xFFFF4000  }
0x1f2: {  	_ =	swait.ge [sflag:s20], $0xC000  }
0x1f3: {  	[sflag:s20] =	ssyncset.done $0x0  }
0x1f4: {  	s5 =	sadd.s32 $0xFFFFFFFF, s5;
	[sflag:s20] =	ssyncadd.s32 $0xFFFF4000  }
0x1f5: {  	_ =	sfence.sel $0x180000  }
0x1f6: {  	[bflag:$0x0] =	sbarrier.arrive $0xFFFF  }
0x1f7: {  	_ =	strace $0x90000047  }
0x1f8: {  	s0 =	stileid.u32;
	[bflag:$0x2] =	sbarrier.arrive $0xFFFF  }
0x1f9: {  	p0 =	sne.s32 s0, $0x0;
	s0 =	rddreg [dreg:$0x2]  }
0x1fa: {  	s0 =	sadd.s32 @!p0 $0x100000, s0  }
0x1fb: {  	[sflag:s0] =	ssyncadd.tile.s32 @!p0 $0x1;
	_ =	shalt  }
.Lfunc_end2:
_tile_overlayer_lowered:
.L_overlay_start_2:
0x1fc: {  	(tag) =	ssettag $0x2  }
0x1fd: {  	s0 =	rddreg [dreg:$0x0];
	s2 =	stileid.u32  }
0x1fe: {  	s1 =	rddreg [dreg:$0x1];
	p0 =	sne.s32 s2, $0x0  }
0x1ff: {  	s3 =	rddreg [dreg:$0x2];
	[bflag:$0x3] =	sbarrier.arrive $0xFFFF;
	s2 =	simm.s32 @!p0 $0x1C05  }
0x200: {  	[timem:s3], [sflag:s2] =	dma.local @!p0 [hbm:s0], s1  }
0x201: {  	s0 =	simm.s32 @!p0 $0x5  }
0x202: {  	_ =	swait.ge @!p0 [sflag:s0], s1  }
0x203: {  	s1 =	ssub.s32 @!p0 $0x0, s1;
	[sflag:s0] =	ssyncset.done @!p0 $0x0  }
0x204: {  	[sflag:s0] =	ssyncadd.s32 @!p0 s1  }
0x205: {  	[bflag:$0x3] =	sbarrier.arrive $0xFFFF  }
0x206: {  	_ =	shalt  }

// kernel: kernel.7.cloned.1.call-start
scs
__scs_entry_jumppad:
0x0: {  	(pc) =	sbr.rel $0x88, $3  }
0x1: {  	(tag) =	ssettag $0x0;
	lr =	simm.s32 $0x1  }
0x2: {  	[smem:$0x3F93] =	sst lr;
	_ =	strace $0xD0000000  }
0x3: {  	_ = 	snop  }
0x4: {  	_ = 	snop  }
0x5: {  	_ = 	snop  }
0x6: {  	_ = 	snop  }
0x7: {  	_ = 	snop  }
__scs_overlays_trampoline_lowered:
0x8: {  	[smem:$0x3FA2] =	sst s0  }
0x9: {  	[smem:$0x3FA3] =	sst s1  }
0xa: {  	[smem:$0x3FA4] =	sst s2  }
0xb: {  	[smem:$0x3FA5] =	sst s3  }
0xc: {  	[smem:$0x3FA6] =	sst s4  }
0xd: {  	[smem:$0x3FA7] =	sst s5  }
0xe: {  	[smem:$0x3FA8] =	sst s6  }
0xf: {  	[smem:$0x3FA9] =	sst s7  }
0x10: {  	[smem:$0x3FAA] =	sst s8  }
0x11: {  	[smem:$0x3FAB] =	sst s9;
	s0 =	simm.s32 @!p0 $0x0  }
0x12: {  	s1 =	sld [smem:$0x3F91];
	s0 =	simm.s32 @p0 $0x1  }
0x13: {  	[smem:$0x3FAC] =	sst s0;
	s0 =	simm.s32 @!p1 $0x0  }
0x14: {  	s2 =	sld [smem:$0x3F90];
	s0 =	simm.s32 @p1 $0x1  }
0x15: {  	[smem:$0x3FAD] =	sst s0;
	s0 =	simm.s32 @!p2 $0x0  }
0x16: {  	s3 =	sld [smem:$0x3FDB];
	s0 =	simm.s32 @p2 $0x1  }
0x17: {  	s4 =	simm.s32 $0x1BF5;
	[smem:$0x3FAF] =	sst s0  }
0x18: {  	s0 =	sld [smem:$0x3F92];
	_ =	swait.ge [sflag:s4], $0x0  }
0x19: {  	s7 =	sld [smem:$0x3F93]  }
0x1a: {  	s8 =	sadd.s32 $0xFFFFE003, lr  }
0x1b: {  	s9 =	sadd.s32 $0xFFFFFEF7, lr;
	s5 =	simm.s32 $0xFFFFFFFF;
	p2 =	slt.u32 s8, $0xFFFFF086  }
0x1c: {  	p1 =	slt.u32 s9, $0xF7A;
	s5 =	simm.s32 @!p2 $0x0  }
0x1d: {  	s5 =	simm.s32 @p1 $0x1;
	p0 =	seq.s32 s7, s2  }
0x1e: {  	s7 =	smul.u32 @!p0 $0xF7A, s2;
	p2 =	seq.s32 @!p0 s5, $0x0  }
0x1f: {  	s9 =	smul.u32 $0xF7A, s1;
	s8 =	simm.s32 @!p0 $0x1BF5;
	p2 =	por !p2, p0  }
0x20: {  	[sflag:s8] =	ssyncset.s32 @!p0 $0xFFFFF086;
	s6 =	sadd.s32 @!p0 s3, s7;
	s7 =	simm.s32 @!p0 $0x108  }
0x21: {  	s3 =	sadd.s32 s3, s9;
	s6 =	sadd.s32 @!p0 $0x88, s6;
	s7 =	simm.s32 @p2 $0x1082  }
0x22: {  	[simem:s7], [sflag:s8] =	dma.local @!p0 [hbm:s6], $0xF7A  }
0x23: {  	s9 =	sor.u32 $0xD0000000, s2;
	s6 =	simm.s32 $0x108;
	_ =	swait.ge @!p0 [sflag:s8], $0x0  }
0x24: {  	s3 =	sadd.s32 $0x88, s3;
	s6 =	simm.s32 @!p1 $0x1082;
	[sflag:s4] =	ssyncset.s32 $0xFFFFF086  }
0x25: {  	[simem:s6], [sflag:s4] =	dma.local [hbm:s3], $0xF7A  }
0x26: {  	[smem:$0x3F93] =	sst s1;
	(tag) =	ssettag s2;
	_ =	strace s9  }
0x27: {  	s1 =	sld [smem:$0x3FA3]  }
0x28: {  	s2 =	sld [smem:$0x3FA4]  }
0x29: {  	s4 =	sld [smem:$0x3FA6]  }
0x2a: {  	p0 =	seq.s32 s5, $0x0;
	s5 =	sld [smem:$0x3FA7]  }
0x2b: {  	s6 =	sld [smem:$0x3FA8]  }
0x2c: {  	s7 =	sld [smem:$0x3FA9]  }
0x2d: {  	s3 =	simm.s32 $0x108;
	s8 =	sld [smem:$0x3FAA]  }
0x2e: {  	s3 =	simm.s32 @!p0 $0x1082;
	s9 =	sld [smem:$0x3FAB]  }
0x2f: {  	lr =	sadd.s32 s0, s3;
	s0 =	sld [smem:$0x3FA2]  }
0x30: {  	s3 =	sld [smem:$0x3FA5]  }
0x31: {  	[smem:$0x3FAE] =	sst s10  }
0x32: {  	s10 =	sld [smem:$0x3FAC];
	_ =	sdelay $0x3  }
0x33: {  	p0 =	seq.s32 s10, $0x1;
	s10 =	sld [smem:$0x3FAE];
	_ =	sdelay $0x3  }
0x34: {  	[smem:$0x3FAE] =	sst s10  }
0x35: {  	s10 =	sld [smem:$0x3FAD];
	_ =	sdelay $0x3  }
0x36: {  	p1 =	seq.s32 s10, $0x1;
	s10 =	sld [smem:$0x3FAE];
	_ =	sdelay $0x3  }
0x37: {  	[smem:$0x3FAE] =	sst s10  }
0x38: {  	s10 =	sld [smem:$0x3FAF]  }
0x39: {  	_ = 	snop;
	(pc) =	sbr.ind lr, $3  }
0x3a: {  	_ = 	snop  }
0x3b: {  	_ = 	snop  }
0x3c: {  	p2 =	seq.s32 s10, $0x1;
	s10 =	sld [smem:$0x3FAE]  }
0x3d: {  	_ =	shalt  }
0x3e: {  	_ =	shalt  }
0x3f: {  	_ =	shalt  }
0x40: {  	_ =	shalt  }
0x41: {  	_ =	shalt  }
0x42: {  	_ =	shalt  }
0x43: {  	_ =	shalt  }
0x44: {  	_ =	shalt  }
0x45: {  	_ =	shalt  }
0x46: {  	_ =	shalt  }
0x47: {  	_ =	shalt  }
0x48: {  	_ =	shalt  }
0x49: {  	_ =	shalt  }
0x4a: {  	_ =	shalt  }
0x4b: {  	_ =	shalt  }
0x4c: {  	_ =	shalt  }
0x4d: {  	_ =	shalt  }
0x4e: {  	_ =	shalt  }
0x4f: {  	_ =	shalt  }
0x50: {  	_ =	shalt  }
0x51: {  	_ =	shalt  }
0x52: {  	_ =	shalt  }
0x53: {  	_ =	shalt  }
0x54: {  	_ =	shalt  }
0x55: {  	_ =	shalt  }
0x56: {  	_ =	shalt  }
0x57: {  	_ =	shalt  }
0x58: {  	_ =	shalt  }
0x59: {  	_ =	shalt  }
0x5a: {  	_ =	shalt  }
0x5b: {  	_ =	shalt  }
0x5c: {  	_ =	shalt  }
0x5d: {  	_ =	shalt  }
0x5e: {  	_ =	shalt  }
0x5f: {  	_ =	shalt  }
0x60: {  	_ =	shalt  }
0x61: {  	_ =	shalt  }
0x62: {  	_ =	shalt  }
0x63: {  	_ =	shalt  }
0x64: {  	_ =	shalt  }
0x65: {  	_ =	shalt  }
0x66: {  	_ =	shalt  }
0x67: {  	_ =	shalt  }
0x68: {  	_ =	shalt  }
0x69: {  	_ =	shalt  }
0x6a: {  	_ =	shalt  }
0x6b: {  	_ =	shalt  }
0x6c: {  	_ =	shalt  }
0x6d: {  	_ =	shalt  }
0x6e: {  	_ =	shalt  }
0x6f: {  	_ =	shalt  }
0x70: {  	_ =	shalt  }
0x71: {  	_ =	shalt  }
0x72: {  	_ =	shalt  }
0x73: {  	_ =	shalt  }
0x74: {  	_ =	shalt  }
0x75: {  	_ =	shalt  }
0x76: {  	_ =	shalt  }
0x77: {  	_ =	shalt  }
0x78: {  	_ =	shalt  }
0x79: {  	_ =	shalt  }
0x7a: {  	_ =	shalt  }
0x7b: {  	_ =	shalt  }
0x7c: {  	_ =	shalt  }
0x7d: {  	_ =	shalt  }
0x7e: {  	_ =	shalt  }
0x7f: {  	_ =	shalt  }
0x80: {  	_ =	shalt  }
0x81: {  	_ =	shalt  }
0x82: {  	_ =	shalt  }
0x83: {  	_ =	shalt  }
0x84: {  	_ =	shalt  }
0x85: {  	_ =	shalt  }
0x86: {  	_ =	shalt  }
0x87: {  	_ =	shalt  }
.Lfunc_end0:
.L_simem_size_0:
called_computation_lowered:
.L_overlay_start_0:
0x88: {  	s2 =	sld [smem:$0x3FD9]  }
0x89: {  	s3 =	sld [smem:$0x3FFE];
	_ =	sdelay $0x1  }
0x8a: {  	s1 =	srdreg.scid  }
0x8b: {  	s0 =	sand.u32 $0x1, s1  }
0x8c: {  	s17 =	sshll.u32 s0, $0xA;
	s2 =	sadd.s32 s3, s2  }
0x8d: {  	s2 =	sadd.s32 s2, s17  }
0x8e: {  	[smem:$0x3FBA] =	sst s2  }
0x8f: {  	_ = 	snop  }
0x90: {  	(tm) =	ssettm $0x1  }
0x91: {  	s18 =	sld [smem:$0x3FFB];
	_ =	sdelay $0x3  }
0x92: {  	_ =	strace s18  }
0x93: {  	s2 =	sld [smem:$0x3FFC];
	_ =	sdelay $0x3  }
0x94: {  	_ =	strace s2  }
0x95: {  	s2 =	sld [smem:$0x3FFD];
	_ =	sdelay $0x3  }
0x96: {  	_ =	strace s2  }
0x97: {  	_ =	strace $0x8FFFFFFF  }
0x98: {  	s19 =	sld [smem:$0x3FDB];
	_ =	sdelay $0x1  }
0x99: {  	s20 =	simm.s32 $_scs_section_size  }
0x9a: {  	s4 =	simm.s32 $_size__tile_overlayer_lowered;
	s5 =	simm.s32 $_tile_overlayer_lowered  }
0x9b: {  	s6 =	simm.s32 $0x1BFF;
	s21 =	sshll.u32 s5, $0x1;
	s3 =	sadd.s32 s20, s19  }
0x9c: {  	s22 =	simm.s32 $0x0;
	s4 =	sshll.u32 s4, $0x1;
	s5 =	sadd.s32 s21, s3  }
0x9d: {  	[timem:s22], [sflag:s6] =	dma.local [hbm:s5], s4  }
0x9e: {  	_ =	swait.ge [sflag:s6], s4  }
0x9f: {  	s4 =	ssub.s32 $0x0, s4;
	[sflag:s6] =	ssyncset.done $0x0  }
0xa0: {  	[sflag:s6] =	ssyncadd.s32 s4;
	_ =	sdelay $0x1  }
0xa1: {  	s23 =	simm.s32 $0x1B8B  }
0xa2: {  	_ =	swait.ge [sflag:s23], $0x1  }
0xa3: {  	[sflag:s23] =	ssyncset.done $0x0  }
0xa4: {  	[sflag:s23] =	ssyncadd.s32 $0xFFFFFFFF  }
0xa5: {  	s4 =	sld [smem:$0x0]  }
0xa6: {  	s5 =	sand.u32 $0xFFFFFFFE, s1  }
0xa7: {  	p0 =	sne.s32 s1, s5  }
0xa8: {  	s5 =	sshll.u32 @p0 s5, $0xE  }
0xa9: {  	s5 =	sadd.s32 @p0 $0x11B8D, s5;
	s6 =	sshll.u32 @p0 s4, $0x11  }
0xaa: {  	s5 =	sor.u32 @p0 s6, s5  }
0xab: {  	[sflag:s5] =	ssyncadd.remote.s32 @p0 $0x1;
	_ =	sdelay $0x1  }
0xac: {  	s5 =	simm.s32 @p0 $0x1B8D  }
0xad: {  	_ =	swait.eq @p0 [sflag:s5], $0x1  }
0xae: {  	[sflag:s5] =	ssyncadd.s32 @p0 $0xFFFFFFFF  }
0xaf: {  	s6 =	sshll.u32 @!p0 s1, $0xE  }
0xb0: {  	s6 =	sor.u32 @!p0 $0x4000, s6;
	s5 =	simm.s32 @!p0 $0x1B8D  }
0xb1: {  	s4 =	sshll.u32 @!p0 s4, $0x11;
	s6 =	sadd.s32 @!p0 $0x11B8D, s6;
	_ =	swait.eq @!p0 [sflag:s5], $0x1  }
0xb2: {  	s4 =	sor.u32 @!p0 s4, s6;
	[sflag:s5] =	ssyncadd.s32 @!p0 $0xFFFFFFFF  }
0xb3: {  	s25 =	simm.s32 $0x1B8E;
	s24 =	sld [smem:$0x3FFE];
	[sflag:s4] =	ssyncadd.remote.s32 @!p0 $0x1  }
0xb4: {  	s26 =	simm.s32 $execute0_lowered;
	[smem:$0x3FD2] =	sst s25  }
0xb5: {  	s5 =	sshll.u32 s26, $0x1;
	_ =	strace $0x80000049;
	[dreg:$0x1] =	wrdreg $0xFFFFFFFF  }
0xb6: {  	s28 =	simm.s32 $_size_execute0_lowered;
	s3 =	sadd.s32 s3, s5;
	[dreg:$0x0] =	wrdreg $0x0  }
0xb7: {  	s5 =	sshll.u32 s28, $0x1;
	[dreg:$0x2] =	wrdreg s3  }
0xb8: {  	[dreg:$0x3] =	wrdreg s5  }
0xb9: {  	[dreg:$0x4] =	wrdreg $0xC0  }
0xba: {  	_ =	task [dreg:s22], $0x5FFFF  }
0xbb: {  	[dreg:$0x1] =	wrdreg $0xFFFFFFFF  }
0xbc: {  	[dreg:$0x0] =	wrdreg $0x60  }
0xbd: {  	[dreg:$0x2] =	wrdreg s24  }
0xbe: {  	[dreg:$0x3] =	wrdreg $0x9  }
0xbf: {  	_ =	task.clear_ibuf [dreg:s22], $0x4FFFF;
	_ =	strace $0x90000049  }
0xc0: {  	s29 =	simm.s32 $0x9;
	_ =	strace $0x8000004B  }
0xc1: {  	_ =	swait.ge [sflag:s29], $0x1  }
0xc2: {  	[sflag:s29] =	ssyncadd.s32 $0xFFFFFFFF  }
0xc3: {  	_ =	strace $0x9000004B  }
0xc4: {  	_ =	sfence  }
0xc5: {  	s30 =	sld [smem:$0x0];
	_ =	sdelay $0x2  }
0xc6: {  	s31 =	sshll.u32 s1, $0xD;
	s1 =	sshrl.u32 s1, $0x2  }
0xc7: {  	s4 =	sand.u32 $0x4000, s31;
	s1 =	sadd.s32 s1, s30  }
0xc8: {  	s0 =	sor.u32 s4, s0;
	s1 =	sshll.u32 s1, $0x11  }
0xc9: {  	s0 =	sor.u32 s1, s0  }
0xca: {  	s0 =	sadd.s32 $0x8F2B, s0  }
0xcb: {  	[sflag:s0] =	ssyncadd.remote.s32 $0x1  }
0xcc: {  	_ =	sfence.sel $0xFFFF  }
0xcd: {  	[dreg:$0x0] =	wrdreg $0xFFFFFFFF;
	(pc) =	sbr.abs _section_cstart, $3  }
0xce: {  	[dreg:$0x1] =	wrdreg $0xFFFFFFFF  }
0xcf: {  	_ =	task.clear_ibuf [dreg:s22], $0x2FFFF;
	_ =	strace $0x9FFFFFFF  }
0xd0: {  	(tm) =	ssettm $0x7FFFFFFF  }
0xd1: {  	_ =	shalt  }
tec
execute0_lowered:
.L_overlay_start_1:
0x0: {  	(tag) =	ssettag $0x1  }
0x1: {  	s2 =	stileid.u32  }
0x2: {  	s1 =	rddreg [dreg:$0x0];
	s3 =	sshll.u32 s2, $0x5;
	s2 =	simm.s32 $0x0  }
0x3: {  	s14 =	simm.s32 $0x80;
	[smem:$0x7FF] =	sst s2  }
0x4: {  	s15 =	simm.s32 $0x100;
	_ =	strace $0x8000004A;
	[dreg:$0x8] =	wrdreg s14  }
0x5: {  	s16 =	simm.s32 $0xCB00;
	[dreg:$0x9] =	wrdreg s15  }
0x6: {  	s17 =	simm.s32 $0xCF00;
	[dreg:$0xa] =	wrdreg s16  }
0x7: {  	s18 =	simm.s32 $0xD700;
	[dreg:$0xb] =	wrdreg s17  }
0x8: {  	s19 =	simm.s32 $0xDB00;
	[dreg:$0xc] =	wrdreg s18  }
0x9: {  	s20 =	simm.s32 $0xE300;
	[dreg:$0xd] =	wrdreg s19  }
0xa: {  	s21 =	simm.s32 $0xE700;
	[dreg:$0xe] =	wrdreg s20  }
0xb: {  	s22 =	simm.s32 $0xEF00;
	[dreg:$0xf] =	wrdreg s21  }
0xc: {  	s23 =	simm.s32 $0xF300;
	[dreg:$0x10] =	wrdreg s22  }
0xd: {  	s0 =	srdreg.scid;
	s24 =	simm.s32 $0xFB00;
	[dreg:$0x11] =	wrdreg s23  }
0xe: {  	s26 =	simm.s32 $0xFF00;
	s6 =	simm.s32 $0x10700;
	[dreg:$0x12] =	wrdreg s24  }
0xf: {  	s7 =	simm.s32 $0x10B00;
	s8 =	simm.s32 $0x11300;
	[dreg:$0x13] =	wrdreg s26  }
0x10: {  	s9 =	simm.s32 $0x11700;
	s10 =	simm.s32 $0x11F00;
	[dreg:$0x14] =	wrdreg s6  }
0x11: {  	s28 =	simm.s32 $0x2F00;
	s29 =	simm.s32 $0x3300;
	[dreg:$0x15] =	wrdreg s7  }
0x12: {  	s30 =	simm.s32 $0x3B00;
	s0 =	sand.u32 $0x1, s0;
	[dreg:$0x16] =	wrdreg s8  }
0x13: {  	s31 =	simm.s32 $0x3F00;
	s4 =	sshll.u32 s0, $0x4;
	[dreg:$0x17] =	wrdreg s9  }
0x14: {  	s0 =	ssub.s32 $0x2, s0;
	[dreg:$0x18] =	wrdreg s10;
	s14 =	simm.s32 $0x13700  }
0x15: {  	s3 =	sor.u32 s4, s3;
	s15 =	simm.s32 $0x13B00;
	[dreg:$0x1c] =	wrdreg s14  }
0x16: {  	s25 =	sshrl.u32 s0, $0x1;
	s16 =	simm.s32 $0x14300;
	[dreg:$0x1d] =	wrdreg s15  }
0x17: {  	s6 =	simm.s32 $0x5;
	s17 =	simm.s32 $0x14700;
	[dreg:$0x1e] =	wrdreg s16  }
0x18: {  	s18 =	simm.s32 $0x14F00;
	s19 =	simm.s32 $0x15300;
	[dreg:$0x1f] =	wrdreg s17  }
0x19: {  	s20 =	simm.s32 $0x15B00;
	s21 =	simm.s32 $0x15F00;
	[smem:$0x7F5] =	sst s18  }
0x1a: {  	s22 =	simm.s32 $0x16700;
	s23 =	simm.s32 $0x16B00;
	[smem:$0x7F6] =	sst s19  }
0x1b: {  	s24 =	simm.s32 $0x17300;
	s26 =	simm.s32 $0x17F00;
	[smem:$0x7F7] =	sst s20  }
0x1c: {  	s8 =	simm.s32 $0x5300;
	s9 =	simm.s32 $0x5700;
	[smem:$0x7F8] =	sst s21  }
0x1d: {  	s10 =	simm.s32 $0x5F00;
	s7 =	simm.s32 $0x8700;
	[smem:$0x7F9] =	sst s22  }
0x1e: {  	s4 =	sadd.s32 s3, s1;
	s3 =	smul.u32 $0xC00, s3;
	[smem:$0x7FA] =	sst s23  }
0x1f: {  	s0 =	ssub.s32 s0, s25;
	[smem:$0x7FB] =	sst s24;
	s25 =	simm.s32 $0x17700  }
0x20: {  	[smem:$0x7FD] =	sst s26;
	s16 =	simm.s32 $0x3;
	s15 =	simm.s32 $0x300  }
0x21: {  	s21 =	simm.s32 $0xB00;
	s22 =	simm.s32 $0xF00;
	s23 =	simm.s32 $0x1700  }
0x22: {  	s24 =	simm.s32 $0x1B00;
	s26 =	simm.s32 $0x2700;
	s14 =	simm.s32 $0x7700  }
0x23: {  	s17 =	simm.s32 $0x7B00;
	s5 =	sadd.s32 $0x242E00, s4;
	[smem:$0x7FC] =	sst s25  }
0x24: {  	s18 =	simm.s32 $0x8300;
	s11 =	sadd.s32 $0x242C00, s4;
	[dreg:$0x2] =	wrdreg s5  }
0x25: {  	s4 =	sadd.s32 $0x242A00, s4;
	s3 =	sshrl.u32 s3, $0x3;
	[dreg:$0x3] =	wrdreg s11  }
0x26: {  	[dreg:$0x4] =	wrdreg s4;
	s11 =	simm.s32 $0x12300;
	s3 =	sadd.s32 s3, s1  }
0x27: {  	s25 =	simm.s32 $0x2300;
	[dreg:$0x19] =	wrdreg s11;
	s12 =	sadd.s32 $0x243000, s3  }
0x28: {  	s4 =	sadd.s32 $0x2B00, s1;
	s13 =	sadd.s32 $0x273000, s3;
	[dreg:$0x5] =	wrdreg s12  }
0x29: {  	s5 =	smax.u32 s0, $0x1;
	s3 =	sadd.s32 $0x2A3000, s3;
	[dreg:$0x6] =	wrdreg s13  }
0x2a: {  	v2 =	vlaneseq.u32;
	s11 =	simm.s32 $0x6300;
	[dreg:$0x7] =	wrdreg s3;
	s12 =	simm.s32 $0x12B00  }
0x2b: {  	vm0 =	vmmov $0xffff;
	vm1 =	vmmov $0xff;
	v1 =	vshrl.u32 v2, $0x3;
	s3 =	sadd.s32 $0x2A00, s1;
	s13 =	simm.s32 $0x12F00;
	[dreg:$0x1a] =	wrdreg s12  }
0x2c: {  	v0 =	vand.u32 $0x7, v2;
	v2 =	vor.u32 $0x8, v2;
	v1 =	vmul.u32 $0x8, v1;
	[dreg:$0x1b] =	wrdreg s13;
	s12 =	simm.s32 $0x6B00;
	s13 =	simm.s32 $0x6F00  }
.LBB2_1:
0x2d: {  	s19 =	rddreg [dreg:$0x2]  }
0x2e: {  	[tilespmem:s2], [sflag:$0x5] =	stream.linear.gather [hbm4b:s19+s2], $0x80, $0x38;
	[tilespmem:$0x18300] =	vst v63  }
0x2f: {  	_ =	swait.ge [sflag:s6], $0x80  }
0x30: {  	s1 =	rddreg [dreg:$0x3];
	[sflag:s6] =	ssyncset.done $0x0  }
0x31: {  	s20 =	rddreg [dreg:$0x8];
	[sflag:s6] =	ssyncadd.s32 $0xFFFFFF80  }
0x32: {  	[tilespmem:s20], [sflag:$0x5] =	stream.linear.gather [hbm4b:s1+s2], $0x80, $0x38;
	[tilespmem:$0x18300] =	vst v63  }
0x33: {  	_ =	swait.ge [sflag:s6], $0x80  }
0x34: {  	s0 =	rddreg [dreg:$0x4];
	[sflag:s6] =	ssyncset.done $0x0  }
0x35: {  	s1 =	rddreg [dreg:$0x9];
	[sflag:s6] =	ssyncadd.s32 $0xFFFFFF80  }
0x36: {  	[tilespmem:s1], [sflag:$0x5] =	stream.linear.gather [hbm4b:s0+s2], $0x80, $0x38;
	[tilespmem:$0x18300] =	vst v63  }
0x37: {  	_ =	swait.ge [sflag:s6], $0x80  }
0x38: {  	[sflag:s6] =	ssyncset.done $0x0  }
0x39: {  	[sflag:s6] =	ssyncadd.s32 $0xFFFFFF80  }
0x3a: {  	v3 =	vld [tilespmem:$0x0]  }
0x3b: {  	v4 =	vld [tilespmem:$0x80]  }
0x3c: {  	v5 =	vld [tilespmem:$0x100]  }
0x3d: {  	v6 =	vld [tilespmem:$0x10]  }
0x3e: {  	v7 =	vld [tilespmem:$0x90]  }
0x3f: {  	v10 =	vld [tilespmem:$0x20]  }
0x40: {  	v40 =	vld [tilespmem:$0xA0]  }
0x41: {  	v12 =	vld [tilespmem:$0x120]  }
0x42: {  	v44 =	vld [tilespmem:$0xB0]  }
0x43: {  	v45 =	vld [tilespmem:$0x40]  }
0x44: {  	v47 =	vld [tilespmem:$0xC0]  }
0x45: {  	v17 =	vld [tilespmem:$0x50]  }
0x46: {  	v52 =	vld [tilespmem:$0xD0]  }
0x47: {  	v58 =	vld [tilespmem:$0x60]  }
0x48: {  	v59 =	vld [tilespmem:$0xE0];
	v3 =	vshll.u32 v3, $0xC;
	v9 =	vshll.u32 v4, $0x6  }
0x49: {  	v42 =	vld [tilespmem:$0x30];
	vm2 =	vgt.s32 v4, $0x0;
	v6 =	vshll.u32 v6, $0xC;
	v11 =	vshll.u32 v7, $0x6  }
0x4a: {  	v23 =	vld [tilespmem:$0x70];
	vm3 =	vgt.s32 v7, $0x0;
	v10 =	vshll.u32 v10, $0xC;
	v14 =	vshll.u32 v40, $0x6  }
0x4b: {  	v15 =	vld [tilespmem:$0x130];
	v50 =	vshll.u32 v44, $0x6;
	v54 =	vshll.u32 v45, $0xC;
	v55 =	vshll.u32 v47, $0x6  }
0x4c: {  	v56 =	vld [tilespmem:$0x150];
	v61 =	vshll.u32 v17, $0xC;
	v62 =	vshll.u32 v52, $0x6;
	v24 =	vshll.u32 v58, $0xC  }
0x4d: {  	v26 =	vld [tilespmem:$0xF0];
	v25 =	vshll.u32 v59, $0x6;
	v3 =	vadd.s32 v3, v9;
	v41 =	vadd.s32 v6, v11  }
0x4e: {  	v8 =	vld [tilespmem:$0x110];
	v10 =	vadd.s32 v10, v14;
	v6 =	vshll.u32 v42, $0xC;
	v3 =	vadd.s32 v5, v3  }
0x4f: {  	v33 =	vshll.u32 v23, $0xC;
	v10 =	vadd.s32 v12, v10;
	v6 =	vadd.s32 v6, v50;
	[tilespmem:$0x200] =	vst v3  }
0x50: {  	v16 =	vld [tilespmem:$0x140];
	v19 =	vadd.s32 v61, v62;
	v5 =	vadd.s32 $0xFFFFFFC0, v3;
	v6 =	vadd.s32 v15, v6;
	[tilespmem:$0x220] =	vst v10  }
0x51: {  	v49 =	vadd.s32 $0xFFFFFFC0, v10;
	v51 =	vadd.s32 $0x40, v10;
	v10 =	vadd.s32 v56, v19;
	[tilespmem:$0x230] =	vst v6  }
0x52: {  	v34 =	vshll.u32 v26, $0x6;
	v57 =	vadd.s32 v54, v55;
	v5 =	vnsel vm2, $0x8000, v5;
	[tilespmem:$0x250] =	vst v10  }
0x53: {  	v43 =	vadd.s32 $0x40, v3;
	vm2 =	vlt.s32 v4, $0x3F;
	v4 =	vadd.s32 v8, v41;
	[tilespmem:$0x180] =	vst v5  }
0x54: {  	v53 =	vadd.s32 $0xFFFFFFC0, v6;
	v22 =	vadd.s32 $0xFFFFFFC0, v10;
	v11 =	vnsel vm2, $0x8000, v43;
	[tilespmem:$0x210] =	vst v4  }
0x55: {  	v27 =	vadd.s32 $0x40, v10;
	v13 =	vadd.s32 $0xFFFFFFC0, v4;
	v5 =	vadd.s32 v16, v57;
	[tilespmem:$0x280] =	vst v11  }
0x56: {  	v63 =	vld [tilespmem:$0x160];
	vm2 =	vlt.s32 v7, $0x3F;
	v46 =	vadd.s32 $0x40, v4;
	v13 =	vnsel vm3, $0x8000, v13;
	[tilespmem:$0x240] =	vst v5  }
0x57: {  	v48 =	vnsel vm2, $0x8000, v46;
	vm2 =	vgt.s32 v40, $0x0;
	vm3 =	vgt.s32 v47, $0x0;
	v20 =	vld [tilespmem:$0x180];
	[tilespmem:$0x190] =	vst v13  }
0x58: {  	v60 =	vadd.s32 $0xFFFFFFC0, v5;
	v3 =	vnsel vm2, $0x8000, v49;
	vm2 =	vlt.s32 v40, $0x3F;
	[tilespmem:$0x290] =	vst v48  }
0x59: {  	v21 =	vadd.s32 $0x40, v5;
	v18 =	vnsel vm3, $0x8000, v60;
	v9 =	vnsel vm2, $0x8000, v51;
	[tilespmem:$0x1A0] =	vst v3  }
0x5a: {  	vm2 =	vgt.s32 v44, $0x0;
	v3 =	vadd.s32 $0x40, v6;
	[tilespmem:$0x1C0] =	vst v18;
	v6 =	vadd.s32 v24, v25  }
0x5b: {  	v4 =	vnsel vm2, $0x8000, v53;
	vm2 =	vlt.s32 v44, $0x3F;
	[tilespmem:$0x2A0] =	vst v9;
	v6 =	vadd.s32 v63, v6  }
0x5c: {  	v3 =	vnsel vm2, $0x8000, v3;
	[tilespmem:$0x1B0] =	vst v4;
	vm2 =	vlt.s32 v47, $0x3F;
	v30 =	vshrl.u32 v20, $0x3  }
0x5d: {  	v29 =	vld [tilespmem:$0x170];
	v31 =	vadd.s32 $0xFFFFFFC0, v6;
	v35 =	vadd.s32 $0x40, v6;
	[tilespmem:$0x260] =	vst v6;
	v8 =	vmul.u32 $0x18, v30  }
0x5e: {  	v4 =	vnsel vm2, $0x8000, v21;
	vm2 =	vgt.s32 v52, $0x0;
	[tilespmem:$0x2B0] =	vst v3;
	v32 =	vand.u32 $0x7, v20  }
0x5f: {  	v3 =	vnsel vm2, $0x8000, v22;
	vm2 =	vlt.s32 v52, $0x3F;
	[tilespmem:$0x2C0] =	vst v4;
	v4 =	vor.u32 v32, v8  }
0x60: {  	v28 =	vnsel vm2, $0x8000, v27;
	vm2 =	vgt.s32 v59, $0x0;
	[tilespmem:$0x1D0] =	vst v3;
	v36 =	vperm.xlane v4, v0  }
0x61: {  	v3 =	vnsel vm2, $0x8000, v31;
	vm2 =	vlt.s32 v59, $0x3F;
	[tilespmem:$0x2D0] =	vst v28;
	v8 =	vadd.s32 v33, v34  }
0x62: {  	[tilespmem:$0x1E0] =	vst v3;
	v3 =	vadd.s32 v29, v8;
	v5 =	vnsel vm2, $0x8000, v35;
	v38 =	vadd.s32 v1, v36  }
0x63: {  	vm2 =	vgt.s32 v26, $0x0;
	v4 =	vperm.xlane v4, v2;
	v37 =	vadd.s32 $0xFFFFFFC0, v3;
	[tilespmem:$0x2E0] =	vst v5  }
0x64: {  	v40 =	vadd.s32 $0x40, v3;
	[tilespmem:$0x270] =	vst v3;
	v39 =	vnsel vm2, $0x8000, v37;
	vm2 =	vlt.s32 v26, $0x3F  }
0x65: {  	[tilespmem:$0x1F0] =	vst v39;
	v3 =	vnsel vm2, $0x8000, v40  }
0x66: {  	[tilespmem:$0x2F0] =	vst v3;
	v3 =	vadd.s32 v1, v4  }
0x67: {  	[tilespmem:s15], [sflag:$0x1] =	stream.indirect_vreg.gather [hbm4b:s3+s2], $0x80, v38, vm0, $0xb8;
	[tilespmem:$0x18300] =	vst v63  }
0x68: {  	_ = 	snop  }
0x69: {  	[tilespmem:s21], [sflag:$0x1] =	stream.indirect_vreg.gather [hbm4b:s4+s2], $0x80, v38, vm1, $0xb8;
	[tilespmem:$0x18300] =	vst v63  }
0x6a: {  	_ = 	snop  }
0x6b: {  	[tilespmem:s22], [sflag:$0x1] =	stream.indirect_vreg.gather [hbm4b:s3+s2], $0x80, v3, vm0, $0xb8;
	[tilespmem:$0x18300] =	vst v63  }
0x6c: {  	_ = 	snop  }
0x6d: {  	[tilespmem:s23], [sflag:$0x1] =	stream.indirect_vreg.gather [hbm4b:s4+s2], $0x80, v3, vm1, $0xb8;
	[tilespmem:$0x18300] =	vst v63  }
0x6e: {  	v3 =	vld [tilespmem:$0x190];
	_ =	sdelay $0x4  }
0x6f: {  	v41 =	vshrl.u32 v3, $0x3  }
0x70: {  	v4 =	vmul.u32 $0x18, v41  }
0x71: {  	v3 =	vand.u32 $0x7, v3  }
0x72: {  	v3 =	vor.u32 v3, v4  }
0x73: {  	v4 =	vperm.xlane v3, v0;
	_ =	sdelay $0x1  }
0x74: {  	v4 =	vadd.s32 v1, v4;
	_ =	sdelay $0x1  }
0x75: {  	v3 =	vperm.xlane v3, v2;
	_ =	sdelay $0x1  }
0x76: {  	v3 =	vadd.s32 v1, v3  }
0x77: {  	[tilespmem:s24], [sflag:$0x1] =	stream.indirect_vreg.gather [hbm4b:s3+s2], $0x80, v4, vm0, $0xb8;
	[tilespmem:$0x18300] =	vst v63  }
0x78: {  	_ = 	snop  }
0x79: {  	[tilespmem:s25], [sflag:$0x1] =	stream.indirect_vreg.gather [hbm4b:s4+s2], $0x80, v4, vm1, $0xb8;
	[tilespmem:$0x18300] =	vst v63  }
0x7a: {  	_ = 	snop  }
0x7b: {  	[tilespmem:s26], [sflag:$0x1] =	stream.indirect_vreg.gather [hbm4b:s3+s2], $0x80, v3, vm0, $0xb8;
	[tilespmem:$0x18300] =	vst v63  }
0x7c: {  	_ = 	snop  }
0x7d: {  	[tilespmem:s28], [sflag:$0x1] =	stream.indirect_vreg.gather [hbm4b:s4+s2], $0x80, v3, vm1, $0xb8;
	[tilespmem:$0x18300] =	vst v63  }
0x7e: {  	v3 =	vld [tilespmem:$0x1A0];
	_ =	sdelay $0x4  }
0x7f: {  	v42 =	vshrl.u32 v3, $0x3  }
0x80: {  	v4 =	vmul.u32 $0x18, v42  }
0x81: {  	v3 =	vand.u32 $0x7, v3  }
0x82: {  	v3 =	vor.u32 v3, v4  }
0x83: {  	v4 =	vperm.xlane v3, v0;
	_ =	sdelay $0x1  }
0x84: {  	v4 =	vadd.s32 v1, v4;
	_ =	sdelay $0x1  }
0x85: {  	v3 =	vperm.xlane v3, v2;
	_ =	sdelay $0x1  }
0x86: {  	v3 =	vadd.s32 v1, v3  }
0x87: {  	[tilespmem:s29], [sflag:$0x1] =	stream.indirect_vreg.gather [hbm4b:s3+s2], $0x80, v4, vm0, $0xb8;
	[tilespmem:$0x18300] =	vst v63  }
0x88: {  	_ = 	snop  }
0x89: {  	[tilespmem:s30], [sflag:$0x1] =	stream.indirect_vreg.gather [hbm4b:s4+s2], $0x80, v4, vm1, $0xb8;
	[tilespmem:$0x18300] =	vst v63  }
0x8a: {  	_ = 	snop  }
0x8b: {  	[tilespmem:s31], [sflag:$0x1] =	stream.indirect_vreg.gather [hbm4b:s3+s2], $0x80, v3, vm0, $0xb8;
	[tilespmem:$0x18300] =	vst v63  }
0x8c: {  	s1 =	simm.s32 $0x4700  }
0x8d: {  	[tilespmem:s1], [sflag:$0x1] =	stream.indirect_vreg.gather [hbm4b:s4+s2], $0x80, v3, vm1, $0xb8;
	[tilespmem:$0x18300] =	vst v63  }
0x8e: {  	v3 =	vld [tilespmem:$0x1B0];
	_ =	sdelay $0x4  }
0x8f: {  	v43 =	vshrl.u32 v3, $0x3  }
0x90: {  	v4 =	vmul.u32 $0x18, v43  }
0x91: {  	v3 =	vand.u32 $0x7, v3  }
0x92: {  	v3 =	vor.u32 v3, v4  }
0x93: {  	v4 =	vperm.xlane v3, v0;
	_ =	sdelay $0x1  }
0x94: {  	v4 =	vadd.s32 v1, v4;
	_ =	sdelay $0x1  }
0x95: {  	v3 =	vperm.xlane v3, v2;
	_ =	sdelay $0x1  }
0x96: {  	s0 =	simm.s32 $0x4B00;
	v3 =	vadd.s32 v1, v3  }
0x97: {  	[tilespmem:s0], [sflag:$0x1] =	stream.indirect_vreg.gather [hbm4b:s3+s2], $0x80, v4, vm0, $0xb8;
	[tilespmem:$0x18300] =	vst v63  }
0x98: {  	_ = 	snop  }
0x99: {  	[tilespmem:s8], [sflag:$0x1] =	stream.indirect_vreg.gather [hbm4b:s4+s2], $0x80, v4, vm1, $0xb8;
	[tilespmem:$0x18300] =	vst v63  }
0x9a: {  	_ = 	snop  }
0x9b: {  	[tilespmem:s9], [sflag:$0x1] =	stream.indirect_vreg.gather [hbm4b:s3+s2], $0x80, v3, vm0, $0xb8;
	[tilespmem:$0x18300] =	vst v63  }
0x9c: {  	_ = 	snop  }
0x9d: {  	[tilespmem:s10], [sflag:$0x1] =	stream.indirect_vreg.gather [hbm4b:s4+s2], $0x80, v3, vm1, $0xb8;
	[tilespmem:$0x18300] =	vst v63  }
0x9e: {  	v3 =	vld [tilespmem:$0x1C0];
	_ =	sdelay $0x4  }
0x9f: {  	v44 =	vshrl.u32 v3, $0x3  }
0xa0: {  	v4 =	vmul.u32 $0x18, v44  }
0xa1: {  	v3 =	vand.u32 $0x7, v3  }
0xa2: {  	v3 =	vor.u32 v3, v4  }
0xa3: {  	v4 =	vperm.xlane v3, v0;
	_ =	sdelay $0x1  }
0xa4: {  	v4 =	vadd.s32 v1, v4;
	_ =	sdelay $0x1  }
0xa5: {  	v3 =	vperm.xlane v3, v2;
	_ =	sdelay $0x1  }
0xa6: {  	v3 =	vadd.s32 v1, v3  }
0xa7: {  	[tilespmem:s11], [sflag:$0x1] =	stream.indirect_vreg.gather [hbm4b:s3+s2], $0x80, v4, vm0, $0xb8;
	[tilespmem:$0x18300] =	vst v63  }
0xa8: {  	_ = 	snop  }
0xa9: {  	[tilespmem:s12], [sflag:$0x1] =	stream.indirect_vreg.gather [hbm4b:s4+s2], $0x80, v4, vm1, $0xb8;
	[tilespmem:$0x18300] =	vst v63  }
0xaa: {  	_ = 	snop  }
0xab: {  	[tilespmem:s13], [sflag:$0x1] =	stream.indirect_vreg.gather [hbm4b:s3+s2], $0x80, v3, vm0, $0xb8;
	[tilespmem:$0x18300] =	vst v63  }
0xac: {  	_ = 	snop  }
0xad: {  	[tilespmem:s14], [sflag:$0x1] =	stream.indirect_vreg.gather [hbm4b:s4+s2], $0x80, v3, vm1, $0xb8;
	[tilespmem:$0x18300] =	vst v63  }
0xae: {  	v3 =	vld [tilespmem:$0x1D0];
	_ =	sdelay $0x4  }
0xaf: {  	v45 =	vshrl.u32 v3, $0x3  }
0xb0: {  	v4 =	vmul.u32 $0x18, v45  }
0xb1: {  	v3 =	vand.u32 $0x7, v3  }
0xb2: {  	v3 =	vor.u32 v3, v4  }
0xb3: {  	v4 =	vperm.xlane v3, v0;
	_ =	sdelay $0x1  }
0xb4: {  	v4 =	vadd.s32 v1, v4;
	_ =	sdelay $0x1  }
0xb5: {  	v3 =	vperm.xlane v3, v2;
	_ =	sdelay $0x1  }
0xb6: {  	v3 =	vadd.s32 v1, v3  }
0xb7: {  	[tilespmem:s17], [sflag:$0x1] =	stream.indirect_vreg.gather [hbm4b:s3+s2], $0x80, v4, vm0, $0xb8;
	[tilespmem:$0x18300] =	vst v63  }
0xb8: {  	_ = 	snop  }
0xb9: {  	[tilespmem:s18], [sflag:$0x1] =	stream.indirect_vreg.gather [hbm4b:s4+s2], $0x80, v4, vm1, $0xb8;
	[tilespmem:$0x18300] =	vst v63  }
0xba: {  	_ = 	snop  }
0xbb: {  	[tilespmem:s7], [sflag:$0x1] =	stream.indirect_vreg.gather [hbm4b:s3+s2], $0x80, v3, vm0, $0xb8;
	[tilespmem:$0x18300] =	vst v63  }
0xbc: {  	s20 =	simm.s32 $0x8F00  }
0xbd: {  	[tilespmem:s20], [sflag:$0x1] =	stream.indirect_vreg.gather [hbm4b:s4+s2], $0x80, v3, vm1, $0xb8;
	[tilespmem:$0x18300] =	vst v63  }
0xbe: {  	v3 =	vld [tilespmem:$0x1E0];
	_ =	sdelay $0x4  }
0xbf: {  	v46 =	vshrl.u32 v3, $0x3  }
0xc0: {  	v4 =	vmul.u32 $0x18, v46  }
0xc1: {  	v3 =	vand.u32 $0x7, v3  }
0xc2: {  	v3 =	vor.u32 v3, v4  }
0xc3: {  	v4 =	vperm.xlane v3, v0;
	_ =	sdelay $0x1  }
0xc4: {  	v4 =	vadd.s32 v1, v4;
	_ =	sdelay $0x1  }
0xc5: {  	v3 =	vperm.xlane v3, v2;
	_ =	sdelay $0x1  }
0xc6: {  	s19 =	simm.s32 $0x9300;
	v3 =	vadd.s32 v1, v3  }
0xc7: {  	[tilespmem:s19], [sflag:$0x1] =	stream.indirect_vreg.gather [hbm4b:s3+s2], $0x80, v4, vm0, $0xb8;
	[tilespmem:$0x18300] =	vst v63  }
0xc8: {  	s20 =	simm.s32 $0x9B00  }
0xc9: {  	[tilespmem:s20], [sflag:$0x1] =	stream.indirect_vreg.gather [hbm4b:s4+s2], $0x80, v4, vm1, $0xb8;
	[tilespmem:$0x18300] =	vst v63  }
0xca: {  	s19 =	simm.s32 $0x9F00  }
0xcb: {  	[tilespmem:s19], [sflag:$0x1] =	stream.indirect_vreg.gather [hbm4b:s3+s2], $0x80, v3, vm0, $0xb8;
	[tilespmem:$0x18300] =	vst v63  }
0xcc: {  	s20 =	simm.s32 $0xA700  }
0xcd: {  	[tilespmem:s20], [sflag:$0x1] =	stream.indirect_vreg.gather [hbm4b:s4+s2], $0x80, v3, vm1, $0xb8;
	[tilespmem:$0x18300] =	vst v63  }
0xce: {  	v3 =	vld [tilespmem:$0x1F0];
	_ =	sdelay $0x4  }
0xcf: {  	v47 =	vshrl.u32 v3, $0x3  }
0xd0: {  	v4 =	vmul.u32 $0x18, v47  }
0xd1: {  	v3 =	vand.u32 $0x7, v3  }
0xd2: {  	v3 =	vor.u32 v3, v4  }
0xd3: {  	v4 =	vperm.xlane v3, v0;
	_ =	sdelay $0x1  }
0xd4: {  	v4 =	vadd.s32 v1, v4;
	_ =	sdelay $0x1  }
0xd5: {  	v3 =	vperm.xlane v3, v2;
	_ =	sdelay $0x1  }
0xd6: {  	s19 =	simm.s32 $0xAB00;
	v3 =	vadd.s32 v1, v3  }
0xd7: {  	[tilespmem:s19], [sflag:$0x1] =	stream.indirect_vreg.gather [hbm4b:s3+s2], $0x80, v4, vm0, $0xb8;
	[tilespmem:$0x18300] =	vst v63  }
0xd8: {  	s20 =	simm.s32 $0xB300  }
0xd9: {  	[tilespmem:s20], [sflag:$0x1] =	stream.indirect_vreg.gather [hbm4b:s4+s2], $0x80, v4, vm1, $0xb8;
	[tilespmem:$0x18300] =	vst v63  }
0xda: {  	s19 =	simm.s32 $0xB700  }
0xdb: {  	[tilespmem:s19], [sflag:$0x1] =	stream.indirect_vreg.gather [hbm4b:s3+s2], $0x80, v3, vm0, $0xb8;
	[tilespmem:$0x18300] =	vst v63  }
0xdc: {  	s20 =	simm.s32 $0xBF00  }
0xdd: {  	[tilespmem:s20], [sflag:$0x1] =	stream.indirect_vreg.gather [hbm4b:s4+s2], $0x80, v3, vm1, $0xb8;
	[tilespmem:$0x18300] =	vst v63  }
0xde: {  	v3 =	vld [tilespmem:$0x200];
	_ =	sdelay $0x4  }
0xdf: {  	v48 =	vshrl.u32 v3, $0x3  }
0xe0: {  	v4 =	vmul.u32 $0x18, v48  }
0xe1: {  	v3 =	vand.u32 $0x7, v3  }
0xe2: {  	v3 =	vor.u32 v3, v4  }
0xe3: {  	v4 =	vperm.xlane v3, v0;
	_ =	sdelay $0x1  }
0xe4: {  	v4 =	vadd.s32 v1, v4;
	_ =	sdelay $0x1  }
0xe5: {  	v3 =	vperm.xlane v3, v2;
	_ =	sdelay $0x1  }
0xe6: {  	s0 =	simm.s32 $0xC300;
	v3 =	vadd.s32 v1, v3  }
0xe7: {  	[tilespmem:s0], [sflag:$0x2] =	stream.indirect_vreg.gather [hbm4b:s3+s2], $0x80, v4, vm0, $0xb8;
	[tilespmem:$0x18300] =	vst v63  }
0xe8: {  	s19 =	rddreg [dreg:$0xa]  }
0xe9: {  	[tilespmem:s19], [sflag:$0x2] =	stream.indirect_vreg.gather [hbm4b:s4+s2], $0x80, v4, vm1, $0xb8;
	[tilespmem:$0x18300] =	vst v63  }
0xea: {  	s20 =	rddreg [dreg:$0xb]  }
0xeb: {  	[tilespmem:s20], [sflag:$0x2] =	stream.indirect_vreg.gather [hbm4b:s3+s2], $0x80, v3, vm0, $0xb8;
	[tilespmem:$0x18300] =	vst v63  }
0xec: {  	s19 =	rddreg [dreg:$0xc]  }
0xed: {  	[tilespmem:s19], [sflag:$0x2] =	stream.indirect_vreg.gather [hbm4b:s4+s2], $0x80, v3, vm1, $0xb8;
	[tilespmem:$0x18300] =	vst v63  }
0xee: {  	v3 =	vld [tilespmem:$0x210];
	_ =	sdelay $0x4  }
0xef: {  	v49 =	vshrl.u32 v3, $0x3  }
0xf0: {  	v4 =	vmul.u32 $0x18, v49  }
0xf1: {  	v3 =	vand.u32 $0x7, v3  }
0xf2: {  	v3 =	vor.u32 v3, v4  }
0xf3: {  	v4 =	vperm.xlane v3, v0;
	_ =	sdelay $0x1  }
0xf4: {  	v4 =	vadd.s32 v1, v4;
	_ =	sdelay $0x1  }
0xf5: {  	v3 =	vperm.xlane v3, v2;
	_ =	sdelay $0x1  }
0xf6: {  	s19 =	rddreg [dreg:$0xd];
	v3 =	vadd.s32 v1, v3  }
0xf7: {  	[tilespmem:s19], [sflag:$0x2] =	stream.indirect_vreg.gather [hbm4b:s3+s2], $0x80, v4, vm0, $0xb8;
	[tilespmem:$0x18300] =	vst v63  }
0xf8: {  	s20 =	rddreg [dreg:$0xe]  }
0xf9: {  	[tilespmem:s20], [sflag:$0x2] =	stream.indirect_vreg.gather [hbm4b:s4+s2], $0x80, v4, vm1, $0xb8;
	[tilespmem:$0x18300] =	vst v63  }
0xfa: {  	s19 =	rddreg [dreg:$0xf]  }
0xfb: {  	[tilespmem:s19], [sflag:$0x2] =	stream.indirect_vreg.gather [hbm4b:s3+s2], $0x80, v3, vm0, $0xb8;
	[tilespmem:$0x18300] =	vst v63  }
0xfc: {  	s20 =	rddreg [dreg:$0x10]  }
0xfd: {  	[tilespmem:s20], [sflag:$0x2] =	stream.indirect_vreg.gather [hbm4b:s4+s2], $0x80, v3, vm1, $0xb8;
	[tilespmem:$0x18300] =	vst v63  }
0xfe: {  	v3 =	vld [tilespmem:$0x220];
	_ =	sdelay $0x4  }
0xff: {  	v50 =	vshrl.u32 v3, $0x3  }
0x100: {  	v4 =	vmul.u32 $0x18, v50  }
0x101: {  	v3 =	vand.u32 $0x7, v3  }
0x102: {  	v3 =	vor.u32 v3, v4  }
0x103: {  	v4 =	vperm.xlane v3, v0;
	_ =	sdelay $0x1  }
0x104: {  	v4 =	vadd.s32 v1, v4;
	_ =	sdelay $0x1  }
0x105: {  	v3 =	vperm.xlane v3, v2;
	_ =	sdelay $0x1  }
0x106: {  	s19 =	rddreg [dreg:$0x11];
	v3 =	vadd.s32 v1, v3  }
0x107: {  	[tilespmem:s19], [sflag:$0x2] =	stream.indirect_vreg.gather [hbm4b:s3+s2], $0x80, v4, vm0, $0xb8;
	[tilespmem:$0x18300] =	vst v63  }
0x108: {  	s20 =	rddreg [dreg:$0x12]  }
0x109: {  	[tilespmem:s20], [sflag:$0x2] =	stream.indirect_vreg.gather [hbm4b:s4+s2], $0x80, v4, vm1, $0xb8;
	[tilespmem:$0x18300] =	vst v63  }
0x10a: {  	s19 =	rddreg [dreg:$0x13]  }
0x10b: {  	[tilespmem:s19], [sflag:$0x2] =	stream.indirect_vreg.gather [hbm4b:s3+s2], $0x80, v3, vm0, $0xb8;
	[tilespmem:$0x18300] =	vst v63  }
0x10c: {  	s20 =	rddreg [dreg:$0x14]  }
0x10d: {  	[tilespmem:s20], [sflag:$0x2] =	stream.indirect_vreg.gather [hbm4b:s4+s2], $0x80, v3, vm1, $0xb8;
	[tilespmem:$0x18300] =	vst v63  }
0x10e: {  	v3 =	vld [tilespmem:$0x230];
	_ =	sdelay $0x4  }
0x10f: {  	v51 =	vshrl.u32 v3, $0x3  }
0x110: {  	v4 =	vmul.u32 $0x18, v51  }
0x111: {  	v3 =	vand.u32 $0x7, v3  }
0x112: {  	v3 =	vor.u32 v3, v4  }
0x113: {  	v4 =	vperm.xlane v3, v0;
	_ =	sdelay $0x1  }
0x114: {  	v4 =	vadd.s32 v1, v4;
	_ =	sdelay $0x1  }
0x115: {  	v3 =	vperm.xlane v3, v2;
	_ =	sdelay $0x1  }
0x116: {  	s19 =	rddreg [dreg:$0x15];
	v3 =	vadd.s32 v1, v3  }
0x117: {  	[tilespmem:s19], [sflag:$0x2] =	stream.indirect_vreg.gather [hbm4b:s3+s2], $0x80, v4, vm0, $0xb8;
	[tilespmem:$0x18300] =	vst v63  }
0x118: {  	s20 =	rddreg [dreg:$0x16]  }
0x119: {  	[tilespmem:s20], [sflag:$0x2] =	stream.indirect_vreg.gather [hbm4b:s4+s2], $0x80, v4, vm1, $0xb8;
	[tilespmem:$0x18300] =	vst v63  }
0x11a: {  	s19 =	rddreg [dreg:$0x17]  }
0x11b: {  	[tilespmem:s19], [sflag:$0x2] =	stream.indirect_vreg.gather [hbm4b:s3+s2], $0x80, v3, vm0, $0xb8;
	[tilespmem:$0x18300] =	vst v63  }
0x11c: {  	s20 =	rddreg [dreg:$0x18]  }
0x11d: {  	[tilespmem:s20], [sflag:$0x2] =	stream.indirect_vreg.gather [hbm4b:s4+s2], $0x80, v3, vm1, $0xb8;
	[tilespmem:$0x18300] =	vst v63  }
0x11e: {  	v3 =	vld [tilespmem:$0x240];
	_ =	sdelay $0x4  }
0x11f: {  	v52 =	vshrl.u32 v3, $0x3  }
0x120: {  	v4 =	vmul.u32 $0x18, v52  }
0x121: {  	v3 =	vand.u32 $0x7, v3  }
0x122: {  	v3 =	vor.u32 v3, v4  }
0x123: {  	v4 =	vperm.xlane v3, v0;
	_ =	sdelay $0x1  }
0x124: {  	v4 =	vadd.s32 v1, v4;
	_ =	sdelay $0x1  }
0x125: {  	v3 =	vperm.xlane v3, v2;
	_ =	sdelay $0x1  }
0x126: {  	s19 =	rddreg [dreg:$0x19];
	v3 =	vadd.s32 v1, v3  }
0x127: {  	[tilespmem:s19], [sflag:$0x2] =	stream.indirect_vreg.gather [hbm4b:s3+s2], $0x80, v4, vm0, $0xb8;
	[tilespmem:$0x18300] =	vst v63  }
0x128: {  	s20 =	rddreg [dreg:$0x1a]  }
0x129: {  	[tilespmem:s20], [sflag:$0x2] =	stream.indirect_vreg.gather [hbm4b:s4+s2], $0x80, v4, vm1, $0xb8;
	[tilespmem:$0x18300] =	vst v63  }
0x12a: {  	s19 =	rddreg [dreg:$0x1b]  }
0x12b: {  	[tilespmem:s19], [sflag:$0x2] =	stream.indirect_vreg.gather [hbm4b:s3+s2], $0x80, v3, vm0, $0xb8;
	[tilespmem:$0x18300] =	vst v63  }
0x12c: {  	s20 =	rddreg [dreg:$0x1c]  }
0x12d: {  	[tilespmem:s20], [sflag:$0x2] =	stream.indirect_vreg.gather [hbm4b:s4+s2], $0x80, v3, vm1, $0xb8;
	[tilespmem:$0x18300] =	vst v63  }
0x12e: {  	v3 =	vld [tilespmem:$0x250];
	_ =	sdelay $0x4  }
0x12f: {  	v53 =	vshrl.u32 v3, $0x3  }
0x130: {  	v4 =	vmul.u32 $0x18, v53  }
0x131: {  	v3 =	vand.u32 $0x7, v3  }
0x132: {  	v3 =	vor.u32 v3, v4  }
0x133: {  	v4 =	vperm.xlane v3, v0;
	_ =	sdelay $0x1  }
0x134: {  	v4 =	vadd.s32 v1, v4;
	_ =	sdelay $0x1  }
0x135: {  	v3 =	vperm.xlane v3, v2  }
0x136: {  	s19 =	rddreg [dreg:$0x1d]  }
0x137: {  	s20 =	rddreg [dreg:$0x1e];
	v3 =	vadd.s32 v1, v3  }
0x138: {  	[tilespmem:s19], [sflag:$0x2] =	stream.indirect_vreg.gather [hbm4b:s3+s2], $0x80, v4, vm0, $0xb8;
	[tilespmem:$0x18300] =	vst v63  }
0x139: {  	s19 =	rddreg [dreg:$0x1f]  }
0x13a: {  	[tilespmem:s20], [sflag:$0x2] =	stream.indirect_vreg.gather [hbm4b:s4+s2], $0x80, v4, vm1, $0xb8;
	[tilespmem:$0x18300] =	vst v63  }
0x13b: {  	s20 =	sld [smem:$0x7F5]  }
0x13c: {  	[tilespmem:s19], [sflag:$0x2] =	stream.indirect_vreg.gather [hbm4b:s3+s2], $0x80, v3, vm0, $0xb8;
	[tilespmem:$0x18300] =	vst v63  }
0x13d: {  	_ = 	snop  }
0x13e: {  	[tilespmem:s20], [sflag:$0x2] =	stream.indirect_vreg.gather [hbm4b:s4+s2], $0x80, v3, vm1, $0xb8;
	[tilespmem:$0x18300] =	vst v63  }
0x13f: {  	v3 =	vld [tilespmem:$0x260];
	_ =	sdelay $0x4  }
0x140: {  	v54 =	vshrl.u32 v3, $0x3  }
0x141: {  	v4 =	vmul.u32 $0x18, v54  }
0x142: {  	v3 =	vand.u32 $0x7, v3  }
0x143: {  	v3 =	vor.u32 v3, v4  }
0x144: {  	v4 =	vperm.xlane v3, v0;
	_ =	sdelay $0x1  }
0x145: {  	v4 =	vadd.s32 v1, v4;
	_ =	sdelay $0x1  }
0x146: {  	s19 =	sld [smem:$0x7F6];
	v3 =	vperm.xlane v3, v2;
	_ =	sdelay $0x1  }
0x147: {  	s20 =	sld [smem:$0x7F7];
	v3 =	vadd.s32 v1, v3  }
0x148: {  	[tilespmem:s19], [sflag:$0x2] =	stream.indirect_vreg.gather [hbm4b:s3+s2], $0x80, v4, vm0, $0xb8;
	[tilespmem:$0x18300] =	vst v63  }
0x149: {  	s19 =	sld [smem:$0x7F8]  }
0x14a: {  	[tilespmem:s20], [sflag:$0x2] =	stream.indirect_vreg.gather [hbm4b:s4+s2], $0x80, v4, vm1, $0xb8;
	[tilespmem:$0x18300] =	vst v63  }
0x14b: {  	s20 =	sld [smem:$0x7F9]  }
0x14c: {  	[tilespmem:s19], [sflag:$0x2] =	stream.indirect_vreg.gather [hbm4b:s3+s2], $0x80, v3, vm0, $0xb8;
	[tilespmem:$0x18300] =	vst v63  }
0x14d: {  	_ = 	snop  }
0x14e: {  	[tilespmem:s20], [sflag:$0x2] =	stream.indirect_vreg.gather [hbm4b:s4+s2], $0x80, v3, vm1, $0xb8;
	[tilespmem:$0x18300] =	vst v63  }
0x14f: {  	v3 =	vld [tilespmem:$0x270];
	_ =	sdelay $0x4  }
0x150: {  	v55 =	vshrl.u32 v3, $0x3  }
0x151: {  	v4 =	vmul.u32 $0x18, v55  }
0x152: {  	v3 =	vand.u32 $0x7, v3  }
0x153: {  	v3 =	vor.u32 v3, v4  }
0x154: {  	v4 =	vperm.xlane v3, v0;
	_ =	sdelay $0x1  }
0x155: {  	v4 =	vadd.s32 v1, v4;
	_ =	sdelay $0x1  }
0x156: {  	s19 =	sld [smem:$0x7FA];
	v3 =	vperm.xlane v3, v2;
	_ =	sdelay $0x1  }
0x157: {  	s20 =	sld [smem:$0x7FB];
	v3 =	vadd.s32 v1, v3  }
0x158: {  	[tilespmem:s19], [sflag:$0x2] =	stream.indirect_vreg.gather [hbm4b:s3+s2], $0x80, v4, vm0, $0xb8;
	[tilespmem:$0x18300] =	vst v63  }
0x159: {  	s19 =	sld [smem:$0x7FC]  }
0x15a: {  	[tilespmem:s20], [sflag:$0x2] =	stream.indirect_vreg.gather [hbm4b:s4+s2], $0x80, v4, vm1, $0xb8;
	[tilespmem:$0x18300] =	vst v63  }
0x15b: {  	s20 =	sld [smem:$0x7FD]  }
0x15c: {  	[tilespmem:s19], [sflag:$0x2] =	stream.indirect_vreg.gather [hbm4b:s3+s2], $0x80, v3, vm0, $0xb8;
	[tilespmem:$0x18300] =	vst v63  }
0x15d: {  	_ = 	snop  }
0x15e: {  	[tilespmem:s20], [sflag:$0x2] =	stream.indirect_vreg.gather [hbm4b:s4+s2], $0x80, v3, vm1, $0xb8;
	[tilespmem:$0x18300] =	vst v63  }
0x15f: {  	s20 =	simm.s32 $0x1  }
0x160: {  	_ =	swait.ge [sflag:s20], $0xC000  }
0x161: {  	[sflag:s20] =	ssyncset.done $0x0  }
0x162: {  	s19 =	rddreg [dreg:$0x5];
	[sflag:s20] =	ssyncadd.s32 $0xFFFF4000  }
0x163: {  	[hbm4b:s19+s2] =	stream.linear.scatter [tilespmem:s15], [sflag:$0x3], $0xC000, $0x38;
	[tilespmem:$0x18300] =	vst v63  }
0x164: {  	_ =	swait.ge [sflag:s16], $0xC000  }
0x165: {  	[sflag:s16] =	ssyncset.done $0x0  }
0x166: {  	[sflag:s16] =	ssyncadd.s32 $0xFFFF4000  }
0x167: {  	v3 =	vld [tilespmem:$0x280];
	_ =	sdelay $0x4  }
0x168: {  	v56 =	vshrl.u32 v3, $0x3  }
0x169: {  	v4 =	vmul.u32 $0x18, v56  }
0x16a: {  	v3 =	vand.u32 $0x7, v3  }
0x16b: {  	v3 =	vor.u32 v3, v4  }
0x16c: {  	v4 =	vperm.xlane v3, v0;
	_ =	sdelay $0x1  }
0x16d: {  	v4 =	vadd.s32 v1, v4;
	_ =	sdelay $0x1  }
0x16e: {  	v3 =	vperm.xlane v3, v2;
	_ =	sdelay $0x1  }
0x16f: {  	v3 =	vadd.s32 v1, v3  }
0x170: {  	[tilespmem:s15], [sflag:$0x1] =	stream.indirect_vreg.gather [hbm4b:s3+s2], $0x80, v4, vm0, $0xb8;
	[tilespmem:$0x18300] =	vst v63  }
0x171: {  	_ = 	snop  }
0x172: {  	[tilespmem:s21], [sflag:$0x1] =	stream.indirect_vreg.gather [hbm4b:s4+s2], $0x80, v4, vm1, $0xb8;
	[tilespmem:$0x18300] =	vst v63  }
0x173: {  	_ = 	snop  }
0x174: {  	[tilespmem:s22], [sflag:$0x1] =	stream.indirect_vreg.gather [hbm4b:s3+s2], $0x80, v3, vm0, $0xb8;
	[tilespmem:$0x18300] =	vst v63  }
0x175: {  	_ = 	snop  }
0x176: {  	[tilespmem:s23], [sflag:$0x1] =	stream.indirect_vreg.gather [hbm4b:s4+s2], $0x80, v3, vm1, $0xb8;
	[tilespmem:$0x18300] =	vst v63  }
0x177: {  	v3 =	vld [tilespmem:$0x290];
	_ =	sdelay $0x4  }
0x178: {  	v57 =	vshrl.u32 v3, $0x3  }
0x179: {  	v4 =	vmul.u32 $0x18, v57  }
0x17a: {  	v3 =	vand.u32 $0x7, v3  }
0x17b: {  	v3 =	vor.u32 v3, v4  }
0x17c: {  	v4 =	vperm.xlane v3, v0;
	_ =	sdelay $0x1  }
0x17d: {  	v4 =	vadd.s32 v1, v4;
	_ =	sdelay $0x1  }
0x17e: {  	v3 =	vperm.xlane v3, v2;
	_ =	sdelay $0x1  }
0x17f: {  	v3 =	vadd.s32 v1, v3  }
0x180: {  	[tilespmem:s24], [sflag:$0x1] =	stream.indirect_vreg.gather [hbm4b:s3+s2], $0x80, v4, vm0, $0xb8;
	[tilespmem:$0x18300] =	vst v63  }
0x181: {  	_ = 	snop  }
0x182: {  	[tilespmem:s25], [sflag:$0x1] =	stream.indirect_vreg.gather [hbm4b:s4+s2], $0x80, v4, vm1, $0xb8;
	[tilespmem:$0x18300] =	vst v63  }
0x183: {  	_ = 	snop  }
0x184: {  	[tilespmem:s26], [sflag:$0x1] =	stream.indirect_vreg.gather [hbm4b:s3+s2], $0x80, v3, vm0, $0xb8;
	[tilespmem:$0x18300] =	vst v63  }
0x185: {  	_ = 	snop  }
0x186: {  	[tilespmem:s28], [sflag:$0x1] =	stream.indirect_vreg.gather [hbm4b:s4+s2], $0x80, v3, vm1, $0xb8;
	[tilespmem:$0x18300] =	vst v63  }
0x187: {  	v3 =	vld [tilespmem:$0x2A0];
	_ =	sdelay $0x4  }
0x188: {  	v58 =	vshrl.u32 v3, $0x3  }
0x189: {  	v4 =	vmul.u32 $0x18, v58  }
0x18a: {  	v3 =	vand.u32 $0x7, v3  }
0x18b: {  	v3 =	vor.u32 v3, v4  }
0x18c: {  	v4 =	vperm.xlane v3, v0;
	_ =	sdelay $0x1  }
0x18d: {  	v4 =	vadd.s32 v1, v4;
	_ =	sdelay $0x1  }
0x18e: {  	v3 =	vperm.xlane v3, v2;
	_ =	sdelay $0x1  }
0x18f: {  	v3 =	vadd.s32 v1, v3  }
0x190: {  	[tilespmem:s29], [sflag:$0x1] =	stream.indirect_vreg.gather [hbm4b:s3+s2], $0x80, v4, vm0, $0xb8;
	[tilespmem:$0x18300] =	vst v63  }
0x191: {  	_ = 	snop  }
0x192: {  	[tilespmem:s30], [sflag:$0x1] =	stream.indirect_vreg.gather [hbm4b:s4+s2], $0x80, v4, vm1, $0xb8;
	[tilespmem:$0x18300] =	vst v63  }
0x193: {  	_ = 	snop  }
0x194: {  	[tilespmem:s31], [sflag:$0x1] =	stream.indirect_vreg.gather [hbm4b:s3+s2], $0x80, v3, vm0, $0xb8;
	[tilespmem:$0x18300] =	vst v63  }
0x195: {  	_ = 	snop  }
0x196: {  	[tilespmem:s1], [sflag:$0x1] =	stream.indirect_vreg.gather [hbm4b:s4+s2], $0x80, v3, vm1, $0xb8;
	[tilespmem:$0x18300] =	vst v63  }
0x197: {  	v3 =	vld [tilespmem:$0x2B0];
	_ =	sdelay $0x4  }
0x198: {  	v59 =	vshrl.u32 v3, $0x3  }
0x199: {  	v4 =	vmul.u32 $0x18, v59  }
0x19a: {  	v3 =	vand.u32 $0x7, v3  }
0x19b: {  	v3 =	vor.u32 v3, v4  }
0x19c: {  	v4 =	vperm.xlane v3, v0;
	_ =	sdelay $0x1  }
0x19d: {  	v4 =	vadd.s32 v1, v4;
	_ =	sdelay $0x1  }
0x19e: {  	v3 =	vperm.xlane v3, v2;
	_ =	sdelay $0x1  }
0x19f: {  	s19 =	simm.s32 $0x4B00;
	v3 =	vadd.s32 v1, v3  }
0x1a0: {  	[tilespmem:s19], [sflag:$0x1] =	stream.indirect_vreg.gather [hbm4b:s3+s2], $0x80, v4, vm0, $0xb8;
	[tilespmem:$0x18300] =	vst v63  }
0x1a1: {  	_ = 	snop  }
0x1a2: {  	[tilespmem:s8], [sflag:$0x1] =	stream.indirect_vreg.gather [hbm4b:s4+s2], $0x80, v4, vm1, $0xb8;
	[tilespmem:$0x18300] =	vst v63  }
0x1a3: {  	_ = 	snop  }
0x1a4: {  	[tilespmem:s9], [sflag:$0x1] =	stream.indirect_vreg.gather [hbm4b:s3+s2], $0x80, v3, vm0, $0xb8;
	[tilespmem:$0x18300] =	vst v63  }
0x1a5: {  	_ = 	snop  }
0x1a6: {  	[tilespmem:s10], [sflag:$0x1] =	stream.indirect_vreg.gather [hbm4b:s4+s2], $0x80, v3, vm1, $0xb8;
	[tilespmem:$0x18300] =	vst v63  }
0x1a7: {  	v3 =	vld [tilespmem:$0x2C0];
	_ =	sdelay $0x4  }
0x1a8: {  	v60 =	vshrl.u32 v3, $0x3  }
0x1a9: {  	v4 =	vmul.u32 $0x18, v60  }
0x1aa: {  	v3 =	vand.u32 $0x7, v3  }
0x1ab: {  	v3 =	vor.u32 v3, v4  }
0x1ac: {  	v4 =	vperm.xlane v3, v0;
	_ =	sdelay $0x1  }
0x1ad: {  	v4 =	vadd.s32 v1, v4;
	_ =	sdelay $0x1  }
0x1ae: {  	v3 =	vperm.xlane v3, v2;
	_ =	sdelay $0x1  }
0x1af: {  	v3 =	vadd.s32 v1, v3  }
0x1b0: {  	[tilespmem:s11], [sflag:$0x1] =	stream.indirect_vreg.gather [hbm4b:s3+s2], $0x80, v4, vm0, $0xb8;
	[tilespmem:$0x18300] =	vst v63  }
0x1b1: {  	_ = 	snop  }
0x1b2: {  	[tilespmem:s12], [sflag:$0x1] =	stream.indirect_vreg.gather [hbm4b:s4+s2], $0x80, v4, vm1, $0xb8;
	[tilespmem:$0x18300] =	vst v63  }
0x1b3: {  	_ = 	snop  }
0x1b4: {  	[tilespmem:s13], [sflag:$0x1] =	stream.indirect_vreg.gather [hbm4b:s3+s2], $0x80, v3, vm0, $0xb8;
	[tilespmem:$0x18300] =	vst v63  }
0x1b5: {  	_ = 	snop  }
0x1b6: {  	[tilespmem:s14], [sflag:$0x1] =	stream.indirect_vreg.gather [hbm4b:s4+s2], $0x80, v3, vm1, $0xb8;
	[tilespmem:$0x18300] =	vst v63  }
0x1b7: {  	v3 =	vld [tilespmem:$0x2D0];
	_ =	sdelay $0x4  }
0x1b8: {  	v61 =	vshrl.u32 v3, $0x3  }
0x1b9: {  	v4 =	vmul.u32 $0x18, v61  }
0x1ba: {  	v3 =	vand.u32 $0x7, v3  }
0x1bb: {  	v3 =	vor.u32 v3, v4  }
0x1bc: {  	v4 =	vperm.xlane v3, v0;
	_ =	sdelay $0x1  }
0x1bd: {  	v4 =	vadd.s32 v1, v4;
	_ =	sdelay $0x1  }
0x1be: {  	v3 =	vperm.xlane v3, v2;
	_ =	sdelay $0x1  }
0x1bf: {  	v3 =	vadd.s32 v1, v3  }
0x1c0: {  	[tilespmem:s17], [sflag:$0x1] =	stream.indirect_vreg.gather [hbm4b:s3+s2], $0x80, v4, vm0, $0xb8;
	[tilespmem:$0x18300] =	vst v63  }
0x1c1: {  	_ = 	snop  }
0x1c2: {  	[tilespmem:s18], [sflag:$0x1] =	stream.indirect_vreg.gather [hbm4b:s4+s2], $0x80, v4, vm1, $0xb8;
	[tilespmem:$0x18300] =	vst v63  }
0x1c3: {  	_ = 	snop  }
0x1c4: {  	[tilespmem:s7], [sflag:$0x1] =	stream.indirect_vreg.gather [hbm4b:s3+s2], $0x80, v3, vm0, $0xb8;
	[tilespmem:$0x18300] =	vst v63  }
0x1c5: {  	s19 =	simm.s32 $0x8F00  }
0x1c6: {  	[tilespmem:s19], [sflag:$0x1] =	stream.indirect_vreg.gather [hbm4b:s4+s2], $0x80, v3, vm1, $0xb8;
	[tilespmem:$0x18300] =	vst v63  }
0x1c7: {  	v3 =	vld [tilespmem:$0x2E0];
	_ =	sdelay $0x4  }
0x1c8: {  	v62 =	vshrl.u32 v3, $0x3  }
0x1c9: {  	v4 =	vmul.u32 $0x18, v62  }
0x1ca: {  	v3 =	vand.u32 $0x7, v3  }
0x1cb: {  	v3 =	vor.u32 v3, v4  }
0x1cc: {  	v4 =	vperm.xlane v3, v0;
	_ =	sdelay $0x1  }
0x1cd: {  	v4 =	vadd.s32 v1, v4;
	_ =	sdelay $0x1  }
0x1ce: {  	v3 =	vperm.xlane v3, v2;
	_ =	sdelay $0x1  }
0x1cf: {  	s19 =	simm.s32 $0x9300;
	v3 =	vadd.s32 v1, v3  }
0x1d0: {  	[tilespmem:s19], [sflag:$0x1] =	stream.indirect_vreg.gather [hbm4b:s3+s2], $0x80, v4, vm0, $0xb8;
	[tilespmem:$0x18300] =	vst v63  }
0x1d1: {  	s19 =	simm.s32 $0x9B00  }
0x1d2: {  	[tilespmem:s19], [sflag:$0x1] =	stream.indirect_vreg.gather [hbm4b:s4+s2], $0x80, v4, vm1, $0xb8;
	[tilespmem:$0x18300] =	vst v63  }
0x1d3: {  	s19 =	simm.s32 $0x9F00  }
0x1d4: {  	[tilespmem:s19], [sflag:$0x1] =	stream.indirect_vreg.gather [hbm4b:s3+s2], $0x80, v3, vm0, $0xb8;
	[tilespmem:$0x18300] =	vst v63  }
0x1d5: {  	s19 =	simm.s32 $0xA700  }
0x1d6: {  	[tilespmem:s19], [sflag:$0x1] =	stream.indirect_vreg.gather [hbm4b:s4+s2], $0x80, v3, vm1, $0xb8;
	[tilespmem:$0x18300] =	vst v63  }
0x1d7: {  	v3 =	vld [tilespmem:$0x2F0];
	_ =	sdelay $0x4  }
0x1d8: {  	v63 =	vshrl.u32 v3, $0x3  }
0x1d9: {  	v4 =	vmul.u32 $0x18, v63  }
0x1da: {  	v3 =	vand.u32 $0x7, v3  }
0x1db: {  	v3 =	vor.u32 v3, v4  }
0x1dc: {  	v4 =	vperm.xlane v3, v0;
	_ =	sdelay $0x1  }
0x1dd: {  	v4 =	vadd.s32 v1, v4;
	_ =	sdelay $0x1  }
0x1de: {  	v3 =	vperm.xlane v3, v2;
	_ =	sdelay $0x1  }
0x1df: {  	s19 =	simm.s32 $0xAB00;
	v3 =	vadd.s32 v1, v3  }
0x1e0: {  	[tilespmem:s19], [sflag:$0x1] =	stream.indirect_vreg.gather [hbm4b:s3+s2], $0x80, v4, vm0, $0xb8;
	[tilespmem:$0x18300] =	vst v63  }
0x1e1: {  	s19 =	simm.s32 $0xB300  }
0x1e2: {  	[tilespmem:s19], [sflag:$0x1] =	stream.indirect_vreg.gather [hbm4b:s4+s2], $0x80, v4, vm1, $0xb8;
	[tilespmem:$0x18300] =	vst v63  }
0x1e3: {  	s19 =	simm.s32 $0xB700  }
0x1e4: {  	[tilespmem:s19], [sflag:$0x1] =	stream.indirect_vreg.gather [hbm4b:s3+s2], $0x80, v3, vm0, $0xb8;
	[tilespmem:$0x18300] =	vst v63  }
0x1e5: {  	s1 =	simm.s32 $0x2;
	s19 =	simm.s32 $0xBF00  }
0x1e6: {  	[tilespmem:s19], [sflag:$0x1] =	stream.indirect_vreg.gather [hbm4b:s4+s2], $0x80, v3, vm1, $0xb8;
	[tilespmem:$0x18300] =	vst v63  }
0x1e7: {  	_ =	swait.ge [sflag:s1], $0xC000  }
0x1e8: {  	[sflag:s1] =	ssyncset.done $0x0  }
0x1e9: {  	s19 =	rddreg [dreg:$0x6];
	[sflag:s1] =	ssyncadd.s32 $0xFFFF4000  }
0x1ea: {  	[hbm4b:s19+s2] =	stream.linear.scatter [tilespmem:s0], [sflag:$0x4], $0xC000, $0x38;
	[tilespmem:$0x18300] =	vst v63  }
0x1eb: {  	_ =	swait.ge [sflag:s20], $0xC000  }
0x1ec: {  	[sflag:s20] =	ssyncset.done $0x0  }
0x1ed: {  	s1 =	rddreg [dreg:$0x7];
	[sflag:s20] =	ssyncadd.s32 $0xFFFF4000  }
0x1ee: {  	[hbm4b:s1+s2] =	stream.linear.scatter [tilespmem:s15], [sflag:$0x3], $0xC000, $0x38;
	[tilespmem:$0x18300] =	vst v63  }
0x1ef: {  	p0 =	sne.s32 s5, $0x1;
	_ =	swait.ge [sflag:s16], $0xC000  }
.Ltmp0:
0x1f0: {  	[sflag:s16] =	ssyncset.done $0x0;
	(pc) =	sbr.rel @p0 .LBB2_1-.Ltmp0, $4  }
0x1f1: {  	s20 =	simm.s32 $0x4;
	[sflag:s16] =	ssyncadd.s32 $0xFFFF4000  }
0x1f2: {  	_ =	swait.ge [sflag:s20], $0xC000  }
0x1f3: {  	[sflag:s20] =	ssyncset.done $0x0  }
0x1f4: {  	s5 =	sadd.s32 $0xFFFFFFFF, s5;
	[sflag:s20] =	ssyncadd.s32 $0xFFFF4000  }
0x1f5: {  	_ =	sfence.sel $0x180000  }
0x1f6: {  	[bflag:$0x0] =	sbarrier.arrive $0xFFFF  }
0x1f7: {  	_ =	strace $0x9000004A  }
0x1f8: {  	s0 =	stileid.u32;
	[bflag:$0x2] =	sbarrier.arrive $0xFFFF  }
0x1f9: {  	p0 =	sne.s32 s0, $0x0;
	s0 =	rddreg [dreg:$0x1]  }
0x1fa: {  	s0 =	sadd.s32 @!p0 $0x100000, s0  }
0x1fb: {  	[sflag:s0] =	ssyncadd.tile.s32 @!p0 $0x1;
	_ =	shalt  }
.Lfunc_end2:
_tile_overlayer_lowered:
.L_overlay_start_2:
0x1fc: {  	(tag) =	ssettag $0x2  }
0x1fd: {  	s0 =	rddreg [dreg:$0x0];
	s2 =	stileid.u32  }
0x1fe: {  	s1 =	rddreg [dreg:$0x1];
	p0 =	sne.s32 s2, $0x0  }
0x1ff: {  	s3 =	rddreg [dreg:$0x2];
	[bflag:$0x3] =	sbarrier.arrive $0xFFFF;
	s2 =	simm.s32 @!p0 $0x1C05  }
0x200: {  	[timem:s3], [sflag:s2] =	dma.local @!p0 [hbm:s0], s1  }
0x201: {  	s0 =	simm.s32 @!p0 $0x5  }
0x202: {  	_ =	swait.ge @!p0 [sflag:s0], s1  }
0x203: {  	s1 =	ssub.s32 @!p0 $0x0, s1;
	[sflag:s0] =	ssyncset.done @!p0 $0x0  }
0x204: {  	[sflag:s0] =	ssyncadd.s32 @!p0 s1  }
0x205: {  	[bflag:$0x3] =	sbarrier.arrive $0xFFFF  }
0x206: {  	_ =	shalt  }

</sc_bundles>
